<compile_context>
chip_gen: v7x
topology: tpu7x:2x2x1
jax: 0.10.2.dev20260603
libtpu: 0.0.44.dev20260713+nightly
codegen_flags: <defaults>
</compile_context>

<pallas_src>
import functools

import jax
import jax.numpy as jnp
from jax import lax
from jax.experimental import pallas as pl
from jax.experimental.pallas import tpu as pltpu
from jax.experimental.pallas import tpu_sc as plsc

N = 10000
E = 320000
HD = 128
B = 16
LL = 128
A = 64

NC = 2
NS = 16
NW = NC * NS
GSZ = 128
EW = E // NW
NFG = EW // GSZ
TGS = EW - NFG * GSZ
NROWS = 10112
ZROWS = NROWS // NS
OROWS = 624
TAIL = N - NS * OROWS

_HIGH = jax.lax.Precision.DEFAULT


def _dot(a, b, dims):
    return lax.dot_general(a, b, (dims, ((), ())), precision=_HIGH,
                           preferred_element_type=jnp.float32)


NBUF = 3


def _sc_agg_body(x_hbm, src_hbm, dst_hbm, p0_hbm, p1_hbm,
                 agg, sidx, didx, tidx_s, tidx_d, rows,
                 gsem, ssem, isem_s, isem_d):
    c = lax.axis_index("c")
    s = lax.axis_index("s")
    w = c * NS + s
    base = w * EW

    z16 = jnp.zeros((16,), jnp.float32)

    def zrow(r, carry):
        for col in range(0, HD, 16):
            rows[0][r, pl.ds(col, 16)] = z16
        return carry

    lax.fori_loop(0, GSZ, zrow, 0)
    nfull = ZROWS // GSZ
    for i in range(nfull):
        pltpu.sync_copy(rows[0], agg.at[pl.ds(s * ZROWS + i * GSZ, GSZ)])
    rem = ZROWS - nfull * GSZ
    if rem:
        pltpu.sync_copy(rows[0].at[pl.ds(0, rem)],
                        agg.at[pl.ds(s * ZROWS + nfull * GSZ, rem)])

    def start_sidx(g, k):
        pltpu.make_async_copy(src_hbm.at[pl.ds(base + g * GSZ, GSZ)],
                              sidx[k], isem_s[k]).start()

    def start_didx(g, k):
        pltpu.make_async_copy(dst_hbm.at[pl.ds(base + g * GSZ, GSZ)],
                              didx[k], isem_d[k]).start()

    def wait_sidx(k):
        pltpu.make_async_copy(src_hbm.at[pl.ds(0, GSZ)], sidx[k],
                              isem_s[k]).wait()

    def wait_didx(k):
        pltpu.make_async_copy(dst_hbm.at[pl.ds(0, GSZ)], didx[k],
                              isem_d[k]).wait()

    def start_gather(k):
        pltpu.make_async_copy(x_hbm.at[sidx[k]], rows[k], gsem[k]).start()

    def wait_gather(k):
        pltpu.make_async_copy(x_hbm.at[pl.ds(0, GSZ)], rows[k], gsem[k]).wait()

    def do_scatter(k):
        pltpu.sync_copy(rows[k], agg.at[didx[k]], add=True)

    for k in range(NBUF):
        start_sidx(k, k)
    for k in range(NBUF - 1):
        start_didx(k, k)
    for k in range(NBUF - 1):
        wait_sidx(k)
        start_gather(k)

    plsc.subcore_barrier()

    def tri(j, carry):
        for k in range(NBUF):
            g = NBUF * j + k
            kn = (k + 2) % NBUF
            wait_gather(k)
            wait_didx(k)
            do_scatter(k)

            @pl.when(g + NBUF < NFG)
            def _(g=g, k=k):
                start_sidx(g + NBUF, k)

            @pl.when(g + 2 < NFG)
            def _(g=g, kn=kn):
                start_didx(g + 2, kn)
                wait_sidx(kn)
                start_gather(kn)
        return carry

    lax.fori_loop(0, NFG // NBUF, tri, 0)

    pltpu.sync_copy(src_hbm.at[pl.ds(base + NFG * GSZ, TGS)], tidx_s)
    pltpu.sync_copy(dst_hbm.at[pl.ds(base + NFG * GSZ, TGS)], tidx_d)
    pltpu.async_copy(x_hbm.at[tidx_s], rows[0].at[pl.ds(0, TGS)],
                     gsem[0]).wait()
    pltpu.sync_copy(rows[0].at[pl.ds(0, TGS)], agg.at[tidx_d], add=True)
    plsc.subcore_barrier()

    @pl.when(c == 0)
    def _():
        pltpu.sync_copy(agg.at[pl.ds(s * OROWS, OROWS)],
                        p0_hbm.at[pl.ds(s * OROWS, OROWS)])

        @pl.when(s == 0)
        def _():
            pltpu.sync_copy(agg.at[pl.ds(NS * OROWS, TAIL)],
                            p0_hbm.at[pl.ds(NS * OROWS, TAIL)])

    @pl.when(c == 1)
    def _():
        pltpu.sync_copy(agg.at[pl.ds(s * OROWS, OROWS)],
                        p1_hbm.at[pl.ds(s * OROWS, OROWS)])

        @pl.when(s == 0)
        def _():
            pltpu.sync_copy(agg.at[pl.ds(NS * OROWS, TAIL)],
                            p1_hbm.at[pl.ds(NS * OROWS, TAIL)])


_sc_agg = pl.kernel(
    _sc_agg_body,
    out_type=(jax.ShapeDtypeStruct((N, HD), jnp.float32),
              jax.ShapeDtypeStruct((N, HD), jnp.float32)),
    mesh=plsc.VectorSubcoreMesh(core_axis_name="c", subcore_axis_name="s",
                                num_cores=NC, num_subcores=NS),
    scratch_types=[
        pltpu.VMEM_SHARED((NROWS, HD), jnp.float32),
        [pltpu.VMEM((GSZ,), jnp.int32)] * NBUF,
        [pltpu.VMEM((GSZ,), jnp.int32)] * NBUF,
        pltpu.VMEM((TGS,), jnp.int32),
        pltpu.VMEM((TGS,), jnp.int32),
        [pltpu.VMEM((GSZ, HD), jnp.float32)] * NBUF,
        [pltpu.SemaphoreType.DMA] * NBUF,
        [pltpu.SemaphoreType.DMA] * NBUF,
        [pltpu.SemaphoreType.DMA] * NBUF,
        [pltpu.SemaphoreType.DMA] * NBUF,
    ],
)


def _mlp_block(h, w1_ref, b1_ref, w2_ref, b2_ref):
    t = jnp.maximum(_dot(h, w1_ref[...], (((1,), (0,)))) + b1_ref[...], 0.0)
    return jnp.maximum(_dot(t, w2_ref[...], (((1,), (0,)))) + b2_ref[...], 0.0)


def _tc_mlp_body(x_ref, p0_ref, p1_ref, w1_ref, b1_ref, w2_ref, b2_ref, o_ref):
    h = x_ref[...] + p0_ref[...] + p1_ref[...]
    o_ref[...] = _mlp_block(h, w1_ref, b1_ref, w2_ref, b2_ref)


def _tc_head_body(h_ref, q0_ref, q1_ref, w1_ref, b1_ref, w2_ref, b2_ref,
                  batch_ref, hp_ref, cp_ref, wih_ref, whh_ref, bih_ref,
                  wf_ref, bf_ref, probs_ref, hn_ref, cn_ref,
                  pooled_acc, cnt_acc, BN):
    i = pl.program_id(0)

    @pl.when(i == 0)
    def _():
        pooled_acc[...] = jnp.zeros_like(pooled_acc)
        cnt_acc[...] = jnp.zeros_like(cnt_acc)

    h = h_ref[...] + q0_ref[...] + q1_ref[...]
    h2 = _mlp_block(h, w1_ref, b1_ref, w2_ref, b2_ref)

    mask = (batch_ref[0] == lax.broadcasted_iota(jnp.int32, (B, BN), 0))
    mask = mask.astype(jnp.float32)
    pooled_acc[...] += _dot(mask, h2, (((1,), (0,))))
    cnt_acc[...] += _dot(mask, jnp.ones((BN, HD), jnp.float32), (((1,), (0,))))

    @pl.when(i == pl.num_programs(0) - 1)
    def _():
        pooled = pooled_acc[...] / jnp.maximum(cnt_acc[...], 1.0)
        gates = (_dot(pooled, wih_ref[...], (((1,), (0,))))
                 + _dot(hp_ref[...], whh_ref[...], (((1,), (0,))))
                 + bih_ref[...])
        i_g = jax.nn.sigmoid(gates[:, 0 * LL:1 * LL])
        f_g = jax.nn.sigmoid(gates[:, 1 * LL:2 * LL])
        g_g = jnp.tanh(gates[:, 2 * LL:3 * LL])
        o_g = jax.nn.sigmoid(gates[:, 3 * LL:4 * LL])
        c_new = f_g * cp_ref[...] + i_g * g_g
        h_new = o_g * jnp.tanh(c_new)
        logits = _dot(h_new, wf_ref[...], (((1, ), (0,)))) + bf_ref[...]
        m = jnp.max(logits, axis=1, keepdims=True)
        e = jnp.exp(logits - m)
        probs_ref[...] = e / jnp.sum(e, axis=1, keepdims=True)
        hn_ref[...] = h_new
        cn_ref[...] = c_new


def _tc_mlp(x, p0, p1, w1, b1, w2, b2, nblk, bn):
    row = lambda i: (i, 0)
    full = lambda i: (0, 0)
    return pl.pallas_call(
        _tc_mlp_body,
        grid=(nblk,),
        in_specs=[pl.BlockSpec((bn, HD), row)] * 3 + [
            pl.BlockSpec((HD, HD), full), pl.BlockSpec((1, HD), full),
            pl.BlockSpec((HD, HD), full), pl.BlockSpec((1, HD), full),
        ],
        out_specs=pl.BlockSpec((bn, HD), row),
        out_shape=jax.ShapeDtypeStruct((N, HD), jnp.float32),
    )(x, p0, p1, w1, b1, w2, b2)


def _tc_head(h1, q0, q1, w1, b1, w2, b2, batch3d, hp, cp, wihT, whhT, bihs,
             wf, bf, nblk, bn):
    row = lambda i: (i, 0)
    full = lambda i: (0, 0)
    return pl.pallas_call(
        functools.partial(_tc_head_body, BN=bn),
        grid=(nblk,),
        in_specs=[pl.BlockSpec((bn, HD), row)] * 3 + [
            pl.BlockSpec((HD, HD), full), pl.BlockSpec((1, HD), full),
            pl.BlockSpec((HD, HD), full), pl.BlockSpec((1, HD), full),
            pl.BlockSpec((1, 1, bn), lambda i: (i, 0, 0)),
            pl.BlockSpec((B, LL), full), pl.BlockSpec((B, LL), full),
            pl.BlockSpec((HD, 4 * LL), full), pl.BlockSpec((LL, 4 * LL), full),
            pl.BlockSpec((1, 4 * LL), full),
            pl.BlockSpec((LL, A), full), pl.BlockSpec((1, A), full),
        ],
        out_specs=[pl.BlockSpec((B, A), full), pl.BlockSpec((B, LL), full),
                   pl.BlockSpec((B, LL), full)],
        out_shape=[jax.ShapeDtypeStruct((B, A), jnp.float32),
                   jax.ShapeDtypeStruct((B, LL), jnp.float32),
                   jax.ShapeDtypeStruct((B, LL), jnp.float32)],
        scratch_shapes=[pltpu.VMEM((B, HD), jnp.float32),
                        pltpu.VMEM((B, HD), jnp.float32)],
    )(h1, q0, q1, w1, b1, w2, b2, batch3d, hp, cp, wihT, whhT, bihs, wf, bf)


def kernel(x, edge_index, batch, h0, c0,
           W1a, b1a, W2a, b2a, W1b, b1b, W2b, b2b,
           W_ih, W_hh, b_ih, b_hh, Wf, bf):
    src_p = edge_index[0]
    dst_p = edge_index[1]

    nblk, bn = 5, 2000
    batch3d = batch.reshape(nblk, 1, bn)
    b1as, b2as = b1a.reshape(1, HD), b2a.reshape(1, HD)
    b1bs, b2bs = b1b.reshape(1, HD), b2b.reshape(1, HD)
    bihs = (b_ih + b_hh).reshape(1, 4 * LL)
    bfs = bf.reshape(1, A)

    p0, p1 = _sc_agg(x, src_p, dst_p)
    h1 = _tc_mlp(x, p0, p1, W1a, b1as, W2a, b2as, nblk, bn)

    q0, q1 = _sc_agg(h1, src_p, dst_p)
    probs, h_new, c_new = _tc_head(h1, q0, q1, W1b, b1bs, W2b, b2bs,
                                   batch3d, h0[0], c0[0], W_ih.T, W_hh.T,
                                   bihs, Wf, bfs, nblk, bn)
    return probs, h_new[None], c_new[None]

# --- scband reference (transcript-rebuilt; emitter-appended) ---
"""Pipeline reference for scband-gnnpolicy-network-with-memory-18614388260923 (READ-ONLY COPY).

The authoritative reference and input builder live on the scoring server;
editing this copy changes nothing except your own understanding.
"""

import jax, jax.numpy as jnp
import numpy as np

N = 10000
E = 320000
D = 128   # input_dim
H = 128   # hidden_dim
L = 128   # lstm_hidden_dim
A = 64    # output_dim
B = 16    # number of graphs in batch


def setup_inputs(seed: int = 0) -> dict:
    key = jax.random.key(seed)
    ks = jax.random.split(key, 24)
    x = jax.random.normal(ks[0], (N, D), dtype=jnp.float32)
    edge_index = jax.random.randint(ks[1], (2, E), 0, N, dtype=jnp.int32)
    batch = jnp.sort(jax.random.randint(ks[2], (N,), 0, B, dtype=jnp.int32))
    h0 = jax.random.normal(ks[3], (1, B, L), dtype=jnp.float32)
    c0 = jax.random.normal(ks[4], (1, B, L), dtype=jnp.float32)
    s = 0.05
    params = {
        'W1a': jax.random.normal(ks[5], (D, H), dtype=jnp.float32) * s,
        'b1a': jnp.zeros((H,), dtype=jnp.float32),
        'W2a': jax.random.normal(ks[6], (H, H), dtype=jnp.float32) * s,
        'b2a': jnp.zeros((H,), dtype=jnp.float32),
        'W1b': jax.random.normal(ks[7], (H, H), dtype=jnp.float32) * s,
        'b1b': jnp.zeros((H,), dtype=jnp.float32),
        'W2b': jax.random.normal(ks[8], (H, H), dtype=jnp.float32) * s,
        'b2b': jnp.zeros((H,), dtype=jnp.float32),
        'W_ih': jax.random.normal(ks[9], (4 * L, H), dtype=jnp.float32) * s,
        'W_hh': jax.random.normal(ks[10], (4 * L, L), dtype=jnp.float32) * s,
        'b_ih': jnp.zeros((4 * L,), dtype=jnp.float32),
        'b_hh': jnp.zeros((4 * L,), dtype=jnp.float32),
        'Wf': jax.random.normal(ks[11], (L, A), dtype=jnp.float32) * s,
        'bf': jnp.zeros((A,), dtype=jnp.float32),
    }
    out = {'x': x, 'edge_index': edge_index, 'batch': batch, 'h0': h0, 'c0': c0}
    out.update(params)
    return out


def _gin_conv(x, src, dst, W1, b1, W2, b2):
    # GINConv with eps=0: MLP(x + sum_{j in N(i)} x_j)
    agg = jnp.zeros_like(x).at[dst].add(x[src])
    h = x + agg
    h = jnp.maximum(h @ W1 + b1, 0.0)
    h = h @ W2 + b2
    return h


def reference(x, edge_index, batch, h0, c0,
              W1a, b1a, W2a, b2a, W1b, b1b, W2b, b2b,
              W_ih, W_hh, b_ih, b_hh, Wf, bf):
    src = edge_index[0]
    dst = edge_index[1]
    # GIN layer 1 + relu (dropout = identity in eval)
    h = jnp.maximum(_gin_conv(x, src, dst, W1a, b1a, W2a, b2a), 0.0)
    # GIN layer 2 + relu
    h = jnp.maximum(_gin_conv(h, src, dst, W1b, b1b, W2b, b2b), 0.0)
    # global mean pool over graphs
    summed = jax.ops.segment_sum(h, batch, num_segments=B)
    counts = jax.ops.segment_sum(jnp.ones((h.shape[0], 1), dtype=h.dtype), batch, num_segments=B)
    pooled = summed / jnp.maximum(counts, 1.0)  # [B, H]
    # single-step LSTM (seq_len = 1), PyTorch gate order i, f, g, o
    hp = h0[0]
    cp = c0[0]
    gates = pooled @ W_ih.T + b_ih + hp @ W_hh.T + b_hh  # [B, 4L]
    i_g, f_g, g_g, o_g = jnp.split(gates, 4, axis=1)
    i_g = jax.nn.sigmoid(i_g)
    f_g = jax.nn.sigmoid(f_g)
    g_g = jnp.tanh(g_g)
    o_g = jax.nn.sigmoid(o_g)
    c_new = f_g * cp + i_g * g_g
    h_new = o_g * jnp.tanh(c_new)
    logits = h_new @ Wf + bf
    action_probs = jax.nn.softmax(logits, axis=1)
    return (action_probs, h_new[None], c_new[None])

if __name__ == "__main__":
    import jax
    _d = setup_inputs()
    print(jax.jit(kernel)(*tuple(_d.values())))

</pallas_src>

<mosaic_0001>
#map = affine_map<(d0, d1) -> (0, 0)>
#map1 = affine_map<(d0, d1) -> (0)>
module attributes {stable_mosaic.version = 14 : i64} {
  func.func @_sc_agg_body(%arg0: i32, %arg1: i32, %arg2: memref<10000x128xf32, #tpu.memory_space<hbm>>, %arg3: memref<320000xi32, #tpu.memory_space<hbm>>, %arg4: memref<320000xi32, #tpu.memory_space<hbm>>, %arg5: memref<10000x128xf32, #tpu.memory_space<hbm>>, %arg6: memref<10000x128xf32, #tpu.memory_space<hbm>>, %arg7: memref<10112x128xf32, #tpu.memory_space<vmem_shared>>, %arg8: memref<128xi32, #tpu.memory_space<vmem>>, %arg9: memref<128xi32, #tpu.memory_space<vmem>>, %arg10: memref<128xi32, #tpu.memory_space<vmem>>, %arg11: memref<128xi32, #tpu.memory_space<vmem>>, %arg12: memref<128xi32, #tpu.memory_space<vmem>>, %arg13: memref<128xi32, #tpu.memory_space<vmem>>, %arg14: memref<16xi32, #tpu.memory_space<vmem>>, %arg15: memref<16xi32, #tpu.memory_space<vmem>>, %arg16: memref<128x128xf32, #tpu.memory_space<vmem>>, %arg17: memref<128x128xf32, #tpu.memory_space<vmem>>, %arg18: memref<128x128xf32, #tpu.memory_space<vmem>>, %arg19: memref<!tpu.dma_semaphore, #tpu.memory_space<semaphore_mem>>, %arg20: memref<!tpu.dma_semaphore, #tpu.memory_space<semaphore_mem>>, %arg21: memref<!tpu.dma_semaphore, #tpu.memory_space<semaphore_mem>>, %arg22: memref<!tpu.dma_semaphore, #tpu.memory_space<semaphore_mem>>, %arg23: memref<!tpu.dma_semaphore, #tpu.memory_space<semaphore_mem>>, %arg24: memref<!tpu.dma_semaphore, #tpu.memory_space<semaphore_mem>>, %arg25: memref<!tpu.dma_semaphore, #tpu.memory_space<semaphore_mem>>, %arg26: memref<!tpu.dma_semaphore, #tpu.memory_space<semaphore_mem>>, %arg27: memref<!tpu.dma_semaphore, #tpu.memory_space<semaphore_mem>>, %arg28: memref<!tpu.dma_semaphore, #tpu.memory_space<semaphore_mem>>, %arg29: memref<!tpu.dma_semaphore, #tpu.memory_space<semaphore_mem>>, %arg30: memref<!tpu.dma_semaphore, #tpu.memory_space<semaphore_mem>>) attributes {dimension_semantics = [#tpu.dimension_semantics<core_parallel>, #tpu.dimension_semantics<subcore_parallel>], iteration_bounds = array<i64: 2, 16>, scalar_prefetch = 0 : i64, scratch_operands = 24 : i64, tpu.core_type = #tpu.core_type<sc_vector_subcore>, window_params = [{transform_indices = #map}, {transform_indices = #map1}, {transform_indices = #map1}, {transform_indices = #map}, {transform_indices = #map}]} {
    %mul3A = arith.constant 16 : i32
    %mul3A_0 = arith.muli %arg0, %mul3A : i32
    %add3A = arith.addi %mul3A_0, %arg1 : i32
    %mul3A_1 = arith.constant 10000 : i32
    %mul3A_2 = arith.muli %add3A, %mul3A_1 : i32
    %broadcast_in_dim3A = arith.constant 0.000000e+00 : f32
    %broadcast_in_dim3A_3 = vector.broadcast %broadcast_in_dim3A : f32 to vector<16xf32>
    %scan3A = arith.constant 0 : i32
    %scan3A_4 = arith.constant 0 : i32
    %scan3A_5 = arith.constant 128 : i32
    %scan3A_6 = arith.addi %scan3A_4, %scan3A_5 : i32
    %scan3A_7 = arith.constant 1 : i32
    scf.for %scan3A_91 = %scan3A_4 to %scan3A_6 step %scan3A_7  : i32 {
      %swap3A = arith.index_cast %scan3A_91 : i32 to index
      %swap3A_92 = arith.constant 0 : index
      %swap3A_93 = tpu.vector_load %arg16[%swap3A, %swap3A_92] {strides = array<i32>} : memref<128x128xf32, #tpu.memory_space<vmem>>, vector<1x16xf32>,
      %swap3A_94 = vector.shape_cast %swap3A_93 : vector<1x16xf32> to vector<16xf32>
      %swap3A_95 = vector.shape_cast %broadcast_in_dim3A_3 : vector<16xf32> to vector<1x16xf32>
      tpu.vector_store %arg16[%swap3A, %swap3A_92], %swap3A_95 {strides = array<i32>} : memref<128x128xf32, #tpu.memory_space<vmem>>, vector<1x16xf32>,
      %swap3A_96 = arith.index_cast %scan3A_91 : i32 to index
      %swap3A_97 = arith.constant 16 : index
      %swap3A_98 = tpu.vector_load %arg16[%swap3A_96, %swap3A_97] {strides = array<i32>} : memref<128x128xf32, #tpu.memory_space<vmem>>, vector<1x16xf32>,
      %swap3A_99 = vector.shape_cast %swap3A_98 : vector<1x16xf32> to vector<16xf32>
      %swap3A_100 = vector.shape_cast %broadcast_in_dim3A_3 : vector<16xf32> to vector<1x16xf32>
      tpu.vector_store %arg16[%swap3A_96, %swap3A_97], %swap3A_100 {strides = array<i32>} : memref<128x128xf32, #tpu.memory_space<vmem>>, vector<1x16xf32>,
      %swap3A_101 = arith.index_cast %scan3A_91 : i32 to index
      %swap3A_102 = arith.constant 32 : index
      %swap3A_103 = tpu.vector_load %arg16[%swap3A_101, %swap3A_102] {strides = array<i32>} : memref<128x128xf32, #tpu.memory_space<vmem>>, vector<1x16xf32>,
      %swap3A_104 = vector.shape_cast %swap3A_103 : vector<1x16xf32> to vector<16xf32>
      %swap3A_105 = vector.shape_cast %broadcast_in_dim3A_3 : vector<16xf32> to vector<1x16xf32>
      tpu.vector_store %arg16[%swap3A_101, %swap3A_102], %swap3A_105 {strides = array<i32>} : memref<128x128xf32, #tpu.memory_space<vmem>>, vector<1x16xf32>,
      %swap3A_106 = arith.index_cast %scan3A_91 : i32 to index
      %swap3A_107 = arith.constant 48 : index
      %swap3A_108 = tpu.vector_load %arg16[%swap3A_106, %swap3A_107] {strides = array<i32>} : memref<128x128xf32, #tpu.memory_space<vmem>>, vector<1x16xf32>,
      %swap3A_109 = vector.shape_cast %swap3A_108 : vector<1x16xf32> to vector<16xf32>
      %swap3A_110 = vector.shape_cast %broadcast_in_dim3A_3 : vector<16xf32> to vector<1x16xf32>
      tpu.vector_store %arg16[%swap3A_106, %swap3A_107], %swap3A_110 {strides = array<i32>} : memref<128x128xf32, #tpu.memory_space<vmem>>, vector<1x16xf32>,
      %swap3A_111 = arith.index_cast %scan3A_91 : i32 to index
      %swap3A_112 = arith.constant 64 : index
      %swap3A_113 = tpu.vector_load %arg16[%swap3A_111, %swap3A_112] {strides = array<i32>} : memref<128x128xf32, #tpu.memory_space<vmem>>, vector<1x16xf32>,
      %swap3A_114 = vector.shape_cast %swap3A_113 : vector<1x16xf32> to vector<16xf32>
      %swap3A_115 = vector.shape_cast %broadcast_in_dim3A_3 : vector<16xf32> to vector<1x16xf32>
      tpu.vector_store %arg16[%swap3A_111, %swap3A_112], %swap3A_115 {strides = array<i32>} : memref<128x128xf32, #tpu.memory_space<vmem>>, vector<1x16xf32>,
      %swap3A_116 = arith.index_cast %scan3A_91 : i32 to index
      %swap3A_117 = arith.constant 80 : index
      %swap3A_118 = tpu.vector_load %arg16[%swap3A_116, %swap3A_117] {strides = array<i32>} : memref<128x128xf32, #tpu.memory_space<vmem>>, vector<1x16xf32>,
      %swap3A_119 = vector.shape_cast %swap3A_118 : vector<1x16xf32> to vector<16xf32>
      %swap3A_120 = vector.shape_cast %broadcast_in_dim3A_3 : vector<16xf32> to vector<1x16xf32>
      tpu.vector_store %arg16[%swap3A_116, %swap3A_117], %swap3A_120 {strides = array<i32>} : memref<128x128xf32, #tpu.memory_space<vmem>>, vector<1x16xf32>,
      %swap3A_121 = arith.index_cast %scan3A_91 : i32 to index
      %swap3A_122 = arith.constant 96 : index
      %swap3A_123 = tpu.vector_load %arg16[%swap3A_121, %swap3A_122] {strides = array<i32>} : memref<128x128xf32, #tpu.memory_space<vmem>>, vector<1x16xf32>,
      %swap3A_124 = vector.shape_cast %swap3A_123 : vector<1x16xf32> to vector<16xf32>
      %swap3A_125 = vector.shape_cast %broadcast_in_dim3A_3 : vector<16xf32> to vector<1x16xf32>
      tpu.vector_store %arg16[%swap3A_121, %swap3A_122], %swap3A_125 {strides = array<i32>} : memref<128x128xf32, #tpu.memory_space<vmem>>, vector<1x16xf32>,
      %swap3A_126 = arith.index_cast %scan3A_91 : i32 to index
      %swap3A_127 = arith.constant 112 : index
      %swap3A_128 = tpu.vector_load %arg16[%swap3A_126, %swap3A_127] {strides = array<i32>} : memref<128x128xf32, #tpu.memory_space<vmem>>, vector<1x16xf32>,
      %swap3A_129 = vector.shape_cast %swap3A_128 : vector<1x16xf32> to vector<16xf32>
      %swap3A_130 = vector.shape_cast %broadcast_in_dim3A_3 : vector<16xf32> to vector<1x16xf32>
      tpu.vector_store %arg16[%swap3A_126, %swap3A_127], %swap3A_130 {strides = array<i32>} : memref<128x128xf32, #tpu.memory_space<vmem>>, vector<1x16xf32>,
    }
    %scan3A_8 = arith.constant 128 : i32
    %mul3A_9 = arith.constant 632 : i32
    %mul3A_10 = arith.muli %arg1, %mul3A_9 : i32
    %add3A_11 = arith.constant 0 : i32
    %add3A_12 = arith.addi %mul3A_10, %add3A_11 : i32
    "tpu.region"() ({
      %run_scoped3A = tpu.sem_alloc : memref<!tpu.dma_semaphore, #tpu.memory_space<semaphore_mem>>
      %dma_start3A_91 = arith.constant 0 : i32
      %dma_start3A_92 = tpu.memref_slice %arg7[%add3A_12, %dma_start3A_91] : memref<10112x128xf32, #tpu.memory_space<vmem_shared>> -> memref<128x128xf32, #tpu.memory_space<vmem_shared>>
      %dma_start3A_93 = arith.constant 0 : i32
      %dma_start3A_94 = tpu.memref_slice %arg7[%add3A_12, %dma_start3A_93] : memref<10112x128xf32, #tpu.memory_space<vmem_shared>> -> memref<128x128xf32, #tpu.memory_space<vmem_shared>>
      tpu.enqueue_dma source(%arg16 : memref<128x128xf32, #tpu.memory_space<vmem>>) target(%dma_start3A_94 : memref<128x128xf32, #tpu.memory_space<vmem_shared>>) target_semaphore(%run_scoped3A : memref<!tpu.dma_semaphore, #tpu.memory_space<semaphore_mem>>)
      %dma_wait3A_95 = arith.constant 0 : i32
      %dma_wait3A_96 = tpu.memref_slice %arg7[%add3A_12, %dma_wait3A_95] : memref<10112x128xf32, #tpu.memory_space<vmem_shared>> -> memref<128x128xf32, #tpu.memory_space<vmem_shared>>
      %dma_wait3A_97 = arith.constant 0 : i32
      %dma_wait3A_98 = tpu.memref_slice %arg7[%add3A_12, %dma_wait3A_97] : memref<10112x128xf32, #tpu.memory_space<vmem_shared>> -> memref<128x128xf32, #tpu.memory_space<vmem_shared>>
      tpu.wait_dma2 semaphore(%run_scoped3A : memref<!tpu.dma_semaphore, #tpu.memory_space<semaphore_mem>>) src(%arg16 : memref<128x128xf32, #tpu.memory_space<vmem>>) dst(%dma_wait3A_98 : memref<128x128xf32, #tpu.memory_space<vmem_shared>>)
      tpu.yield
    }) : () -> ()
    %mul3A_13 = arith.constant 632 : i32
    %mul3A_14 = arith.muli %arg1, %mul3A_13 : i32
    %add3A_15 = arith.constant 128 : i32
    %add3A_16 = arith.addi %mul3A_14, %add3A_15 : i32
    "tpu.region"() ({
      %run_scoped3A = tpu.sem_alloc : memref<!tpu.dma_semaphore, #tpu.memory_space<semaphore_mem>>
      %dma_start3A_91 = arith.constant 0 : i32
      %dma_start3A_92 = tpu.memref_slice %arg7[%add3A_16, %dma_start3A_91] : memref<10112x128xf32, #tpu.memory_space<vmem_shared>> -> memref<128x128xf32, #tpu.memory_space<vmem_shared>>
      %dma_start3A_93 = arith.constant 0 : i32
      %dma_start3A_94 = tpu.memref_slice %arg7[%add3A_16, %dma_start3A_93] : memref<10112x128xf32, #tpu.memory_space<vmem_shared>> -> memref<128x128xf32, #tpu.memory_space<vmem_shared>>
      tpu.enqueue_dma source(%arg16 : memref<128x128xf32, #tpu.memory_space<vmem>>) target(%dma_start3A_94 : memref<128x128xf32, #tpu.memory_space<vmem_shared>>) target_semaphore(%run_scoped3A : memref<!tpu.dma_semaphore, #tpu.memory_space<semaphore_mem>>)
      %dma_wait3A_95 = arith.constant 0 : i32
      %dma_wait3A_96 = tpu.memref_slice %arg7[%add3A_16, %dma_wait3A_95] : memref<10112x128xf32, #tpu.memory_space<vmem_shared>> -> memref<128x128xf32, #tpu.memory_space<vmem_shared>>
      %dma_wait3A_97 = arith.constant 0 : i32
      %dma_wait3A_98 = tpu.memref_slice %arg7[%add3A_16, %dma_wait3A_97] : memref<10112x128xf32, #tpu.memory_space<vmem_shared>> -> memref<128x128xf32, #tpu.memory_space<vmem_shared>>
      tpu.wait_dma2 semaphore(%run_scoped3A : memref<!tpu.dma_semaphore, #tpu.memory_space<semaphore_mem>>) src(%arg16 : memref<128x128xf32, #tpu.memory_space<vmem>>) dst(%dma_wait3A_98 : memref<128x128xf32, #tpu.memory_space<vmem_shared>>)
      tpu.yield
    }) : () -> ()
    %mul3A_17 = arith.constant 632 : i32
    %mul3A_18 = arith.muli %arg1, %mul3A_17 : i32
    %add3A_19 = arith.constant 256 : i32
    %add3A_20 = arith.addi %mul3A_18, %add3A_19 : i32
    "tpu.region"() ({
      %run_scoped3A = tpu.sem_alloc : memref<!tpu.dma_semaphore, #tpu.memory_space<semaphore_mem>>
      %dma_start3A_91 = arith.constant 0 : i32
      %dma_start3A_92 = tpu.memref_slice %arg7[%add3A_20, %dma_start3A_91] : memref<10112x128xf32, #tpu.memory_space<vmem_shared>> -> memref<128x128xf32, #tpu.memory_space<vmem_shared>>
      %dma_start3A_93 = arith.constant 0 : i32
      %dma_start3A_94 = tpu.memref_slice %arg7[%add3A_20, %dma_start3A_93] : memref<10112x128xf32, #tpu.memory_space<vmem_shared>> -> memref<128x128xf32, #tpu.memory_space<vmem_shared>>
      tpu.enqueue_dma source(%arg16 : memref<128x128xf32, #tpu.memory_space<vmem>>) target(%dma_start3A_94 : memref<128x128xf32, #tpu.memory_space<vmem_shared>>) target_semaphore(%run_scoped3A : memref<!tpu.dma_semaphore, #tpu.memory_space<semaphore_mem>>)
      %dma_wait3A_95 = arith.constant 0 : i32
      %dma_wait3A_96 = tpu.memref_slice %arg7[%add3A_20, %dma_wait3A_95] : memref<10112x128xf32, #tpu.memory_space<vmem_shared>> -> memref<128x128xf32, #tpu.memory_space<vmem_shared>>
      %dma_wait3A_97 = arith.constant 0 : i32
      %dma_wait3A_98 = tpu.memref_slice %arg7[%add3A_20, %dma_wait3A_97] : memref<10112x128xf32, #tpu.memory_space<vmem_shared>> -> memref<128x128xf32, #tpu.memory_space<vmem_shared>>
      tpu.wait_dma2 semaphore(%run_scoped3A : memref<!tpu.dma_semaphore, #tpu.memory_space<semaphore_mem>>) src(%arg16 : memref<128x128xf32, #tpu.memory_space<vmem>>) dst(%dma_wait3A_98 : memref<128x128xf32, #tpu.memory_space<vmem_shared>>)
      tpu.yield
    }) : () -> ()
    %mul3A_21 = arith.constant 632 : i32
    %mul3A_22 = arith.muli %arg1, %mul3A_21 : i32
    %add3A_23 = arith.constant 384 : i32
    %add3A_24 = arith.addi %mul3A_22, %add3A_23 : i32
    "tpu.region"() ({
      %run_scoped3A = tpu.sem_alloc : memref<!tpu.dma_semaphore, #tpu.memory_space<semaphore_mem>>
      %dma_start3A_91 = arith.constant 0 : i32
      %dma_start3A_92 = tpu.memref_slice %arg7[%add3A_24, %dma_start3A_91] : memref<10112x128xf32, #tpu.memory_space<vmem_shared>> -> memref<128x128xf32, #tpu.memory_space<vmem_shared>>
      %dma_start3A_93 = arith.constant 0 : i32
      %dma_start3A_94 = tpu.memref_slice %arg7[%add3A_24, %dma_start3A_93] : memref<10112x128xf32, #tpu.memory_space<vmem_shared>> -> memref<128x128xf32, #tpu.memory_space<vmem_shared>>
      tpu.enqueue_dma source(%arg16 : memref<128x128xf32, #tpu.memory_space<vmem>>) target(%dma_start3A_94 : memref<128x128xf32, #tpu.memory_space<vmem_shared>>) target_semaphore(%run_scoped3A : memref<!tpu.dma_semaphore, #tpu.memory_space<semaphore_mem>>)
      %dma_wait3A_95 = arith.constant 0 : i32
      %dma_wait3A_96 = tpu.memref_slice %arg7[%add3A_24, %dma_wait3A_95] : memref<10112x128xf32, #tpu.memory_space<vmem_shared>> -> memref<128x128xf32, #tpu.memory_space<vmem_shared>>
      %dma_wait3A_97 = arith.constant 0 : i32
      %dma_wait3A_98 = tpu.memref_slice %arg7[%add3A_24, %dma_wait3A_97] : memref<10112x128xf32, #tpu.memory_space<vmem_shared>> -> memref<128x128xf32, #tpu.memory_space<vmem_shared>>
      tpu.wait_dma2 semaphore(%run_scoped3A : memref<!tpu.dma_semaphore, #tpu.memory_space<semaphore_mem>>) src(%arg16 : memref<128x128xf32, #tpu.memory_space<vmem>>) dst(%dma_wait3A_98 : memref<128x128xf32, #tpu.memory_space<vmem_shared>>)
      tpu.yield
    }) : () -> ()
    %mul3A_25 = arith.constant 632 : i32
    %mul3A_26 = arith.muli %arg1, %mul3A_25 : i32
    %add3A_27 = arith.constant 512 : i32
    %add3A_28 = arith.addi %mul3A_26, %add3A_27 : i32
    "tpu.region"() ({
      %run_scoped3A = tpu.sem_alloc : memref<!tpu.dma_semaphore, #tpu.memory_space<semaphore_mem>>
      %dma_start3A_91 = arith.constant 0 : i32
      %dma_start3A_92 = arith.constant 0 : i32
      %dma_start3A_93 = tpu.memref_slice %arg16[%dma_start3A_91, %dma_start3A_92] : memref<128x128xf32, #tpu.memory_space<vmem>> -> memref<120x128xf32, #tpu.memory_space<vmem>>
      %dma_start3A_94 = arith.constant 0 : i32
      %dma_start3A_95 = tpu.memref_slice %arg7[%add3A_28, %dma_start3A_94] : memref<10112x128xf32, #tpu.memory_space<vmem_shared>> -> memref<120x128xf32, #tpu.memory_space<vmem_shared>>
      %dma_start3A_96 = arith.constant 0 : i32
      %dma_start3A_97 = tpu.memref_slice %arg7[%add3A_28, %dma_start3A_96] : memref<10112x128xf32, #tpu.memory_space<vmem_shared>> -> memref<120x128xf32, #tpu.memory_space<vmem_shared>>
      %dma_start3A_98 = arith.constant 0 : i32
      %dma_start3A_99 = arith.constant 0 : i32
      %dma_start3A_100 = tpu.memref_slice %arg16[%dma_start3A_98, %dma_start3A_99] : memref<128x128xf32, #tpu.memory_space<vmem>> -> memref<120x128xf32, #tpu.memory_space<vmem>>
      tpu.enqueue_dma source(%dma_start3A_100 : memref<120x128xf32, #tpu.memory_space<vmem>>) target(%dma_start3A_97 : memref<120x128xf32, #tpu.memory_space<vmem_shared>>) target_semaphore(%run_scoped3A : memref<!tpu.dma_semaphore, #tpu.memory_space<semaphore_mem>>)
      %dma_wait3A_101 = arith.constant 0 : i32
      %dma_wait3A_102 = arith.constant 0 : i32
      %dma_wait3A_103 = tpu.memref_slice %arg16[%dma_wait3A_101, %dma_wait3A_102] : memref<128x128xf32, #tpu.memory_space<vmem>> -> memref<120x128xf32, #tpu.memory_space<vmem>>
      %dma_wait3A_104 = arith.constant 0 : i32
      %dma_wait3A_105 = tpu.memref_slice %arg7[%add3A_28, %dma_wait3A_104] : memref<10112x128xf32, #tpu.memory_space<vmem_shared>> -> memref<120x128xf32, #tpu.memory_space<vmem_shared>>
      %dma_wait3A_106 = arith.constant 0 : i32
      %dma_wait3A_107 = tpu.memref_slice %arg7[%add3A_28, %dma_wait3A_106] : memref<10112x128xf32, #tpu.memory_space<vmem_shared>> -> memref<120x128xf32, #tpu.memory_space<vmem_shared>>
      %dma_wait3A_108 = arith.constant 0 : i32
      %dma_wait3A_109 = arith.constant 0 : i32
      %dma_wait3A_110 = tpu.memref_slice %arg16[%dma_wait3A_108, %dma_wait3A_109] : memref<128x128xf32, #tpu.memory_space<vmem>> -> memref<120x128xf32, #tpu.memory_space<vmem>>
      tpu.wait_dma2 semaphore(%run_scoped3A : memref<!tpu.dma_semaphore, #tpu.memory_space<semaphore_mem>>) src(%dma_wait3A_110 : memref<120x128xf32, #tpu.memory_space<vmem>>) dst(%dma_wait3A_107 : memref<120x128xf32, #tpu.memory_space<vmem_shared>>)
      tpu.yield
    }) : () -> ()
    %add3A_29 = arith.constant 0 : i32
    %add3A_30 = arith.addi %mul3A_2, %add3A_29 : i32
    %dma_start3A = tpu.memref_slice %arg3[%add3A_30] : memref<320000xi32, #tpu.memory_space<hbm>> -> memref<128xi32, #tpu.memory_space<hbm>>
    %dma_start3A_31 = tpu.memref_slice %arg3[%add3A_30] : memref<320000xi32, #tpu.memory_space<hbm>> -> memref<128xi32, #tpu.memory_space<hbm>>
    tpu.enqueue_dma source(%dma_start3A_31 : memref<128xi32, #tpu.memory_space<hbm>>) target(%arg8 : memref<128xi32, #tpu.memory_space<vmem>>) target_semaphore(%arg25 : memref<!tpu.dma_semaphore, #tpu.memory_space<semaphore_mem>>)
    %add3A_32 = arith.constant 128 : i32
    %add3A_33 = arith.addi %mul3A_2, %add3A_32 : i32
    %dma_start3A_34 = tpu.memref_slice %arg3[%add3A_33] : memref<320000xi32, #tpu.memory_space<hbm>> -> memref<128xi32, #tpu.memory_space<hbm>>
    %dma_start3A_35 = tpu.memref_slice %arg3[%add3A_33] : memref<320000xi32, #tpu.memory_space<hbm>> -> memref<128xi32, #tpu.memory_space<hbm>>
    tpu.enqueue_dma source(%dma_start3A_35 : memref<128xi32, #tpu.memory_space<hbm>>) target(%arg9 : memref<128xi32, #tpu.memory_space<vmem>>) target_semaphore(%arg26 : memref<!tpu.dma_semaphore, #tpu.memory_space<semaphore_mem>>)
    %add3A_36 = arith.constant 256 : i32
    %add3A_37 = arith.addi %mul3A_2, %add3A_36 : i32
    %dma_start3A_38 = tpu.memref_slice %arg3[%add3A_37] : memref<320000xi32, #tpu.memory_space<hbm>> -> memref<128xi32, #tpu.memory_space<hbm>>
    %dma_start3A_39 = tpu.memref_slice %arg3[%add3A_37] : memref<320000xi32, #tpu.memory_space<hbm>> -> memref<128xi32, #tpu.memory_space<hbm>>
    tpu.enqueue_dma source(%dma_start3A_39 : memref<128xi32, #tpu.memory_space<hbm>>) target(%arg10 : memref<128xi32, #tpu.memory_space<vmem>>) target_semaphore(%arg27 : memref<!tpu.dma_semaphore, #tpu.memory_space<semaphore_mem>>)
    %add3A_40 = arith.constant 0 : i32
    %add3A_41 = arith.addi %mul3A_2, %add3A_40 : i32
    %dma_start3A_42 = tpu.memref_slice %arg4[%add3A_41] : memref<320000xi32, #tpu.memory_space<hbm>> -> memref<128xi32, #tpu.memory_space<hbm>>
    %dma_start3A_43 = tpu.memref_slice %arg4[%add3A_41] : memref<320000xi32, #tpu.memory_space<hbm>> -> memref<128xi32, #tpu.memory_space<hbm>>
    tpu.enqueue_dma source(%dma_start3A_43 : memref<128xi32, #tpu.memory_space<hbm>>) target(%arg11 : memref<128xi32, #tpu.memory_space<vmem>>) target_semaphore(%arg28 : memref<!tpu.dma_semaphore, #tpu.memory_space<semaphore_mem>>)
    %add3A_44 = arith.constant 128 : i32
    %add3A_45 = arith.addi %mul3A_2, %add3A_44 : i32
    %dma_start3A_46 = tpu.memref_slice %arg4[%add3A_45] : memref<320000xi32, #tpu.memory_space<hbm>> -> memref<128xi32, #tpu.memory_space<hbm>>
    %dma_start3A_47 = tpu.memref_slice %arg4[%add3A_45] : memref<320000xi32, #tpu.memory_space<hbm>> -> memref<128xi32, #tpu.memory_space<hbm>>
    tpu.enqueue_dma source(%dma_start3A_47 : memref<128xi32, #tpu.memory_space<hbm>>) target(%arg12 : memref<128xi32, #tpu.memory_space<vmem>>) target_semaphore(%arg29 : memref<!tpu.dma_semaphore, #tpu.memory_space<semaphore_mem>>)
    %dma_wait3A = arith.constant 0 : i32
    %dma_wait3A_48 = tpu.memref_slice %arg3[%dma_wait3A] : memref<320000xi32, #tpu.memory_space<hbm>> -> memref<128xi32, #tpu.memory_space<hbm>>
    %dma_wait3A_49 = arith.constant 0 : i32
    %dma_wait3A_50 = tpu.memref_slice %arg3[%dma_wait3A_49] : memref<320000xi32, #tpu.memory_space<hbm>> -> memref<128xi32, #tpu.memory_space<hbm>>
    tpu.wait_dma2 semaphore(%arg25 : memref<!tpu.dma_semaphore, #tpu.memory_space<semaphore_mem>>) src(%dma_wait3A_50 : memref<128xi32, #tpu.memory_space<hbm>>) dst(%arg8 : memref<128xi32, #tpu.memory_space<vmem>>)
    %dma_start3A_51 = arith.constant 0 : i32
    %dma_start3A_52 = arith.constant 0 : i32
    %dma_start3A_53 = tpu.memref_slice %arg2[%dma_start3A_51, %dma_start3A_52] : memref<10000x128xf32, #tpu.memory_space<hbm>> -> memref<10000x128xf32, #tpu.memory_space<hbm>>
    tpu.enqueue_indirect_dma source(%dma_start3A_53 : memref<10000x128xf32, #tpu.memory_space<hbm>>) target(%arg16 : memref<128x128xf32, #tpu.memory_space<vmem>>) offsets(%arg8 : memref<128xi32, #tpu.memory_space<vmem>>) semaphore(%arg19 : memref<!tpu.dma_semaphore, #tpu.memory_space<semaphore_mem>>)
    %dma_wait3A_54 = arith.constant 0 : i32
    %dma_wait3A_55 = tpu.memref_slice %arg3[%dma_wait3A_54] : memref<320000xi32, #tpu.memory_space<hbm>> -> memref<128xi32, #tpu.memory_space<hbm>>
    %dma_wait3A_56 = arith.constant 0 : i32
    %dma_wait3A_57 = tpu.memref_slice %arg3[%dma_wait3A_56] : memref<320000xi32, #tpu.memory_space<hbm>> -> memref<128xi32, #tpu.memory_space<hbm>>
    tpu.wait_dma2 semaphore(%arg26 : memref<!tpu.dma_semaphore, #tpu.memory_space<semaphore_mem>>) src(%dma_wait3A_57 : memref<128xi32, #tpu.memory_space<hbm>>) dst(%arg9 : memref<128xi32, #tpu.memory_space<vmem>>)
    %dma_start3A_58 = arith.constant 0 : i32
    %dma_start3A_59 = arith.constant 0 : i32
    %dma_start3A_60 = tpu.memref_slice %arg2[%dma_start3A_58, %dma_start3A_59] : memref<10000x128xf32, #tpu.memory_space<hbm>> -> memref<10000x128xf32, #tpu.memory_space<hbm>>
    tpu.enqueue_indirect_dma source(%dma_start3A_60 : memref<10000x128xf32, #tpu.memory_space<hbm>>) target(%arg17 : memref<128x128xf32, #tpu.memory_space<vmem>>) offsets(%arg9 : memref<128xi32, #tpu.memory_space<vmem>>) semaphore(%arg20 : memref<!tpu.dma_semaphore, #tpu.memory_space<semaphore_mem>>)
    %barrier3A = arith.constant 0 : index
    tpu.barrier barrier_id(%barrier3A)
    %scan3A_61 = arith.constant 0 : i32
    %scan3A_62 = arith.constant 0 : i32
    %scan3A_63 = arith.constant 26 : i32
    %scan3A_64 = arith.addi %scan3A_62, %scan3A_63 : i32
    %scan3A_65 = arith.constant 1 : i32
    scf.for %scan3A_91 = %scan3A_62 to %scan3A_64 step %scan3A_65  : i32 {
      %mul3A_92 = arith.constant 3 : i32
      %mul3A_93 = arith.muli %mul3A_92, %scan3A_91 : i32
      %add3A_94 = arith.constant 0 : i32
      %add3A_95 = arith.addi %mul3A_93, %add3A_94 : i32
      %dma_wait3A_96 = arith.constant 0 : i32
      %dma_wait3A_97 = arith.constant 0 : i32
      %dma_wait3A_98 = tpu.memref_slice %arg2[%dma_wait3A_96, %dma_wait3A_97] : memref<10000x128xf32, #tpu.memory_space<hbm>> -> memref<128x128xf32, #tpu.memory_space<hbm>>
      %dma_wait3A_99 = arith.constant 0 : i32
      %dma_wait3A_100 = arith.constant 0 : i32
      %dma_wait3A_101 = tpu.memref_slice %arg2[%dma_wait3A_99, %dma_wait3A_100] : memref<10000x128xf32, #tpu.memory_space<hbm>> -> memref<128x128xf32, #tpu.memory_space<hbm>>
      tpu.wait_dma2 semaphore(%arg19 : memref<!tpu.dma_semaphore, #tpu.memory_space<semaphore_mem>>) src(%dma_wait3A_101 : memref<128x128xf32, #tpu.memory_space<hbm>>) dst(%arg16 : memref<128x128xf32, #tpu.memory_space<vmem>>)
      %dma_wait3A_102 = arith.constant 0 : i32
      %dma_wait3A_103 = tpu.memref_slice %arg4[%dma_wait3A_102] : memref<320000xi32, #tpu.memory_space<hbm>> -> memref<128xi32, #tpu.memory_space<hbm>>
      %dma_wait3A_104 = arith.constant 0 : i32
      %dma_wait3A_105 = tpu.memref_slice %arg4[%dma_wait3A_104] : memref<320000xi32, #tpu.memory_space<hbm>> -> memref<128xi32, #tpu.memory_space<hbm>>
      tpu.wait_dma2 semaphore(%arg28 : memref<!tpu.dma_semaphore, #tpu.memory_space<semaphore_mem>>) src(%dma_wait3A_105 : memref<128xi32, #tpu.memory_space<hbm>>) dst(%arg11 : memref<128xi32, #tpu.memory_space<vmem>>)
      "tpu.region"() ({
        %run_scoped3A = tpu.sem_alloc : memref<!tpu.dma_semaphore, #tpu.memory_space<semaphore_mem>>
        %dma_start3A_175 = arith.constant 0 : i32
        %dma_start3A_176 = arith.constant 0 : i32
        %dma_start3A_177 = tpu.memref_slice %arg7[%dma_start3A_175, %dma_start3A_176] : memref<10112x128xf32, #tpu.memory_space<vmem_shared>> -> memref<10112x128xf32, #tpu.memory_space<vmem_shared>>
        tpu.enqueue_indirect_dma source(%arg16 : memref<128x128xf32, #tpu.memory_space<vmem>>) target(%dma_start3A_177 : memref<10112x128xf32, #tpu.memory_space<vmem_shared>>) offsets(%arg11 : memref<128xi32, #tpu.memory_space<vmem>>) semaphore(%run_scoped3A : memref<!tpu.dma_semaphore, #tpu.memory_space<semaphore_mem>>) {add = true}
        %dma_wait3A_178 = arith.constant 0 : i32
        %dma_wait3A_179 = arith.constant 0 : i32
        %dma_wait3A_180 = tpu.memref_slice %arg7[%dma_wait3A_178, %dma_wait3A_179] : memref<10112x128xf32, #tpu.memory_space<vmem_shared>> -> memref<10112x128xf32, #tpu.memory_space<vmem_shared>>
        tpu.wait_indirect_dma semaphore(%run_scoped3A : memref<!tpu.dma_semaphore, #tpu.memory_space<semaphore_mem>>) src(%arg16 : memref<128x128xf32, #tpu.memory_space<vmem>>) dst(%dma_wait3A_180 : memref<10112x128xf32, #tpu.memory_space<vmem_shared>>)
        tpu.yield
      }) : () -> ()
      %add3A_106 = arith.constant 3 : i32
      %add3A_107 = arith.addi %add3A_95, %add3A_106 : i32
      %lt3A = arith.constant 78 : i32
      %lt3A_108 = arith.cmpi slt, %add3A_107, %lt3A : i32
      %convert_element_type3A_109 = arith.extui %lt3A_108 : i1 to i32
      %cond3A_110 = arith.constant 0 : i32
      %cond3A_111 = arith.cmpi ne, %convert_element_type3A_109, %cond3A_110 : i32
      scf.if %cond3A_111 {
        %add3A_175 = arith.constant 3 : i32
        %add3A_176 = arith.addi %add3A_95, %add3A_175 : i32
        %mul3A_177 = arith.constant 128 : i32
        %mul3A_178 = arith.muli %add3A_176, %mul3A_177 : i32
        %add3A_179 = arith.addi %mul3A_2, %mul3A_178 : i32
        %dma_start3A_180 = tpu.memref_slice %arg3[%add3A_179] : memref<320000xi32, #tpu.memory_space<hbm>> -> memref<128xi32, #tpu.memory_space<hbm>>
        %dma_start3A_181 = tpu.memref_slice %arg3[%add3A_179] : memref<320000xi32, #tpu.memory_space<hbm>> -> memref<128xi32, #tpu.memory_space<hbm>>
        tpu.enqueue_dma source(%dma_start3A_181 : memref<128xi32, #tpu.memory_space<hbm>>) target(%arg8 : memref<128xi32, #tpu.memory_space<vmem>>) target_semaphore(%arg25 : memref<!tpu.dma_semaphore, #tpu.memory_space<semaphore_mem>>)
      } else {
      }
      %add3A_112 = arith.constant 2 : i32
      %add3A_113 = arith.addi %add3A_95, %add3A_112 : i32
      %lt3A_114 = arith.constant 78 : i32
      %lt3A_115 = arith.cmpi slt, %add3A_113, %lt3A_114 : i32
      %convert_element_type3A_116 = arith.extui %lt3A_115 : i1 to i32
      %cond3A_117 = arith.constant 0 : i32
      %cond3A_118 = arith.cmpi ne, %convert_element_type3A_116, %cond3A_117 : i32
      scf.if %cond3A_118 {
        %add3A_175 = arith.constant 2 : i32
        %add3A_176 = arith.addi %add3A_95, %add3A_175 : i32
        %mul3A_177 = arith.constant 128 : i32
        %mul3A_178 = arith.muli %add3A_176, %mul3A_177 : i32
        %add3A_179 = arith.addi %mul3A_2, %mul3A_178 : i32
        %dma_start3A_180 = tpu.memref_slice %arg4[%add3A_179] : memref<320000xi32, #tpu.memory_space<hbm>> -> memref<128xi32, #tpu.memory_space<hbm>>
        %dma_start3A_181 = tpu.memref_slice %arg4[%add3A_179] : memref<320000xi32, #tpu.memory_space<hbm>> -> memref<128xi32, #tpu.memory_space<hbm>>
        tpu.enqueue_dma source(%dma_start3A_181 : memref<128xi32, #tpu.memory_space<hbm>>) target(%arg13 : memref<128xi32, #tpu.memory_space<vmem>>) target_semaphore(%arg30 : memref<!tpu.dma_semaphore, #tpu.memory_space<semaphore_mem>>)
        %dma_wait3A_182 = arith.constant 0 : i32
        %dma_wait3A_183 = tpu.memref_slice %arg3[%dma_wait3A_182] : memref<320000xi32, #tpu.memory_space<hbm>> -> memref<128xi32, #tpu.memory_space<hbm>>
        %dma_wait3A_184 = arith.constant 0 : i32
        %dma_wait3A_185 = tpu.memref_slice %arg3[%dma_wait3A_184] : memref<320000xi32, #tpu.memory_space<hbm>> -> memref<128xi32, #tpu.memory_space<hbm>>
        tpu.wait_dma2 semaphore(%arg27 : memref<!tpu.dma_semaphore, #tpu.memory_space<semaphore_mem>>) src(%dma_wait3A_185 : memref<128xi32, #tpu.memory_space<hbm>>) dst(%arg10 : memref<128xi32, #tpu.memory_space<vmem>>)
        %dma_start3A_186 = arith.constant 0 : i32
        %dma_start3A_187 = arith.constant 0 : i32
        %dma_start3A_188 = tpu.memref_slice %arg2[%dma_start3A_186, %dma_start3A_187] : memref<10000x128xf32, #tpu.memory_space<hbm>> -> memref<10000x128xf32, #tpu.memory_space<hbm>>
        tpu.enqueue_indirect_dma source(%dma_start3A_188 : memref<10000x128xf32, #tpu.memory_space<hbm>>) target(%arg18 : memref<128x128xf32, #tpu.memory_space<vmem>>) offsets(%arg10 : memref<128xi32, #tpu.memory_space<vmem>>) semaphore(%arg21 : memref<!tpu.dma_semaphore, #tpu.memory_space<semaphore_mem>>)
      } else {
      }
      %mul3A_119 = arith.constant 3 : i32
      %mul3A_120 = arith.muli %mul3A_119, %scan3A_91 : i32
      %add3A_121 = arith.constant 1 : i32
      %add3A_122 = arith.addi %mul3A_120, %add3A_121 : i32
      %dma_wait3A_123 = arith.constant 0 : i32
      %dma_wait3A_124 = arith.constant 0 : i32
      %dma_wait3A_125 = tpu.memref_slice %arg2[%dma_wait3A_123, %dma_wait3A_124] : memref<10000x128xf32, #tpu.memory_space<hbm>> -> memref<128x128xf32, #tpu.memory_space<hbm>>
      %dma_wait3A_126 = arith.constant 0 : i32
      %dma_wait3A_127 = arith.constant 0 : i32
      %dma_wait3A_128 = tpu.memref_slice %arg2[%dma_wait3A_126, %dma_wait3A_127] : memref<10000x128xf32, #tpu.memory_space<hbm>> -> memref<128x128xf32, #tpu.memory_space<hbm>>
      tpu.wait_dma2 semaphore(%arg20 : memref<!tpu.dma_semaphore, #tpu.memory_space<semaphore_mem>>) src(%dma_wait3A_128 : memref<128x128xf32, #tpu.memory_space<hbm>>) dst(%arg17 : memref<128x128xf32, #tpu.memory_space<vmem>>)
      %dma_wait3A_129 = arith.constant 0 : i32
      %dma_wait3A_130 = tpu.memref_slice %arg4[%dma_wait3A_129] : memref<320000xi32, #tpu.memory_space<hbm>> -> memref<128xi32, #tpu.memory_space<hbm>>
      %dma_wait3A_131 = arith.constant 0 : i32
      %dma_wait3A_132 = tpu.memref_slice %arg4[%dma_wait3A_131] : memref<320000xi32, #tpu.memory_space<hbm>> -> memref<128xi32, #tpu.memory_space<hbm>>
      tpu.wait_dma2 semaphore(%arg29 : memref<!tpu.dma_semaphore, #tpu.memory_space<semaphore_mem>>) src(%dma_wait3A_132 : memref<128xi32, #tpu.memory_space<hbm>>) dst(%arg12 : memref<128xi32, #tpu.memory_space<vmem>>)
      "tpu.region"() ({
        %run_scoped3A = tpu.sem_alloc : memref<!tpu.dma_semaphore, #tpu.memory_space<semaphore_mem>>
        %dma_start3A_175 = arith.constant 0 : i32
        %dma_start3A_176 = arith.constant 0 : i32
        %dma_start3A_177 = tpu.memref_slice %arg7[%dma_start3A_175, %dma_start3A_176] : memref<10112x128xf32, #tpu.memory_space<vmem_shared>> -> memref<10112x128xf32, #tpu.memory_space<vmem_shared>>
        tpu.enqueue_indirect_dma source(%arg17 : memref<128x128xf32, #tpu.memory_space<vmem>>) target(%dma_start3A_177 : memref<10112x128xf32, #tpu.memory_space<vmem_shared>>) offsets(%arg12 : memref<128xi32, #tpu.memory_space<vmem>>) semaphore(%run_scoped3A : memref<!tpu.dma_semaphore, #tpu.memory_space<semaphore_mem>>) {add = true}
        %dma_wait3A_178 = arith.constant 0 : i32
        %dma_wait3A_179 = arith.constant 0 : i32
        %dma_wait3A_180 = tpu.memref_slice %arg7[%dma_wait3A_178, %dma_wait3A_179] : memref<10112x128xf32, #tpu.memory_space<vmem_shared>> -> memref<10112x128xf32, #tpu.memory_space<vmem_shared>>
        tpu.wait_indirect_dma semaphore(%run_scoped3A : memref<!tpu.dma_semaphore, #tpu.memory_space<semaphore_mem>>) src(%arg17 : memref<128x128xf32, #tpu.memory_space<vmem>>) dst(%dma_wait3A_180 : memref<10112x128xf32, #tpu.memory_space<vmem_shared>>)
        tpu.yield
      }) : () -> ()
      %add3A_133 = arith.constant 3 : i32
      %add3A_134 = arith.addi %add3A_122, %add3A_133 : i32
      %lt3A_135 = arith.constant 78 : i32
      %lt3A_136 = arith.cmpi slt, %add3A_134, %lt3A_135 : i32
      %convert_element_type3A_137 = arith.extui %lt3A_136 : i1 to i32
      %cond3A_138 = arith.constant 0 : i32
      %cond3A_139 = arith.cmpi ne, %convert_element_type3A_137, %cond3A_138 : i32
      scf.if %cond3A_139 {
        %add3A_175 = arith.constant 3 : i32
        %add3A_176 = arith.addi %add3A_122, %add3A_175 : i32
        %mul3A_177 = arith.constant 128 : i32
        %mul3A_178 = arith.muli %add3A_176, %mul3A_177 : i32
        %add3A_179 = arith.addi %mul3A_2, %mul3A_178 : i32
        %dma_start3A_180 = tpu.memref_slice %arg3[%add3A_179] : memref<320000xi32, #tpu.memory_space<hbm>> -> memref<128xi32, #tpu.memory_space<hbm>>
        %dma_start3A_181 = tpu.memref_slice %arg3[%add3A_179] : memref<320000xi32, #tpu.memory_space<hbm>> -> memref<128xi32, #tpu.memory_space<hbm>>
        tpu.enqueue_dma source(%dma_start3A_181 : memref<128xi32, #tpu.memory_space<hbm>>) target(%arg9 : memref<128xi32, #tpu.memory_space<vmem>>) target_semaphore(%arg26 : memref<!tpu.dma_semaphore, #tpu.memory_space<semaphore_mem>>)
      } else {
      }
      %add3A_140 = arith.constant 2 : i32
      %add3A_141 = arith.addi %add3A_122, %add3A_140 : i32
      %lt3A_142 = arith.constant 78 : i32
      %lt3A_143 = arith.cmpi slt, %add3A_141, %lt3A_142 : i32
      %convert_element_type3A_144 = arith.extui %lt3A_143 : i1 to i32
      %cond3A_145 = arith.constant 0 : i32
      %cond3A_146 = arith.cmpi ne, %convert_element_type3A_144, %cond3A_145 : i32
      scf.if %cond3A_146 {
        %add3A_175 = arith.constant 2 : i32
        %add3A_176 = arith.addi %add3A_122, %add3A_175 : i32
        %mul3A_177 = arith.constant 128 : i32
        %mul3A_178 = arith.muli %add3A_176, %mul3A_177 : i32
        %add3A_179 = arith.addi %mul3A_2, %mul3A_178 : i32
        %dma_start3A_180 = tpu.memref_slice %arg4[%add3A_179] : memref<320000xi32, #tpu.memory_space<hbm>> -> memref<128xi32, #tpu.memory_space<hbm>>
        %dma_start3A_181 = tpu.memref_slice %arg4[%add3A_179] : memref<320000xi32, #tpu.memory_space<hbm>> -> memref<128xi32, #tpu.memory_space<hbm>>
        tpu.enqueue_dma source(%dma_start3A_181 : memref<128xi32, #tpu.memory_space<hbm>>) target(%arg11 : memref<128xi32, #tpu.memory_space<vmem>>) target_semaphore(%arg28 : memref<!tpu.dma_semaphore, #tpu.memory_space<semaphore_mem>>)
        %dma_wait3A_182 = arith.constant 0 : i32
        %dma_wait3A_183 = tpu.memref_slice %arg3[%dma_wait3A_182] : memref<320000xi32, #tpu.memory_space<hbm>> -> memref<128xi32, #tpu.memory_space<hbm>>
        %dma_wait3A_184 = arith.constant 0 : i32
        %dma_wait3A_185 = tpu.memref_slice %arg3[%dma_wait3A_184] : memref<320000xi32, #tpu.memory_space<hbm>> -> memref<128xi32, #tpu.memory_space<hbm>>
        tpu.wait_dma2 semaphore(%arg25 : memref<!tpu.dma_semaphore, #tpu.memory_space<semaphore_mem>>) src(%dma_wait3A_185 : memref<128xi32, #tpu.memory_space<hbm>>) dst(%arg8 : memref<128xi32, #tpu.memory_space<vmem>>)
        %dma_start3A_186 = arith.constant 0 : i32
        %dma_start3A_187 = arith.constant 0 : i32
        %dma_start3A_188 = tpu.memref_slice %arg2[%dma_start3A_186, %dma_start3A_187] : memref<10000x128xf32, #tpu.memory_space<hbm>> -> memref<10000x128xf32, #tpu.memory_space<hbm>>
        tpu.enqueue_indirect_dma source(%dma_start3A_188 : memref<10000x128xf32, #tpu.memory_space<hbm>>) target(%arg16 : memref<128x128xf32, #tpu.memory_space<vmem>>) offsets(%arg8 : memref<128xi32, #tpu.memory_space<vmem>>) semaphore(%arg19 : memref<!tpu.dma_semaphore, #tpu.memory_space<semaphore_mem>>)
      } else {
      }
      %mul3A_147 = arith.constant 3 : i32
      %mul3A_148 = arith.muli %mul3A_147, %scan3A_91 : i32
      %add3A_149 = arith.constant 2 : i32
      %add3A_150 = arith.addi %mul3A_148, %add3A_149 : i32
      %dma_wait3A_151 = arith.constant 0 : i32
      %dma_wait3A_152 = arith.constant 0 : i32
      %dma_wait3A_153 = tpu.memref_slice %arg2[%dma_wait3A_151, %dma_wait3A_152] : memref<10000x128xf32, #tpu.memory_space<hbm>> -> memref<128x128xf32, #tpu.memory_space<hbm>>
      %dma_wait3A_154 = arith.constant 0 : i32
      %dma_wait3A_155 = arith.constant 0 : i32
      %dma_wait3A_156 = tpu.memref_slice %arg2[%dma_wait3A_154, %dma_wait3A_155] : memref<10000x128xf32, #tpu.memory_space<hbm>> -> memref<128x128xf32, #tpu.memory_space<hbm>>
      tpu.wait_dma2 semaphore(%arg21 : memref<!tpu.dma_semaphore, #tpu.memory_space<semaphore_mem>>) src(%dma_wait3A_156 : memref<128x128xf32, #tpu.memory_space<hbm>>) dst(%arg18 : memref<128x128xf32, #tpu.memory_space<vmem>>)
      %dma_wait3A_157 = arith.constant 0 : i32
      %dma_wait3A_158 = tpu.memref_slice %arg4[%dma_wait3A_157] : memref<320000xi32, #tpu.memory_space<hbm>> -> memref<128xi32, #tpu.memory_space<hbm>>
      %dma_wait3A_159 = arith.constant 0 : i32
      %dma_wait3A_160 = tpu.memref_slice %arg4[%dma_wait3A_159] : memref<320000xi32, #tpu.memory_space<hbm>> -> memref<128xi32, #tpu.memory_space<hbm>>
      tpu.wait_dma2 semaphore(%arg30 : memref<!tpu.dma_semaphore, #tpu.memory_space<semaphore_mem>>) src(%dma_wait3A_160 : memref<128xi32, #tpu.memory_space<hbm>>) dst(%arg13 : memref<128xi32, #tpu.memory_space<vmem>>)
      "tpu.region"() ({
        %run_scoped3A = tpu.sem_alloc : memref<!tpu.dma_semaphore, #tpu.memory_space<semaphore_mem>>
        %dma_start3A_175 = arith.constant 0 : i32
        %dma_start3A_176 = arith.constant 0 : i32
        %dma_start3A_177 = tpu.memref_slice %arg7[%dma_start3A_175, %dma_start3A_176] : memref<10112x128xf32, #tpu.memory_space<vmem_shared>> -> memref<10112x128xf32, #tpu.memory_space<vmem_shared>>
        tpu.enqueue_indirect_dma source(%arg18 : memref<128x128xf32, #tpu.memory_space<vmem>>) target(%dma_start3A_177 : memref<10112x128xf32, #tpu.memory_space<vmem_shared>>) offsets(%arg13 : memref<128xi32, #tpu.memory_space<vmem>>) semaphore(%run_scoped3A : memref<!tpu.dma_semaphore, #tpu.memory_space<semaphore_mem>>) {add = true}
        %dma_wait3A_178 = arith.constant 0 : i32
        %dma_wait3A_179 = arith.constant 0 : i32
        %dma_wait3A_180 = tpu.memref_slice %arg7[%dma_wait3A_178, %dma_wait3A_179] : memref<10112x128xf32, #tpu.memory_space<vmem_shared>> -> memref<10112x128xf32, #tpu.memory_space<vmem_shared>>
        tpu.wait_indirect_dma semaphore(%run_scoped3A : memref<!tpu.dma_semaphore, #tpu.memory_space<semaphore_mem>>) src(%arg18 : memref<128x128xf32, #tpu.memory_space<vmem>>) dst(%dma_wait3A_180 : memref<10112x128xf32, #tpu.memory_space<vmem_shared>>)
        tpu.yield
      }) : () -> ()
      %add3A_161 = arith.constant 3 : i32
      %add3A_162 = arith.addi %add3A_150, %add3A_161 : i32
      %lt3A_163 = arith.constant 78 : i32
      %lt3A_164 = arith.cmpi slt, %add3A_162, %lt3A_163 : i32
      %convert_element_type3A_165 = arith.extui %lt3A_164 : i1 to i32
      %cond3A_166 = arith.constant 0 : i32
      %cond3A_167 = arith.cmpi ne, %convert_element_type3A_165, %cond3A_166 : i32
      scf.if %cond3A_167 {
        %add3A_175 = arith.constant 3 : i32
        %add3A_176 = arith.addi %add3A_150, %add3A_175 : i32
        %mul3A_177 = arith.constant 128 : i32
        %mul3A_178 = arith.muli %add3A_176, %mul3A_177 : i32
        %add3A_179 = arith.addi %mul3A_2, %mul3A_178 : i32
        %dma_start3A_180 = tpu.memref_slice %arg3[%add3A_179] : memref<320000xi32, #tpu.memory_space<hbm>> -> memref<128xi32, #tpu.memory_space<hbm>>
        %dma_start3A_181 = tpu.memref_slice %arg3[%add3A_179] : memref<320000xi32, #tpu.memory_space<hbm>> -> memref<128xi32, #tpu.memory_space<hbm>>
        tpu.enqueue_dma source(%dma_start3A_181 : memref<128xi32, #tpu.memory_space<hbm>>) target(%arg10 : memref<128xi32, #tpu.memory_space<vmem>>) target_semaphore(%arg27 : memref<!tpu.dma_semaphore, #tpu.memory_space<semaphore_mem>>)
      } else {
      }
      %add3A_168 = arith.constant 2 : i32
      %add3A_169 = arith.addi %add3A_150, %add3A_168 : i32
      %lt3A_170 = arith.constant 78 : i32
      %lt3A_171 = arith.cmpi slt, %add3A_169, %lt3A_170 : i32
      %convert_element_type3A_172 = arith.extui %lt3A_171 : i1 to i32
      %cond3A_173 = arith.constant 0 : i32
      %cond3A_174 = arith.cmpi ne, %convert_element_type3A_172, %cond3A_173 : i32
      scf.if %cond3A_174 {
        %add3A_175 = arith.constant 2 : i32
        %add3A_176 = arith.addi %add3A_150, %add3A_175 : i32
        %mul3A_177 = arith.constant 128 : i32
        %mul3A_178 = arith.muli %add3A_176, %mul3A_177 : i32
        %add3A_179 = arith.addi %mul3A_2, %mul3A_178 : i32
        %dma_start3A_180 = tpu.memref_slice %arg4[%add3A_179] : memref<320000xi32, #tpu.memory_space<hbm>> -> memref<128xi32, #tpu.memory_space<hbm>>
        %dma_start3A_181 = tpu.memref_slice %arg4[%add3A_179] : memref<320000xi32, #tpu.memory_space<hbm>> -> memref<128xi32, #tpu.memory_space<hbm>>
        tpu.enqueue_dma source(%dma_start3A_181 : memref<128xi32, #tpu.memory_space<hbm>>) target(%arg12 : memref<128xi32, #tpu.memory_space<vmem>>) target_semaphore(%arg29 : memref<!tpu.dma_semaphore, #tpu.memory_space<semaphore_mem>>)
        %dma_wait3A_182 = arith.constant 0 : i32
        %dma_wait3A_183 = tpu.memref_slice %arg3[%dma_wait3A_182] : memref<320000xi32, #tpu.memory_space<hbm>> -> memref<128xi32, #tpu.memory_space<hbm>>
        %dma_wait3A_184 = arith.constant 0 : i32
        %dma_wait3A_185 = tpu.memref_slice %arg3[%dma_wait3A_184] : memref<320000xi32, #tpu.memory_space<hbm>> -> memref<128xi32, #tpu.memory_space<hbm>>
        tpu.wait_dma2 semaphore(%arg26 : memref<!tpu.dma_semaphore, #tpu.memory_space<semaphore_mem>>) src(%dma_wait3A_185 : memref<128xi32, #tpu.memory_space<hbm>>) dst(%arg9 : memref<128xi32, #tpu.memory_space<vmem>>)
        %dma_start3A_186 = arith.constant 0 : i32
        %dma_start3A_187 = arith.constant 0 : i32
        %dma_start3A_188 = tpu.memref_slice %arg2[%dma_start3A_186, %dma_start3A_187] : memref<10000x128xf32, #tpu.memory_space<hbm>> -> memref<10000x128xf32, #tpu.memory_space<hbm>>
        tpu.enqueue_indirect_dma source(%dma_start3A_188 : memref<10000x128xf32, #tpu.memory_space<hbm>>) target(%arg17 : memref<128x128xf32, #tpu.memory_space<vmem>>) offsets(%arg9 : memref<128xi32, #tpu.memory_space<vmem>>) semaphore(%arg20 : memref<!tpu.dma_semaphore, #tpu.memory_space<semaphore_mem>>)
      } else {
      }
    }
    %scan3A_66 = arith.constant 26 : i32
    %add3A_67 = arith.constant 9984 : i32
    %add3A_68 = arith.addi %mul3A_2, %add3A_67 : i32
    "tpu.region"() ({
      %run_scoped3A = tpu.sem_alloc : memref<!tpu.dma_semaphore, #tpu.memory_space<semaphore_mem>>
      %dma_start3A_91 = tpu.memref_slice %arg3[%add3A_68] : memref<320000xi32, #tpu.memory_space<hbm>> -> memref<16xi32, #tpu.memory_space<hbm>>
      %dma_start3A_92 = tpu.memref_slice %arg3[%add3A_68] : memref<320000xi32, #tpu.memory_space<hbm>> -> memref<16xi32, #tpu.memory_space<hbm>>
      tpu.enqueue_dma source(%dma_start3A_92 : memref<16xi32, #tpu.memory_space<hbm>>) target(%arg14 : memref<16xi32, #tpu.memory_space<vmem>>) target_semaphore(%run_scoped3A : memref<!tpu.dma_semaphore, #tpu.memory_space<semaphore_mem>>)
      %dma_wait3A_93 = tpu.memref_slice %arg3[%add3A_68] : memref<320000xi32, #tpu.memory_space<hbm>> -> memref<16xi32, #tpu.memory_space<hbm>>
      %dma_wait3A_94 = tpu.memref_slice %arg3[%add3A_68] : memref<320000xi32, #tpu.memory_space<hbm>> -> memref<16xi32, #tpu.memory_space<hbm>>
      tpu.wait_dma2 semaphore(%run_scoped3A : memref<!tpu.dma_semaphore, #tpu.memory_space<semaphore_mem>>) src(%dma_wait3A_94 : memref<16xi32, #tpu.memory_space<hbm>>) dst(%arg14 : memref<16xi32, #tpu.memory_space<vmem>>)
      tpu.yield
    }) : () -> ()
    %add3A_69 = arith.constant 9984 : i32
    %add3A_70 = arith.addi %mul3A_2, %add3A_69 : i32
    "tpu.region"() ({
      %run_scoped3A = tpu.sem_alloc : memref<!tpu.dma_semaphore, #tpu.memory_space<semaphore_mem>>
      %dma_start3A_91 = tpu.memref_slice %arg4[%add3A_70] : memref<320000xi32, #tpu.memory_space<hbm>> -> memref<16xi32, #tpu.memory_space<hbm>>
      %dma_start3A_92 = tpu.memref_slice %arg4[%add3A_70] : memref<320000xi32, #tpu.memory_space<hbm>> -> memref<16xi32, #tpu.memory_space<hbm>>
      tpu.enqueue_dma source(%dma_start3A_92 : memref<16xi32, #tpu.memory_space<hbm>>) target(%arg15 : memref<16xi32, #tpu.memory_space<vmem>>) target_semaphore(%run_scoped3A : memref<!tpu.dma_semaphore, #tpu.memory_space<semaphore_mem>>)
      %dma_wait3A_93 = tpu.memref_slice %arg4[%add3A_70] : memref<320000xi32, #tpu.memory_space<hbm>> -> memref<16xi32, #tpu.memory_space<hbm>>
      %dma_wait3A_94 = tpu.memref_slice %arg4[%add3A_70] : memref<320000xi32, #tpu.memory_space<hbm>> -> memref<16xi32, #tpu.memory_space<hbm>>
      tpu.wait_dma2 semaphore(%run_scoped3A : memref<!tpu.dma_semaphore, #tpu.memory_space<semaphore_mem>>) src(%dma_wait3A_94 : memref<16xi32, #tpu.memory_space<hbm>>) dst(%arg15 : memref<16xi32, #tpu.memory_space<vmem>>)
      tpu.yield
    }) : () -> ()
    %dma_start3A_71 = arith.constant 0 : i32
    %dma_start3A_72 = arith.constant 0 : i32
    %dma_start3A_73 = tpu.memref_slice %arg16[%dma_start3A_71, %dma_start3A_72] : memref<128x128xf32, #tpu.memory_space<vmem>> -> memref<16x128xf32, #tpu.memory_space<vmem>>
    %dma_start3A_74 = arith.constant 0 : i32
    %dma_start3A_75 = arith.constant 0 : i32
    %dma_start3A_76 = tpu.memref_slice %arg2[%dma_start3A_74, %dma_start3A_75] : memref<10000x128xf32, #tpu.memory_space<hbm>> -> memref<10000x128xf32, #tpu.memory_space<hbm>>
    tpu.enqueue_indirect_dma source(%dma_start3A_76 : memref<10000x128xf32, #tpu.memory_space<hbm>>) target(%dma_start3A_73 : memref<16x128xf32, #tpu.memory_space<vmem>>) offsets(%arg14 : memref<16xi32, #tpu.memory_space<vmem>>) semaphore(%arg19 : memref<!tpu.dma_semaphore, #tpu.memory_space<semaphore_mem>>)
    %dma_wait3A_77 = arith.constant 0 : i32
    %dma_wait3A_78 = arith.constant 0 : i32
    %dma_wait3A_79 = tpu.memref_slice %arg16[%dma_wait3A_77, %dma_wait3A_78] : memref<128x128xf32, #tpu.memory_space<vmem>> -> memref<16x128xf32, #tpu.memory_space<vmem>>
    %dma_wait3A_80 = arith.constant 0 : i32
    %dma_wait3A_81 = arith.constant 0 : i32
    %dma_wait3A_82 = tpu.memref_slice %arg2[%dma_wait3A_80, %dma_wait3A_81] : memref<10000x128xf32, #tpu.memory_space<hbm>> -> memref<10000x128xf32, #tpu.memory_space<hbm>>
    tpu.wait_indirect_dma semaphore(%arg19 : memref<!tpu.dma_semaphore, #tpu.memory_space<semaphore_mem>>) src(%dma_wait3A_82 : memref<10000x128xf32, #tpu.memory_space<hbm>>) dst(%dma_wait3A_79 : memref<16x128xf32, #tpu.memory_space<vmem>>)
    "tpu.region"() ({
      %run_scoped3A = tpu.sem_alloc : memref<!tpu.dma_semaphore, #tpu.memory_space<semaphore_mem>>
      %dma_start3A_91 = arith.constant 0 : i32
      %dma_start3A_92 = arith.constant 0 : i32
      %dma_start3A_93 = tpu.memref_slice %arg16[%dma_start3A_91, %dma_start3A_92] : memref<128x128xf32, #tpu.memory_space<vmem>> -> memref<16x128xf32, #tpu.memory_space<vmem>>
      %dma_start3A_94 = arith.constant 0 : i32
      %dma_start3A_95 = arith.constant 0 : i32
      %dma_start3A_96 = tpu.memref_slice %arg7[%dma_start3A_94, %dma_start3A_95] : memref<10112x128xf32, #tpu.memory_space<vmem_shared>> -> memref<10112x128xf32, #tpu.memory_space<vmem_shared>>
      tpu.enqueue_indirect_dma source(%dma_start3A_93 : memref<16x128xf32, #tpu.memory_space<vmem>>) target(%dma_start3A_96 : memref<10112x128xf32, #tpu.memory_space<vmem_shared>>) offsets(%arg15 : memref<16xi32, #tpu.memory_space<vmem>>) semaphore(%run_scoped3A : memref<!tpu.dma_semaphore, #tpu.memory_space<semaphore_mem>>) {add = true}
      %dma_wait3A_97 = arith.constant 0 : i32
      %dma_wait3A_98 = arith.constant 0 : i32
      %dma_wait3A_99 = tpu.memref_slice %arg16[%dma_wait3A_97, %dma_wait3A_98] : memref<128x128xf32, #tpu.memory_space<vmem>> -> memref<16x128xf32, #tpu.memory_space<vmem>>
      %dma_wait3A_100 = arith.constant 0 : i32
      %dma_wait3A_101 = arith.constant 0 : i32
      %dma_wait3A_102 = tpu.memref_slice %arg7[%dma_wait3A_100, %dma_wait3A_101] : memref<10112x128xf32, #tpu.memory_space<vmem_shared>> -> memref<10112x128xf32, #tpu.memory_space<vmem_shared>>
      tpu.wait_indirect_dma semaphore(%run_scoped3A : memref<!tpu.dma_semaphore, #tpu.memory_space<semaphore_mem>>) src(%dma_wait3A_99 : memref<16x128xf32, #tpu.memory_space<vmem>>) dst(%dma_wait3A_102 : memref<10112x128xf32, #tpu.memory_space<vmem_shared>>)
      tpu.yield
    }) : () -> ()
    %barrier3A_83 = arith.constant 0 : index
    tpu.barrier barrier_id(%barrier3A_83)
    %eq3A = arith.constant 0 : i32
    %eq3A_84 = arith.cmpi eq, %arg0, %eq3A : i32
    %convert_element_type3A = arith.extui %eq3A_84 : i1 to i32
    %cond3A = arith.constant 0 : i32
    %cond3A_85 = arith.cmpi ne, %convert_element_type3A, %cond3A : i32
    scf.if %cond3A_85 {
      %mul3A_91 = arith.constant 624 : i32
      %mul3A_92 = arith.muli %arg1, %mul3A_91 : i32
      %mul3A_93 = arith.constant 624 : i32
      %mul3A_94 = arith.muli %arg1, %mul3A_93 : i32
      "tpu.region"() ({
        %run_scoped3A = tpu.sem_alloc : memref<!tpu.dma_semaphore, #tpu.memory_space<semaphore_mem>>
        %dma_start3A_100 = arith.constant 0 : i32
        %dma_start3A_101 = tpu.memref_slice %arg5[%mul3A_94, %dma_start3A_100] : memref<10000x128xf32, #tpu.memory_space<hbm>> -> memref<624x128xf32, #tpu.memory_space<hbm>>
        %dma_start3A_102 = arith.constant 0 : i32
        %dma_start3A_103 = tpu.memref_slice %arg7[%mul3A_92, %dma_start3A_102] : memref<10112x128xf32, #tpu.memory_space<vmem_shared>> -> memref<624x128xf32, #tpu.memory_space<vmem_shared>>
        tpu.enqueue_dma source(%dma_start3A_103 : memref<624x128xf32, #tpu.memory_space<vmem_shared>>) target(%dma_start3A_101 : memref<624x128xf32, #tpu.memory_space<hbm>>) target_semaphore(%run_scoped3A : memref<!tpu.dma_semaphore, #tpu.memory_space<semaphore_mem>>)
        %dma_wait3A_104 = arith.constant 0 : i32
        %dma_wait3A_105 = tpu.memref_slice %arg5[%mul3A_94, %dma_wait3A_104] : memref<10000x128xf32, #tpu.memory_space<hbm>> -> memref<624x128xf32, #tpu.memory_space<hbm>>
        %dma_wait3A_106 = arith.constant 0 : i32
        %dma_wait3A_107 = tpu.memref_slice %arg7[%mul3A_92, %dma_wait3A_106] : memref<10112x128xf32, #tpu.memory_space<vmem_shared>> -> memref<624x128xf32, #tpu.memory_space<vmem_shared>>
        tpu.wait_dma2 semaphore(%run_scoped3A : memref<!tpu.dma_semaphore, #tpu.memory_space<semaphore_mem>>) src(%dma_wait3A_107 : memref<624x128xf32, #tpu.memory_space<vmem_shared>>) dst(%dma_wait3A_105 : memref<624x128xf32, #tpu.memory_space<hbm>>)
        tpu.yield
      }) : () -> ()
      %eq3A_95 = arith.constant 0 : i32
      %eq3A_96 = arith.cmpi eq, %arg1, %eq3A_95 : i32
      %convert_element_type3A_97 = arith.extui %eq3A_96 : i1 to i32
      %cond3A_98 = arith.constant 0 : i32
      %cond3A_99 = arith.cmpi ne, %convert_element_type3A_97, %cond3A_98 : i32
      scf.if %cond3A_99 {
        "tpu.region"() ({
          %run_scoped3A = tpu.sem_alloc : memref<!tpu.dma_semaphore, #tpu.memory_space<semaphore_mem>>
          %dma_start3A_100 = arith.constant 9984 : i32
          %dma_start3A_101 = arith.constant 0 : i32
          %dma_start3A_102 = tpu.memref_slice %arg5[%dma_start3A_100, %dma_start3A_101] : memref<10000x128xf32, #tpu.memory_space<hbm>> -> memref<16x128xf32, #tpu.memory_space<hbm>>
          %dma_start3A_103 = arith.constant 9984 : i32
          %dma_start3A_104 = arith.constant 0 : i32
          %dma_start3A_105 = tpu.memref_slice %arg7[%dma_start3A_103, %dma_start3A_104] : memref<10112x128xf32, #tpu.memory_space<vmem_shared>> -> memref<16x128xf32, #tpu.memory_space<vmem_shared>>
          tpu.enqueue_dma source(%dma_start3A_105 : memref<16x128xf32, #tpu.memory_space<vmem_shared>>) target(%dma_start3A_102 : memref<16x128xf32, #tpu.memory_space<hbm>>) target_semaphore(%run_scoped3A : memref<!tpu.dma_semaphore, #tpu.memory_space<semaphore_mem>>)
          %dma_wait3A_106 = arith.constant 9984 : i32
          %dma_wait3A_107 = arith.constant 0 : i32
          %dma_wait3A_108 = tpu.memref_slice %arg5[%dma_wait3A_106, %dma_wait3A_107] : memref<10000x128xf32, #tpu.memory_space<hbm>> -> memref<16x128xf32, #tpu.memory_space<hbm>>
          %dma_wait3A_109 = arith.constant 9984 : i32
          %dma_wait3A_110 = arith.constant 0 : i32
          %dma_wait3A_111 = tpu.memref_slice %arg7[%dma_wait3A_109, %dma_wait3A_110] : memref<10112x128xf32, #tpu.memory_space<vmem_shared>> -> memref<16x128xf32, #tpu.memory_space<vmem_shared>>
          tpu.wait_dma2 semaphore(%run_scoped3A : memref<!tpu.dma_semaphore, #tpu.memory_space<semaphore_mem>>) src(%dma_wait3A_111 : memref<16x128xf32, #tpu.memory_space<vmem_shared>>) dst(%dma_wait3A_108 : memref<16x128xf32, #tpu.memory_space<hbm>>)
          tpu.yield
        }) : () -> ()
      } else {
      }
    } else {
    }
    %eq3A_86 = arith.constant 1 : i32
    %eq3A_87 = arith.cmpi eq, %arg0, %eq3A_86 : i32
    %convert_element_type3A_88 = arith.extui %eq3A_87 : i1 to i32
    %cond3A_89 = arith.constant 0 : i32
    %cond3A_90 = arith.cmpi ne, %convert_element_type3A_88, %cond3A_89 : i32
    scf.if %cond3A_90 {
      %mul3A_91 = arith.constant 624 : i32
      %mul3A_92 = arith.muli %arg1, %mul3A_91 : i32
      %mul3A_93 = arith.constant 624 : i32
      %mul3A_94 = arith.muli %arg1, %mul3A_93 : i32
      "tpu.region"() ({
        %run_scoped3A = tpu.sem_alloc : memref<!tpu.dma_semaphore, #tpu.memory_space<semaphore_mem>>
        %dma_start3A_100 = arith.constant 0 : i32
        %dma_start3A_101 = tpu.memref_slice %arg6[%mul3A_94, %dma_start3A_100] : memref<10000x128xf32, #tpu.memory_space<hbm>> -> memref<624x128xf32, #tpu.memory_space<hbm>>
        %dma_start3A_102 = arith.constant 0 : i32
        %dma_start3A_103 = tpu.memref_slice %arg7[%mul3A_92, %dma_start3A_102] : memref<10112x128xf32, #tpu.memory_space<vmem_shared>> -> memref<624x128xf32, #tpu.memory_space<vmem_shared>>
        tpu.enqueue_dma source(%dma_start3A_103 : memref<624x128xf32, #tpu.memory_space<vmem_shared>>) target(%dma_start3A_101 : memref<624x128xf32, #tpu.memory_space<hbm>>) target_semaphore(%run_scoped3A : memref<!tpu.dma_semaphore, #tpu.memory_space<semaphore_mem>>)
        %dma_wait3A_104 = arith.constant 0 : i32
        %dma_wait3A_105 = tpu.memref_slice %arg6[%mul3A_94, %dma_wait3A_104] : memref<10000x128xf32, #tpu.memory_space<hbm>> -> memref<624x128xf32, #tpu.memory_space<hbm>>
        %dma_wait3A_106 = arith.constant 0 : i32
        %dma_wait3A_107 = tpu.memref_slice %arg7[%mul3A_92, %dma_wait3A_106] : memref<10112x128xf32, #tpu.memory_space<vmem_shared>> -> memref<624x128xf32, #tpu.memory_space<vmem_shared>>
        tpu.wait_dma2 semaphore(%run_scoped3A : memref<!tpu.dma_semaphore, #tpu.memory_space<semaphore_mem>>) src(%dma_wait3A_107 : memref<624x128xf32, #tpu.memory_space<vmem_shared>>) dst(%dma_wait3A_105 : memref<624x128xf32, #tpu.memory_space<hbm>>)
        tpu.yield
      }) : () -> ()
      %eq3A_95 = arith.constant 0 : i32
      %eq3A_96 = arith.cmpi eq, %arg1, %eq3A_95 : i32
      %convert_element_type3A_97 = arith.extui %eq3A_96 : i1 to i32
      %cond3A_98 = arith.constant 0 : i32
      %cond3A_99 = arith.cmpi ne, %convert_element_type3A_97, %cond3A_98 : i32
      scf.if %cond3A_99 {
        "tpu.region"() ({
          %run_scoped3A = tpu.sem_alloc : memref<!tpu.dma_semaphore, #tpu.memory_space<semaphore_mem>>
          %dma_start3A_100 = arith.constant 9984 : i32
          %dma_start3A_101 = arith.constant 0 : i32
          %dma_start3A_102 = tpu.memref_slice %arg6[%dma_start3A_100, %dma_start3A_101] : memref<10000x128xf32, #tpu.memory_space<hbm>> -> memref<16x128xf32, #tpu.memory_space<hbm>>
          %dma_start3A_103 = arith.constant 9984 : i32
          %dma_start3A_104 = arith.constant 0 : i32
          %dma_start3A_105 = tpu.memref_slice %arg7[%dma_start3A_103, %dma_start3A_104] : memref<10112x128xf32, #tpu.memory_space<vmem_shared>> -> memref<16x128xf32, #tpu.memory_space<vmem_shared>>
          tpu.enqueue_dma source(%dma_start3A_105 : memref<16x128xf32, #tpu.memory_space<vmem_shared>>) target(%dma_start3A_102 : memref<16x128xf32, #tpu.memory_space<hbm>>) target_semaphore(%run_scoped3A : memref<!tpu.dma_semaphore, #tpu.memory_space<semaphore_mem>>)
          %dma_wait3A_106 = arith.constant 9984 : i32
          %dma_wait3A_107 = arith.constant 0 : i32
          %dma_wait3A_108 = tpu.memref_slice %arg6[%dma_wait3A_106, %dma_wait3A_107] : memref<10000x128xf32, #tpu.memory_space<hbm>> -> memref<16x128xf32, #tpu.memory_space<hbm>>
          %dma_wait3A_109 = arith.constant 9984 : i32
          %dma_wait3A_110 = arith.constant 0 : i32
          %dma_wait3A_111 = tpu.memref_slice %arg7[%dma_wait3A_109, %dma_wait3A_110] : memref<10112x128xf32, #tpu.memory_space<vmem_shared>> -> memref<16x128xf32, #tpu.memory_space<vmem_shared>>
          tpu.wait_dma2 semaphore(%run_scoped3A : memref<!tpu.dma_semaphore, #tpu.memory_space<semaphore_mem>>) src(%dma_wait3A_111 : memref<16x128xf32, #tpu.memory_space<vmem_shared>>) dst(%dma_wait3A_108 : memref<16x128xf32, #tpu.memory_space<hbm>>)
          tpu.yield
        }) : () -> ()
      } else {
      }
    } else {
    }
    return
  }
}

#map = affine_map<(d0, d1) -> (0, 0)>
#map1 = affine_map<(d0, d1) -> (0)>
module attributes {stable_mosaic.version = 14 : i64} {
  func.func @_sc_agg_body(%arg0: i32, %arg1: i32, %arg2: memref<10000x128xf32, #tpu.memory_space<hbm>>, %arg3: memref<320000xi32, #tpu.memory_space<hbm>>, %arg4: memref<320000xi32, #tpu.memory_space<hbm>>, %arg5: memref<10000x128xf32, #tpu.memory_space<hbm>>, %arg6: memref<10000x128xf32, #tpu.memory_space<hbm>>, %arg7: memref<10112x128xf32, #tpu.memory_space<vmem_shared>>, %arg8: memref<128xi32, #tpu.memory_space<vmem>>, %arg9: memref<128xi32, #tpu.memory_space<vmem>>, %arg10: memref<128xi32, #tpu.memory_space<vmem>>, %arg11: memref<128xi32, #tpu.memory_space<vmem>>, %arg12: memref<128xi32, #tpu.memory_space<vmem>>, %arg13: memref<128xi32, #tpu.memory_space<vmem>>, %arg14: memref<16xi32, #tpu.memory_space<vmem>>, %arg15: memref<16xi32, #tpu.memory_space<vmem>>, %arg16: memref<128x128xf32, #tpu.memory_space<vmem>>, %arg17: memref<128x128xf32, #tpu.memory_space<vmem>>, %arg18: memref<128x128xf32, #tpu.memory_space<vmem>>, %arg19: memref<!tpu.dma_semaphore, #tpu.memory_space<semaphore_mem>>, %arg20: memref<!tpu.dma_semaphore, #tpu.memory_space<semaphore_mem>>, %arg21: memref<!tpu.dma_semaphore, #tpu.memory_space<semaphore_mem>>, %arg22: memref<!tpu.dma_semaphore, #tpu.memory_space<semaphore_mem>>, %arg23: memref<!tpu.dma_semaphore, #tpu.memory_space<semaphore_mem>>, %arg24: memref<!tpu.dma_semaphore, #tpu.memory_space<semaphore_mem>>, %arg25: memref<!tpu.dma_semaphore, #tpu.memory_space<semaphore_mem>>, %arg26: memref<!tpu.dma_semaphore, #tpu.memory_space<semaphore_mem>>, %arg27: memref<!tpu.dma_semaphore, #tpu.memory_space<semaphore_mem>>, %arg28: memref<!tpu.dma_semaphore, #tpu.memory_space<semaphore_mem>>, %arg29: memref<!tpu.dma_semaphore, #tpu.memory_space<semaphore_mem>>, %arg30: memref<!tpu.dma_semaphore, #tpu.memory_space<semaphore_mem>>) attributes {dimension_semantics = [#tpu.dimension_semantics<core_parallel>, #tpu.dimension_semantics<subcore_parallel>], iteration_bounds = array<i64: 2, 16>, scalar_prefetch = 0 : i64, scratch_operands = 24 : i64, tpu.core_type = #tpu.core_type<sc_vector_subcore>, window_params = [{transform_indices = #map}, {transform_indices = #map1}, {transform_indices = #map1}, {transform_indices = #map}, {transform_indices = #map}]} {
    %mul3A = arith.constant 16 : i32
    %mul3A_0 = arith.muli %arg0, %mul3A : i32
    %add3A = arith.addi %mul3A_0, %arg1 : i32
    %mul3A_1 = arith.constant 10000 : i32
    %mul3A_2 = arith.muli %add3A, %mul3A_1 : i32
    %broadcast_in_dim3A = arith.constant 0.000000e+00 : f32
    %broadcast_in_dim3A_3 = vector.broadcast %broadcast_in_dim3A : f32 to vector<16xf32>
    %scan3A = arith.constant 0 : i32
    %scan3A_4 = arith.constant 0 : i32
    %scan3A_5 = arith.constant 128 : i32
    %scan3A_6 = arith.addi %scan3A_4, %scan3A_5 : i32
    %scan3A_7 = arith.constant 1 : i32
    scf.for %scan3A_91 = %scan3A_4 to %scan3A_6 step %scan3A_7  : i32 {
      %swap3A = arith.index_cast %scan3A_91 : i32 to index
      %swap3A_92 = arith.constant 0 : index
      %swap3A_93 = tpu.vector_load %arg16[%swap3A, %swap3A_92] {strides = array<i32>} : memref<128x128xf32, #tpu.memory_space<vmem>>, vector<1x16xf32>,
      %swap3A_94 = vector.shape_cast %swap3A_93 : vector<1x16xf32> to vector<16xf32>
      %swap3A_95 = vector.shape_cast %broadcast_in_dim3A_3 : vector<16xf32> to vector<1x16xf32>
      tpu.vector_store %arg16[%swap3A, %swap3A_92], %swap3A_95 {strides = array<i32>} : memref<128x128xf32, #tpu.memory_space<vmem>>, vector<1x16xf32>,
      %swap3A_96 = arith.index_cast %scan3A_91 : i32 to index
      %swap3A_97 = arith.constant 16 : index
      %swap3A_98 = tpu.vector_load %arg16[%swap3A_96, %swap3A_97] {strides = array<i32>} : memref<128x128xf32, #tpu.memory_space<vmem>>, vector<1x16xf32>,
      %swap3A_99 = vector.shape_cast %swap3A_98 : vector<1x16xf32> to vector<16xf32>
      %swap3A_100 = vector.shape_cast %broadcast_in_dim3A_3 : vector<16xf32> to vector<1x16xf32>
      tpu.vector_store %arg16[%swap3A_96, %swap3A_97], %swap3A_100 {strides = array<i32>} : memref<128x128xf32, #tpu.memory_space<vmem>>, vector<1x16xf32>,
      %swap3A_101 = arith.index_cast %scan3A_91 : i32 to index
      %swap3A_102 = arith.constant 32 : index
      %swap3A_103 = tpu.vector_load %arg16[%swap3A_101, %swap3A_102] {strides = array<i32>} : memref<128x128xf32, #tpu.memory_space<vmem>>, vector<1x16xf32>,
      %swap3A_104 = vector.shape_cast %swap3A_103 : vector<1x16xf32> to vector<16xf32>
      %swap3A_105 = vector.shape_cast %broadcast_in_dim3A_3 : vector<16xf32> to vector<1x16xf32>
      tpu.vector_store %arg16[%swap3A_101, %swap3A_102], %swap3A_105 {strides = array<i32>} : memref<128x128xf32, #tpu.memory_space<vmem>>, vector<1x16xf32>,
      %swap3A_106 = arith.index_cast %scan3A_91 : i32 to index
      %swap3A_107 = arith.constant 48 : index
      %swap3A_108 = tpu.vector_load %arg16[%swap3A_106, %swap3A_107] {strides = array<i32>} : memref<128x128xf32, #tpu.memory_space<vmem>>, vector<1x16xf32>,
      %swap3A_109 = vector.shape_cast %swap3A_108 : vector<1x16xf32> to vector<16xf32>
      %swap3A_110 = vector.shape_cast %broadcast_in_dim3A_3 : vector<16xf32> to vector<1x16xf32>
      tpu.vector_store %arg16[%swap3A_106, %swap3A_107], %swap3A_110 {strides = array<i32>} : memref<128x128xf32, #tpu.memory_space<vmem>>, vector<1x16xf32>,
      %swap3A_111 = arith.index_cast %scan3A_91 : i32 to index
      %swap3A_112 = arith.constant 64 : index
      %swap3A_113 = tpu.vector_load %arg16[%swap3A_111, %swap3A_112] {strides = array<i32>} : memref<128x128xf32, #tpu.memory_space<vmem>>, vector<1x16xf32>,
      %swap3A_114 = vector.shape_cast %swap3A_113 : vector<1x16xf32> to vector<16xf32>
      %swap3A_115 = vector.shape_cast %broadcast_in_dim3A_3 : vector<16xf32> to vector<1x16xf32>
      tpu.vector_store %arg16[%swap3A_111, %swap3A_112], %swap3A_115 {strides = array<i32>} : memref<128x128xf32, #tpu.memory_space<vmem>>, vector<1x16xf32>,
      %swap3A_116 = arith.index_cast %scan3A_91 : i32 to index
      %swap3A_117 = arith.constant 80 : index
      %swap3A_118 = tpu.vector_load %arg16[%swap3A_116, %swap3A_117] {strides = array<i32>} : memref<128x128xf32, #tpu.memory_space<vmem>>, vector<1x16xf32>,
      %swap3A_119 = vector.shape_cast %swap3A_118 : vector<1x16xf32> to vector<16xf32>
      %swap3A_120 = vector.shape_cast %broadcast_in_dim3A_3 : vector<16xf32> to vector<1x16xf32>
      tpu.vector_store %arg16[%swap3A_116, %swap3A_117], %swap3A_120 {strides = array<i32>} : memref<128x128xf32, #tpu.memory_space<vmem>>, vector<1x16xf32>,
      %swap3A_121 = arith.index_cast %scan3A_91 : i32 to index
      %swap3A_122 = arith.constant 96 : index
      %swap3A_123 = tpu.vector_load %arg16[%swap3A_121, %swap3A_122] {strides = array<i32>} : memref<128x128xf32, #tpu.memory_space<vmem>>, vector<1x16xf32>,
      %swap3A_124 = vector.shape_cast %swap3A_123 : vector<1x16xf32> to vector<16xf32>
      %swap3A_125 = vector.shape_cast %broadcast_in_dim3A_3 : vector<16xf32> to vector<1x16xf32>
      tpu.vector_store %arg16[%swap3A_121, %swap3A_122], %swap3A_125 {strides = array<i32>} : memref<128x128xf32, #tpu.memory_space<vmem>>, vector<1x16xf32>,
      %swap3A_126 = arith.index_cast %scan3A_91 : i32 to index
      %swap3A_127 = arith.constant 112 : index
      %swap3A_128 = tpu.vector_load %arg16[%swap3A_126, %swap3A_127] {strides = array<i32>} : memref<128x128xf32, #tpu.memory_space<vmem>>, vector<1x16xf32>,
      %swap3A_129 = vector.shape_cast %swap3A_128 : vector<1x16xf32> to vector<16xf32>
      %swap3A_130 = vector.shape_cast %broadcast_in_dim3A_3 : vector<16xf32> to vector<1x16xf32>
      tpu.vector_store %arg16[%swap3A_126, %swap3A_127], %swap3A_130 {strides = array<i32>} : memref<128x128xf32, #tpu.memory_space<vmem>>, vector<1x16xf32>,
    }
    %scan3A_8 = arith.constant 128 : i32
    %mul3A_9 = arith.constant 632 : i32
    %mul3A_10 = arith.muli %arg1, %mul3A_9 : i32
    %add3A_11 = arith.constant 0 : i32
    %add3A_12 = arith.addi %mul3A_10, %add3A_11 : i32
    "tpu.region"() ({
      %run_scoped3A = tpu.sem_alloc : memref<!tpu.dma_semaphore, #tpu.memory_space<semaphore_mem>>
      %dma_start3A_91 = arith.constant 0 : i32
      %dma_start3A_92 = tpu.memref_slice %arg7[%add3A_12, %dma_start3A_91] : memref<10112x128xf32, #tpu.memory_space<vmem_shared>> -> memref<128x128xf32, #tpu.memory_space<vmem_shared>>
      %dma_start3A_93 = arith.constant 0 : i32
      %dma_start3A_94 = tpu.memref_slice %arg7[%add3A_12, %dma_start3A_93] : memref<10112x128xf32, #tpu.memory_space<vmem_shared>> -> memref<128x128xf32, #tpu.memory_space<vmem_shared>>
      tpu.enqueue_dma source(%arg16 : memref<128x128xf32, #tpu.memory_space<vmem>>) target(%dma_start3A_94 : memref<128x128xf32, #tpu.memory_space<vmem_shared>>) target_semaphore(%run_scoped3A : memref<!tpu.dma_semaphore, #tpu.memory_space<semaphore_mem>>)
      %dma_wait3A_95 = arith.constant 0 : i32
      %dma_wait3A_96 = tpu.memref_slice %arg7[%add3A_12, %dma_wait3A_95] : memref<10112x128xf32, #tpu.memory_space<vmem_shared>> -> memref<128x128xf32, #tpu.memory_space<vmem_shared>>
      %dma_wait3A_97 = arith.constant 0 : i32
      %dma_wait3A_98 = tpu.memref_slice %arg7[%add3A_12, %dma_wait3A_97] : memref<10112x128xf32, #tpu.memory_space<vmem_shared>> -> memref<128x128xf32, #tpu.memory_space<vmem_shared>>
      tpu.wait_dma2 semaphore(%run_scoped3A : memref<!tpu.dma_semaphore, #tpu.memory_space<semaphore_mem>>) src(%arg16 : memref<128x128xf32, #tpu.memory_space<vmem>>) dst(%dma_wait3A_98 : memref<128x128xf32, #tpu.memory_space<vmem_shared>>)
      tpu.yield
    }) : () -> ()
    %mul3A_13 = arith.constant 632 : i32
    %mul3A_14 = arith.muli %arg1, %mul3A_13 : i32
    %add3A_15 = arith.constant 128 : i32
    %add3A_16 = arith.addi %mul3A_14, %add3A_15 : i32
    "tpu.region"() ({
      %run_scoped3A = tpu.sem_alloc : memref<!tpu.dma_semaphore, #tpu.memory_space<semaphore_mem>>
      %dma_start3A_91 = arith.constant 0 : i32
      %dma_start3A_92 = tpu.memref_slice %arg7[%add3A_16, %dma_start3A_91] : memref<10112x128xf32, #tpu.memory_space<vmem_shared>> -> memref<128x128xf32, #tpu.memory_space<vmem_shared>>
      %dma_start3A_93 = arith.constant 0 : i32
      %dma_start3A_94 = tpu.memref_slice %arg7[%add3A_16, %dma_start3A_93] : memref<10112x128xf32, #tpu.memory_space<vmem_shared>> -> memref<128x128xf32, #tpu.memory_space<vmem_shared>>
      tpu.enqueue_dma source(%arg16 : memref<128x128xf32, #tpu.memory_space<vmem>>) target(%dma_start3A_94 : memref<128x128xf32, #tpu.memory_space<vmem_shared>>) target_semaphore(%run_scoped3A : memref<!tpu.dma_semaphore, #tpu.memory_space<semaphore_mem>>)
      %dma_wait3A_95 = arith.constant 0 : i32
      %dma_wait3A_96 = tpu.memref_slice %arg7[%add3A_16, %dma_wait3A_95] : memref<10112x128xf32, #tpu.memory_space<vmem_shared>> -> memref<128x128xf32, #tpu.memory_space<vmem_shared>>
      %dma_wait3A_97 = arith.constant 0 : i32
      %dma_wait3A_98 = tpu.memref_slice %arg7[%add3A_16, %dma_wait3A_97] : memref<10112x128xf32, #tpu.memory_space<vmem_shared>> -> memref<128x128xf32, #tpu.memory_space<vmem_shared>>
      tpu.wait_dma2 semaphore(%run_scoped3A : memref<!tpu.dma_semaphore, #tpu.memory_space<semaphore_mem>>) src(%arg16 : memref<128x128xf32, #tpu.memory_space<vmem>>) dst(%dma_wait3A_98 : memref<128x128xf32, #tpu.memory_space<vmem_shared>>)
      tpu.yield
    }) : () -> ()
    %mul3A_17 = arith.constant 632 : i32
    %mul3A_18 = arith.muli %arg1, %mul3A_17 : i32
    %add3A_19 = arith.constant 256 : i32
    %add3A_20 = arith.addi %mul3A_18, %add3A_19 : i32
    "tpu.region"() ({
      %run_scoped3A = tpu.sem_alloc : memref<!tpu.dma_semaphore, #tpu.memory_space<semaphore_mem>>
      %dma_start3A_91 = arith.constant 0 : i32
      %dma_start3A_92 = tpu.memref_slice %arg7[%add3A_20, %dma_start3A_91] : memref<10112x128xf32, #tpu.memory_space<vmem_shared>> -> memref<128x128xf32, #tpu.memory_space<vmem_shared>>
      %dma_start3A_93 = arith.constant 0 : i32
      %dma_start3A_94 = tpu.memref_slice %arg7[%add3A_20, %dma_start3A_93] : memref<10112x128xf32, #tpu.memory_space<vmem_shared>> -> memref<128x128xf32, #tpu.memory_space<vmem_shared>>
      tpu.enqueue_dma source(%arg16 : memref<128x128xf32, #tpu.memory_space<vmem>>) target(%dma_start3A_94 : memref<128x128xf32, #tpu.memory_space<vmem_shared>>) target_semaphore(%run_scoped3A : memref<!tpu.dma_semaphore, #tpu.memory_space<semaphore_mem>>)
      %dma_wait3A_95 = arith.constant 0 : i32
      %dma_wait3A_96 = tpu.memref_slice %arg7[%add3A_20, %dma_wait3A_95] : memref<10112x128xf32, #tpu.memory_space<vmem_shared>> -> memref<128x128xf32, #tpu.memory_space<vmem_shared>>
      %dma_wait3A_97 = arith.constant 0 : i32
      %dma_wait3A_98 = tpu.memref_slice %arg7[%add3A_20, %dma_wait3A_97] : memref<10112x128xf32, #tpu.memory_space<vmem_shared>> -> memref<128x128xf32, #tpu.memory_space<vmem_shared>>
      tpu.wait_dma2 semaphore(%run_scoped3A : memref<!tpu.dma_semaphore, #tpu.memory_space<semaphore_mem>>) src(%arg16 : memref<128x128xf32, #tpu.memory_space<vmem>>) dst(%dma_wait3A_98 : memref<128x128xf32, #tpu.memory_space<vmem_shared>>)
      tpu.yield
    }) : () -> ()
    %mul3A_21 = arith.constant 632 : i32
    %mul3A_22 = arith.muli %arg1, %mul3A_21 : i32
    %add3A_23 = arith.constant 384 : i32
    %add3A_24 = arith.addi %mul3A_22, %add3A_23 : i32
    "tpu.region"() ({
      %run_scoped3A = tpu.sem_alloc : memref<!tpu.dma_semaphore, #tpu.memory_space<semaphore_mem>>
      %dma_start3A_91 = arith.constant 0 : i32
      %dma_start3A_92 = tpu.memref_slice %arg7[%add3A_24, %dma_start3A_91] : memref<10112x128xf32, #tpu.memory_space<vmem_shared>> -> memref<128x128xf32, #tpu.memory_space<vmem_shared>>
      %dma_start3A_93 = arith.constant 0 : i32
      %dma_start3A_94 = tpu.memref_slice %arg7[%add3A_24, %dma_start3A_93] : memref<10112x128xf32, #tpu.memory_space<vmem_shared>> -> memref<128x128xf32, #tpu.memory_space<vmem_shared>>
      tpu.enqueue_dma source(%arg16 : memref<128x128xf32, #tpu.memory_space<vmem>>) target(%dma_start3A_94 : memref<128x128xf32, #tpu.memory_space<vmem_shared>>) target_semaphore(%run_scoped3A : memref<!tpu.dma_semaphore, #tpu.memory_space<semaphore_mem>>)
      %dma_wait3A_95 = arith.constant 0 : i32
      %dma_wait3A_96 = tpu.memref_slice %arg7[%add3A_24, %dma_wait3A_95] : memref<10112x128xf32, #tpu.memory_space<vmem_shared>> -> memref<128x128xf32, #tpu.memory_space<vmem_shared>>
      %dma_wait3A_97 = arith.constant 0 : i32
      %dma_wait3A_98 = tpu.memref_slice %arg7[%add3A_24, %dma_wait3A_97] : memref<10112x128xf32, #tpu.memory_space<vmem_shared>> -> memref<128x128xf32, #tpu.memory_space<vmem_shared>>
      tpu.wait_dma2 semaphore(%run_scoped3A : memref<!tpu.dma_semaphore, #tpu.memory_space<semaphore_mem>>) src(%arg16 : memref<128x128xf32, #tpu.memory_space<vmem>>) dst(%dma_wait3A_98 : memref<128x128xf32, #tpu.memory_space<vmem_shared>>)
      tpu.yield
    }) : () -> ()
    %mul3A_25 = arith.constant 632 : i32
    %mul3A_26 = arith.muli %arg1, %mul3A_25 : i32
    %add3A_27 = arith.constant 512 : i32
    %add3A_28 = arith.addi %mul3A_26, %add3A_27 : i32
    "tpu.region"() ({
      %run_scoped3A = tpu.sem_alloc : memref<!tpu.dma_semaphore, #tpu.memory_space<semaphore_mem>>
      %dma_start3A_91 = arith.constant 0 : i32
      %dma_start3A_92 = arith.constant 0 : i32
      %dma_start3A_93 = tpu.memref_slice %arg16[%dma_start3A_91, %dma_start3A_92] : memref<128x128xf32, #tpu.memory_space<vmem>> -> memref<120x128xf32, #tpu.memory_space<vmem>>
      %dma_start3A_94 = arith.constant 0 : i32
      %dma_start3A_95 = tpu.memref_slice %arg7[%add3A_28, %dma_start3A_94] : memref<10112x128xf32, #tpu.memory_space<vmem_shared>> -> memref<120x128xf32, #tpu.memory_space<vmem_shared>>
      %dma_start3A_96 = arith.constant 0 : i32
      %dma_start3A_97 = tpu.memref_slice %arg7[%add3A_28, %dma_start3A_96] : memref<10112x128xf32, #tpu.memory_space<vmem_shared>> -> memref<120x128xf32, #tpu.memory_space<vmem_shared>>
      %dma_start3A_98 = arith.constant 0 : i32
      %dma_start3A_99 = arith.constant 0 : i32
      %dma_start3A_100 = tpu.memref_slice %arg16[%dma_start3A_98, %dma_start3A_99] : memref<128x128xf32, #tpu.memory_space<vmem>> -> memref<120x128xf32, #tpu.memory_space<vmem>>
      tpu.enqueue_dma source(%dma_start3A_100 : memref<120x128xf32, #tpu.memory_space<vmem>>) target(%dma_start3A_97 : memref<120x128xf32, #tpu.memory_space<vmem_shared>>) target_semaphore(%run_scoped3A : memref<!tpu.dma_semaphore, #tpu.memory_space<semaphore_mem>>)
      %dma_wait3A_101 = arith.constant 0 : i32
      %dma_wait3A_102 = arith.constant 0 : i32
      %dma_wait3A_103 = tpu.memref_slice %arg16[%dma_wait3A_101, %dma_wait3A_102] : memref<128x128xf32, #tpu.memory_space<vmem>> -> memref<120x128xf32, #tpu.memory_space<vmem>>
      %dma_wait3A_104 = arith.constant 0 : i32
      %dma_wait3A_105 = tpu.memref_slice %arg7[%add3A_28, %dma_wait3A_104] : memref<10112x128xf32, #tpu.memory_space<vmem_shared>> -> memref<120x128xf32, #tpu.memory_space<vmem_shared>>
      %dma_wait3A_106 = arith.constant 0 : i32
      %dma_wait3A_107 = tpu.memref_slice %arg7[%add3A_28, %dma_wait3A_106] : memref<10112x128xf32, #tpu.memory_space<vmem_shared>> -> memref<120x128xf32, #tpu.memory_space<vmem_shared>>
      %dma_wait3A_108 = arith.constant 0 : i32
      %dma_wait3A_109 = arith.constant 0 : i32
      %dma_wait3A_110 = tpu.memref_slice %arg16[%dma_wait3A_108, %dma_wait3A_109] : memref<128x128xf32, #tpu.memory_space<vmem>> -> memref<120x128xf32, #tpu.memory_space<vmem>>
      tpu.wait_dma2 semaphore(%run_scoped3A : memref<!tpu.dma_semaphore, #tpu.memory_space<semaphore_mem>>) src(%dma_wait3A_110 : memref<120x128xf32, #tpu.memory_space<vmem>>) dst(%dma_wait3A_107 : memref<120x128xf32, #tpu.memory_space<vmem_shared>>)
      tpu.yield
    }) : () -> ()
    %add3A_29 = arith.constant 0 : i32
    %add3A_30 = arith.addi %mul3A_2, %add3A_29 : i32
    %dma_start3A = tpu.memref_slice %arg3[%add3A_30] : memref<320000xi32, #tpu.memory_space<hbm>> -> memref<128xi32, #tpu.memory_space<hbm>>
    %dma_start3A_31 = tpu.memref_slice %arg3[%add3A_30] : memref<320000xi32, #tpu.memory_space<hbm>> -> memref<128xi32, #tpu.memory_space<hbm>>
    tpu.enqueue_dma source(%dma_start3A_31 : memref<128xi32, #tpu.memory_space<hbm>>) target(%arg8 : memref<128xi32, #tpu.memory_space<vmem>>) target_semaphore(%arg25 : memref<!tpu.dma_semaphore, #tpu.memory_space<semaphore_mem>>)
    %add3A_32 = arith.constant 128 : i32
    %add3A_33 = arith.addi %mul3A_2, %add3A_32 : i32
    %dma_start3A_34 = tpu.memref_slice %arg3[%add3A_33] : memref<320000xi32, #tpu.memory_space<hbm>> -> memref<128xi32, #tpu.memory_space<hbm>>
    %dma_start3A_35 = tpu.memref_slice %arg3[%add3A_33] : memref<320000xi32, #tpu.memory_space<hbm>> -> memref<128xi32, #tpu.memory_space<hbm>>
    tpu.enqueue_dma source(%dma_start3A_35 : memref<128xi32, #tpu.memory_space<hbm>>) target(%arg9 : memref<128xi32, #tpu.memory_space<vmem>>) target_semaphore(%arg26 : memref<!tpu.dma_semaphore, #tpu.memory_space<semaphore_mem>>)
    %add3A_36 = arith.constant 256 : i32
    %add3A_37 = arith.addi %mul3A_2, %add3A_36 : i32
    %dma_start3A_38 = tpu.memref_slice %arg3[%add3A_37] : memref<320000xi32, #tpu.memory_space<hbm>> -> memref<128xi32, #tpu.memory_space<hbm>>
    %dma_start3A_39 = tpu.memref_slice %arg3[%add3A_37] : memref<320000xi32, #tpu.memory_space<hbm>> -> memref<128xi32, #tpu.memory_space<hbm>>
    tpu.enqueue_dma source(%dma_start3A_39 : memref<128xi32, #tpu.memory_space<hbm>>) target(%arg10 : memref<128xi32, #tpu.memory_space<vmem>>) target_semaphore(%arg27 : memref<!tpu.dma_semaphore, #tpu.memory_space<semaphore_mem>>)
    %add3A_40 = arith.constant 0 : i32
    %add3A_41 = arith.addi %mul3A_2, %add3A_40 : i32
    %dma_start3A_42 = tpu.memref_slice %arg4[%add3A_41] : memref<320000xi32, #tpu.memory_space<hbm>> -> memref<128xi32, #tpu.memory_space<hbm>>
    %dma_start3A_43 = tpu.memref_slice %arg4[%add3A_41] : memref<320000xi32, #tpu.memory_space<hbm>> -> memref<128xi32, #tpu.memory_space<hbm>>
    tpu.enqueue_dma source(%dma_start3A_43 : memref<128xi32, #tpu.memory_space<hbm>>) target(%arg11 : memref<128xi32, #tpu.memory_space<vmem>>) target_semaphore(%arg28 : memref<!tpu.dma_semaphore, #tpu.memory_space<semaphore_mem>>)
    %add3A_44 = arith.constant 128 : i32
    %add3A_45 = arith.addi %mul3A_2, %add3A_44 : i32
    %dma_start3A_46 = tpu.memref_slice %arg4[%add3A_45] : memref<320000xi32, #tpu.memory_space<hbm>> -> memref<128xi32, #tpu.memory_space<hbm>>
    %dma_start3A_47 = tpu.memref_slice %arg4[%add3A_45] : memref<320000xi32, #tpu.memory_space<hbm>> -> memref<128xi32, #tpu.memory_space<hbm>>
    tpu.enqueue_dma source(%dma_start3A_47 : memref<128xi32, #tpu.memory_space<hbm>>) target(%arg12 : memref<128xi32, #tpu.memory_space<vmem>>) target_semaphore(%arg29 : memref<!tpu.dma_semaphore, #tpu.memory_space<semaphore_mem>>)
    %dma_wait3A = arith.constant 0 : i32
    %dma_wait3A_48 = tpu.memref_slice %arg3[%dma_wait3A] : memref<320000xi32, #tpu.memory_space<hbm>> -> memref<128xi32, #tpu.memory_space<hbm>>
    %dma_wait3A_49 = arith.constant 0 : i32
    %dma_wait3A_50 = tpu.memref_slice %arg3[%dma_wait3A_49] : memref<320000xi32, #tpu.memory_space<hbm>> -> memref<128xi32, #tpu.memory_space<hbm>>
    tpu.wait_dma2 semaphore(%arg25 : memref<!tpu.dma_semaphore, #tpu.memory_space<semaphore_mem>>) src(%dma_wait3A_50 : memref<128xi32, #tpu.memory_space<hbm>>) dst(%arg8 : memref<128xi32, #tpu.memory_space<vmem>>)
    %dma_start3A_51 = arith.constant 0 : i32
    %dma_start3A_52 = arith.constant 0 : i32
    %dma_start3A_53 = tpu.memref_slice %arg2[%dma_start3A_51, %dma_start3A_52] : memref<10000x128xf32, #tpu.memory_space<hbm>> -> memref<10000x128xf32, #tpu.memory_space<hbm>>
    tpu.enqueue_indirect_dma source(%dma_start3A_53 : memref<10000x128xf32, #tpu.memory_space<hbm>>) target(%arg16 : memref<128x128xf32, #tpu.memory_space<vmem>>) offsets(%arg8 : memref<128xi32, #tpu.memory_space<vmem>>) semaphore(%arg19 : memref<!tpu.dma_semaphore, #tpu.memory_space<semaphore_mem>>)
    %dma_wait3A_54 = arith.constant 0 : i32
    %dma_wait3A_55 = tpu.memref_slice %arg3[%dma_wait3A_54] : memref<320000xi32, #tpu.memory_space<hbm>> -> memref<128xi32, #tpu.memory_space<hbm>>
    %dma_wait3A_56 = arith.constant 0 : i32
    %dma_wait3A_57 = tpu.memref_slice %arg3[%dma_wait3A_56] : memref<320000xi32, #tpu.memory_space<hbm>> -> memref<128xi32, #tpu.memory_space<hbm>>
    tpu.wait_dma2 semaphore(%arg26 : memref<!tpu.dma_semaphore, #tpu.memory_space<semaphore_mem>>) src(%dma_wait3A_57 : memref<128xi32, #tpu.memory_space<hbm>>) dst(%arg9 : memref<128xi32, #tpu.memory_space<vmem>>)
    %dma_start3A_58 = arith.constant 0 : i32
    %dma_start3A_59 = arith.constant 0 : i32
    %dma_start3A_60 = tpu.memref_slice %arg2[%dma_start3A_58, %dma_start3A_59] : memref<10000x128xf32, #tpu.memory_space<hbm>> -> memref<10000x128xf32, #tpu.memory_space<hbm>>
    tpu.enqueue_indirect_dma source(%dma_start3A_60 : memref<10000x128xf32, #tpu.memory_space<hbm>>) target(%arg17 : memref<128x128xf32, #tpu.memory_space<vmem>>) offsets(%arg9 : memref<128xi32, #tpu.memory_space<vmem>>) semaphore(%arg20 : memref<!tpu.dma_semaphore, #tpu.memory_space<semaphore_mem>>)
    %barrier3A = arith.constant 0 : index
    tpu.barrier barrier_id(%barrier3A)
    %scan3A_61 = arith.constant 0 : i32
    %scan3A_62 = arith.constant 0 : i32
    %scan3A_63 = arith.constant 26 : i32
    %scan3A_64 = arith.addi %scan3A_62, %scan3A_63 : i32
    %scan3A_65 = arith.constant 1 : i32
    scf.for %scan3A_91 = %scan3A_62 to %scan3A_64 step %scan3A_65  : i32 {
      %mul3A_92 = arith.constant 3 : i32
      %mul3A_93 = arith.muli %mul3A_92, %scan3A_91 : i32
      %add3A_94 = arith.constant 0 : i32
      %add3A_95 = arith.addi %mul3A_93, %add3A_94 : i32
      %dma_wait3A_96 = arith.constant 0 : i32
      %dma_wait3A_97 = arith.constant 0 : i32
      %dma_wait3A_98 = tpu.memref_slice %arg2[%dma_wait3A_96, %dma_wait3A_97] : memref<10000x128xf32, #tpu.memory_space<hbm>> -> memref<128x128xf32, #tpu.memory_space<hbm>>
      %dma_wait3A_99 = arith.constant 0 : i32
      %dma_wait3A_100 = arith.constant 0 : i32
      %dma_wait3A_101 = tpu.memref_slice %arg2[%dma_wait3A_99, %dma_wait3A_100] : memref<10000x128xf32, #tpu.memory_space<hbm>> -> memref<128x128xf32, #tpu.memory_space<hbm>>
      tpu.wait_dma2 semaphore(%arg19 : memref<!tpu.dma_semaphore, #tpu.memory_space<semaphore_mem>>) src(%dma_wait3A_101 : memref<128x128xf32, #tpu.memory_space<hbm>>) dst(%arg16 : memref<128x128xf32, #tpu.memory_space<vmem>>)
      %dma_wait3A_102 = arith.constant 0 : i32
      %dma_wait3A_103 = tpu.memref_slice %arg4[%dma_wait3A_102] : memref<320000xi32, #tpu.memory_space<hbm>> -> memref<128xi32, #tpu.memory_space<hbm>>
      %dma_wait3A_104 = arith.constant 0 : i32
      %dma_wait3A_105 = tpu.memref_slice %arg4[%dma_wait3A_104] : memref<320000xi32, #tpu.memory_space<hbm>> -> memref<128xi32, #tpu.memory_space<hbm>>
      tpu.wait_dma2 semaphore(%arg28 : memref<!tpu.dma_semaphore, #tpu.memory_space<semaphore_mem>>) src(%dma_wait3A_105 : memref<128xi32, #tpu.memory_space<hbm>>) dst(%arg11 : memref<128xi32, #tpu.memory_space<vmem>>)
      "tpu.region"() ({
        %run_scoped3A = tpu.sem_alloc : memref<!tpu.dma_semaphore, #tpu.memory_space<semaphore_mem>>
        %dma_start3A_175 = arith.constant 0 : i32
        %dma_start3A_176 = arith.constant 0 : i32
        %dma_start3A_177 = tpu.memref_slice %arg7[%dma_start3A_175, %dma_start3A_176] : memref<10112x128xf32, #tpu.memory_space<vmem_shared>> -> memref<10112x128xf32, #tpu.memory_space<vmem_shared>>
        tpu.enqueue_indirect_dma source(%arg16 : memref<128x128xf32, #tpu.memory_space<vmem>>) target(%dma_start3A_177 : memref<10112x128xf32, #tpu.memory_space<vmem_shared>>) offsets(%arg11 : memref<128xi32, #tpu.memory_space<vmem>>) semaphore(%run_scoped3A : memref<!tpu.dma_semaphore, #tpu.memory_space<semaphore_mem>>) {add = true}
        %dma_wait3A_178 = arith.constant 0 : i32
        %dma_wait3A_179 = arith.constant 0 : i32
        %dma_wait3A_180 = tpu.memref_slice %arg7[%dma_wait3A_178, %dma_wait3A_179] : memref<10112x128xf32, #tpu.memory_space<vmem_shared>> -> memref<10112x128xf32, #tpu.memory_space<vmem_shared>>
        tpu.wait_indirect_dma semaphore(%run_scoped3A : memref<!tpu.dma_semaphore, #tpu.memory_space<semaphore_mem>>) src(%arg16 : memref<128x128xf32, #tpu.memory_space<vmem>>) dst(%dma_wait3A_180 : memref<10112x128xf32, #tpu.memory_space<vmem_shared>>)
        tpu.yield
      }) : () -> ()
      %add3A_106 = arith.constant 3 : i32
      %add3A_107 = arith.addi %add3A_95, %add3A_106 : i32
      %lt3A = arith.constant 78 : i32
      %lt3A_108 = arith.cmpi slt, %add3A_107, %lt3A : i32
      %convert_element_type3A_109 = arith.extui %lt3A_108 : i1 to i32
      %cond3A_110 = arith.constant 0 : i32
      %cond3A_111 = arith.cmpi ne, %convert_element_type3A_109, %cond3A_110 : i32
      scf.if %cond3A_111 {
        %add3A_175 = arith.constant 3 : i32
        %add3A_176 = arith.addi %add3A_95, %add3A_175 : i32
        %mul3A_177 = arith.constant 128 : i32
        %mul3A_178 = arith.muli %add3A_176, %mul3A_177 : i32
        %add3A_179 = arith.addi %mul3A_2, %mul3A_178 : i32
        %dma_start3A_180 = tpu.memref_slice %arg3[%add3A_179] : memref<320000xi32, #tpu.memory_space<hbm>> -> memref<128xi32, #tpu.memory_space<hbm>>
        %dma_start3A_181 = tpu.memref_slice %arg3[%add3A_179] : memref<320000xi32, #tpu.memory_space<hbm>> -> memref<128xi32, #tpu.memory_space<hbm>>
        tpu.enqueue_dma source(%dma_start3A_181 : memref<128xi32, #tpu.memory_space<hbm>>) target(%arg8 : memref<128xi32, #tpu.memory_space<vmem>>) target_semaphore(%arg25 : memref<!tpu.dma_semaphore, #tpu.memory_space<semaphore_mem>>)
      } else {
      }
      %add3A_112 = arith.constant 2 : i32
      %add3A_113 = arith.addi %add3A_95, %add3A_112 : i32
      %lt3A_114 = arith.constant 78 : i32
      %lt3A_115 = arith.cmpi slt, %add3A_113, %lt3A_114 : i32
      %convert_element_type3A_116 = arith.extui %lt3A_115 : i1 to i32
      %cond3A_117 = arith.constant 0 : i32
      %cond3A_118 = arith.cmpi ne, %convert_element_type3A_116, %cond3A_117 : i32
      scf.if %cond3A_118 {
        %add3A_175 = arith.constant 2 : i32
        %add3A_176 = arith.addi %add3A_95, %add3A_175 : i32
        %mul3A_177 = arith.constant 128 : i32
        %mul3A_178 = arith.muli %add3A_176, %mul3A_177 : i32
        %add3A_179 = arith.addi %mul3A_2, %mul3A_178 : i32
        %dma_start3A_180 = tpu.memref_slice %arg4[%add3A_179] : memref<320000xi32, #tpu.memory_space<hbm>> -> memref<128xi32, #tpu.memory_space<hbm>>
        %dma_start3A_181 = tpu.memref_slice %arg4[%add3A_179] : memref<320000xi32, #tpu.memory_space<hbm>> -> memref<128xi32, #tpu.memory_space<hbm>>
        tpu.enqueue_dma source(%dma_start3A_181 : memref<128xi32, #tpu.memory_space<hbm>>) target(%arg13 : memref<128xi32, #tpu.memory_space<vmem>>) target_semaphore(%arg30 : memref<!tpu.dma_semaphore, #tpu.memory_space<semaphore_mem>>)
        %dma_wait3A_182 = arith.constant 0 : i32
        %dma_wait3A_183 = tpu.memref_slice %arg3[%dma_wait3A_182] : memref<320000xi32, #tpu.memory_space<hbm>> -> memref<128xi32, #tpu.memory_space<hbm>>
        %dma_wait3A_184 = arith.constant 0 : i32
        %dma_wait3A_185 = tpu.memref_slice %arg3[%dma_wait3A_184] : memref<320000xi32, #tpu.memory_space<hbm>> -> memref<128xi32, #tpu.memory_space<hbm>>
        tpu.wait_dma2 semaphore(%arg27 : memref<!tpu.dma_semaphore, #tpu.memory_space<semaphore_mem>>) src(%dma_wait3A_185 : memref<128xi32, #tpu.memory_space<hbm>>) dst(%arg10 : memref<128xi32, #tpu.memory_space<vmem>>)
        %dma_start3A_186 = arith.constant 0 : i32
        %dma_start3A_187 = arith.constant 0 : i32
        %dma_start3A_188 = tpu.memref_slice %arg2[%dma_start3A_186, %dma_start3A_187] : memref<10000x128xf32, #tpu.memory_space<hbm>> -> memref<10000x128xf32, #tpu.memory_space<hbm>>
        tpu.enqueue_indirect_dma source(%dma_start3A_188 : memref<10000x128xf32, #tpu.memory_space<hbm>>) target(%arg18 : memref<128x128xf32, #tpu.memory_space<vmem>>) offsets(%arg10 : memref<128xi32, #tpu.memory_space<vmem>>) semaphore(%arg21 : memref<!tpu.dma_semaphore, #tpu.memory_space<semaphore_mem>>)
      } else {
      }
      %mul3A_119 = arith.constant 3 : i32
      %mul3A_120 = arith.muli %mul3A_119, %scan3A_91 : i32
      %add3A_121 = arith.constant 1 : i32
      %add3A_122 = arith.addi %mul3A_120, %add3A_121 : i32
      %dma_wait3A_123 = arith.constant 0 : i32
      %dma_wait3A_124 = arith.constant 0 : i32
      %dma_wait3A_125 = tpu.memref_slice %arg2[%dma_wait3A_123, %dma_wait3A_124] : memref<10000x128xf32, #tpu.memory_space<hbm>> -> memref<128x128xf32, #tpu.memory_space<hbm>>
      %dma_wait3A_126 = arith.constant 0 : i32
      %dma_wait3A_127 = arith.constant 0 : i32
      %dma_wait3A_128 = tpu.memref_slice %arg2[%dma_wait3A_126, %dma_wait3A_127] : memref<10000x128xf32, #tpu.memory_space<hbm>> -> memref<128x128xf32, #tpu.memory_space<hbm>>
      tpu.wait_dma2 semaphore(%arg20 : memref<!tpu.dma_semaphore, #tpu.memory_space<semaphore_mem>>) src(%dma_wait3A_128 : memref<128x128xf32, #tpu.memory_space<hbm>>) dst(%arg17 : memref<128x128xf32, #tpu.memory_space<vmem>>)
      %dma_wait3A_129 = arith.constant 0 : i32
      %dma_wait3A_130 = tpu.memref_slice %arg4[%dma_wait3A_129] : memref<320000xi32, #tpu.memory_space<hbm>> -> memref<128xi32, #tpu.memory_space<hbm>>
      %dma_wait3A_131 = arith.constant 0 : i32
      %dma_wait3A_132 = tpu.memref_slice %arg4[%dma_wait3A_131] : memref<320000xi32, #tpu.memory_space<hbm>> -> memref<128xi32, #tpu.memory_space<hbm>>
      tpu.wait_dma2 semaphore(%arg29 : memref<!tpu.dma_semaphore, #tpu.memory_space<semaphore_mem>>) src(%dma_wait3A_132 : memref<128xi32, #tpu.memory_space<hbm>>) dst(%arg12 : memref<128xi32, #tpu.memory_space<vmem>>)
      "tpu.region"() ({
        %run_scoped3A = tpu.sem_alloc : memref<!tpu.dma_semaphore, #tpu.memory_space<semaphore_mem>>
        %dma_start3A_175 = arith.constant 0 : i32
        %dma_start3A_176 = arith.constant 0 : i32
        %dma_start3A_177 = tpu.memref_slice %arg7[%dma_start3A_175, %dma_start3A_176] : memref<10112x128xf32, #tpu.memory_space<vmem_shared>> -> memref<10112x128xf32, #tpu.memory_space<vmem_shared>>
        tpu.enqueue_indirect_dma source(%arg17 : memref<128x128xf32, #tpu.memory_space<vmem>>) target(%dma_start3A_177 : memref<10112x128xf32, #tpu.memory_space<vmem_shared>>) offsets(%arg12 : memref<128xi32, #tpu.memory_space<vmem>>) semaphore(%run_scoped3A : memref<!tpu.dma_semaphore, #tpu.memory_space<semaphore_mem>>) {add = true}
        %dma_wait3A_178 = arith.constant 0 : i32
        %dma_wait3A_179 = arith.constant 0 : i32
        %dma_wait3A_180 = tpu.memref_slice %arg7[%dma_wait3A_178, %dma_wait3A_179] : memref<10112x128xf32, #tpu.memory_space<vmem_shared>> -> memref<10112x128xf32, #tpu.memory_space<vmem_shared>>
        tpu.wait_indirect_dma semaphore(%run_scoped3A : memref<!tpu.dma_semaphore, #tpu.memory_space<semaphore_mem>>) src(%arg17 : memref<128x128xf32, #tpu.memory_space<vmem>>) dst(%dma_wait3A_180 : memref<10112x128xf32, #tpu.memory_space<vmem_shared>>)
        tpu.yield
      }) : () -> ()
      %add3A_133 = arith.constant 3 : i32
      %add3A_134 = arith.addi %add3A_122, %add3A_133 : i32
      %lt3A_135 = arith.constant 78 : i32
      %lt3A_136 = arith.cmpi slt, %add3A_134, %lt3A_135 : i32
      %convert_element_type3A_137 = arith.extui %lt3A_136 : i1 to i32
      %cond3A_138 = arith.constant 0 : i32
      %cond3A_139 = arith.cmpi ne, %convert_element_type3A_137, %cond3A_138 : i32
      scf.if %cond3A_139 {
        %add3A_175 = arith.constant 3 : i32
        %add3A_176 = arith.addi %add3A_122, %add3A_175 : i32
        %mul3A_177 = arith.constant 128 : i32
        %mul3A_178 = arith.muli %add3A_176, %mul3A_177 : i32
        %add3A_179 = arith.addi %mul3A_2, %mul3A_178 : i32
        %dma_start3A_180 = tpu.memref_slice %arg3[%add3A_179] : memref<320000xi32, #tpu.memory_space<hbm>> -> memref<128xi32, #tpu.memory_space<hbm>>
        %dma_start3A_181 = tpu.memref_slice %arg3[%add3A_179] : memref<320000xi32, #tpu.memory_space<hbm>> -> memref<128xi32, #tpu.memory_space<hbm>>
        tpu.enqueue_dma source(%dma_start3A_181 : memref<128xi32, #tpu.memory_space<hbm>>) target(%arg9 : memref<128xi32, #tpu.memory_space<vmem>>) target_semaphore(%arg26 : memref<!tpu.dma_semaphore, #tpu.memory_space<semaphore_mem>>)
      } else {
      }
      %add3A_140 = arith.constant 2 : i32
      %add3A_141 = arith.addi %add3A_122, %add3A_140 : i32
      %lt3A_142 = arith.constant 78 : i32
      %lt3A_143 = arith.cmpi slt, %add3A_141, %lt3A_142 : i32
      %convert_element_type3A_144 = arith.extui %lt3A_143 : i1 to i32
      %cond3A_145 = arith.constant 0 : i32
      %cond3A_146 = arith.cmpi ne, %convert_element_type3A_144, %cond3A_145 : i32
      scf.if %cond3A_146 {
        %add3A_175 = arith.constant 2 : i32
        %add3A_176 = arith.addi %add3A_122, %add3A_175 : i32
        %mul3A_177 = arith.constant 128 : i32
        %mul3A_178 = arith.muli %add3A_176, %mul3A_177 : i32
        %add3A_179 = arith.addi %mul3A_2, %mul3A_178 : i32
        %dma_start3A_180 = tpu.memref_slice %arg4[%add3A_179] : memref<320000xi32, #tpu.memory_space<hbm>> -> memref<128xi32, #tpu.memory_space<hbm>>
        %dma_start3A_181 = tpu.memref_slice %arg4[%add3A_179] : memref<320000xi32, #tpu.memory_space<hbm>> -> memref<128xi32, #tpu.memory_space<hbm>>
        tpu.enqueue_dma source(%dma_start3A_181 : memref<128xi32, #tpu.memory_space<hbm>>) target(%arg11 : memref<128xi32, #tpu.memory_space<vmem>>) target_semaphore(%arg28 : memref<!tpu.dma_semaphore, #tpu.memory_space<semaphore_mem>>)
        %dma_wait3A_182 = arith.constant 0 : i32
        %dma_wait3A_183 = tpu.memref_slice %arg3[%dma_wait3A_182] : memref<320000xi32, #tpu.memory_space<hbm>> -> memref<128xi32, #tpu.memory_space<hbm>>
        %dma_wait3A_184 = arith.constant 0 : i32
        %dma_wait3A_185 = tpu.memref_slice %arg3[%dma_wait3A_184] : memref<320000xi32, #tpu.memory_space<hbm>> -> memref<128xi32, #tpu.memory_space<hbm>>
        tpu.wait_dma2 semaphore(%arg25 : memref<!tpu.dma_semaphore, #tpu.memory_space<semaphore_mem>>) src(%dma_wait3A_185 : memref<128xi32, #tpu.memory_space<hbm>>) dst(%arg8 : memref<128xi32, #tpu.memory_space<vmem>>)
        %dma_start3A_186 = arith.constant 0 : i32
        %dma_start3A_187 = arith.constant 0 : i32
        %dma_start3A_188 = tpu.memref_slice %arg2[%dma_start3A_186, %dma_start3A_187] : memref<10000x128xf32, #tpu.memory_space<hbm>> -> memref<10000x128xf32, #tpu.memory_space<hbm>>
        tpu.enqueue_indirect_dma source(%dma_start3A_188 : memref<10000x128xf32, #tpu.memory_space<hbm>>) target(%arg16 : memref<128x128xf32, #tpu.memory_space<vmem>>) offsets(%arg8 : memref<128xi32, #tpu.memory_space<vmem>>) semaphore(%arg19 : memref<!tpu.dma_semaphore, #tpu.memory_space<semaphore_mem>>)
      } else {
      }
      %mul3A_147 = arith.constant 3 : i32
      %mul3A_148 = arith.muli %mul3A_147, %scan3A_91 : i32
      %add3A_149 = arith.constant 2 : i32
      %add3A_150 = arith.addi %mul3A_148, %add3A_149 : i32
      %dma_wait3A_151 = arith.constant 0 : i32
      %dma_wait3A_152 = arith.constant 0 : i32
      %dma_wait3A_153 = tpu.memref_slice %arg2[%dma_wait3A_151, %dma_wait3A_152] : memref<10000x128xf32, #tpu.memory_space<hbm>> -> memref<128x128xf32, #tpu.memory_space<hbm>>
      %dma_wait3A_154 = arith.constant 0 : i32
      %dma_wait3A_155 = arith.constant 0 : i32
      %dma_wait3A_156 = tpu.memref_slice %arg2[%dma_wait3A_154, %dma_wait3A_155] : memref<10000x128xf32, #tpu.memory_space<hbm>> -> memref<128x128xf32, #tpu.memory_space<hbm>>
      tpu.wait_dma2 semaphore(%arg21 : memref<!tpu.dma_semaphore, #tpu.memory_space<semaphore_mem>>) src(%dma_wait3A_156 : memref<128x128xf32, #tpu.memory_space<hbm>>) dst(%arg18 : memref<128x128xf32, #tpu.memory_space<vmem>>)
      %dma_wait3A_157 = arith.constant 0 : i32
      %dma_wait3A_158 = tpu.memref_slice %arg4[%dma_wait3A_157] : memref<320000xi32, #tpu.memory_space<hbm>> -> memref<128xi32, #tpu.memory_space<hbm>>
      %dma_wait3A_159 = arith.constant 0 : i32
      %dma_wait3A_160 = tpu.memref_slice %arg4[%dma_wait3A_159] : memref<320000xi32, #tpu.memory_space<hbm>> -> memref<128xi32, #tpu.memory_space<hbm>>
      tpu.wait_dma2 semaphore(%arg30 : memref<!tpu.dma_semaphore, #tpu.memory_space<semaphore_mem>>) src(%dma_wait3A_160 : memref<128xi32, #tpu.memory_space<hbm>>) dst(%arg13 : memref<128xi32, #tpu.memory_space<vmem>>)
      "tpu.region"() ({
        %run_scoped3A = tpu.sem_alloc : memref<!tpu.dma_semaphore, #tpu.memory_space<semaphore_mem>>
        %dma_start3A_175 = arith.constant 0 : i32
        %dma_start3A_176 = arith.constant 0 : i32
        %dma_start3A_177 = tpu.memref_slice %arg7[%dma_start3A_175, %dma_start3A_176] : memref<10112x128xf32, #tpu.memory_space<vmem_shared>> -> memref<10112x128xf32, #tpu.memory_space<vmem_shared>>
        tpu.enqueue_indirect_dma source(%arg18 : memref<128x128xf32, #tpu.memory_space<vmem>>) target(%dma_start3A_177 : memref<10112x128xf32, #tpu.memory_space<vmem_shared>>) offsets(%arg13 : memref<128xi32, #tpu.memory_space<vmem>>) semaphore(%run_scoped3A : memref<!tpu.dma_semaphore, #tpu.memory_space<semaphore_mem>>) {add = true}
        %dma_wait3A_178 = arith.constant 0 : i32
        %dma_wait3A_179 = arith.constant 0 : i32
        %dma_wait3A_180 = tpu.memref_slice %arg7[%dma_wait3A_178, %dma_wait3A_179] : memref<10112x128xf32, #tpu.memory_space<vmem_shared>> -> memref<10112x128xf32, #tpu.memory_space<vmem_shared>>
        tpu.wait_indirect_dma semaphore(%run_scoped3A : memref<!tpu.dma_semaphore, #tpu.memory_space<semaphore_mem>>) src(%arg18 : memref<128x128xf32, #tpu.memory_space<vmem>>) dst(%dma_wait3A_180 : memref<10112x128xf32, #tpu.memory_space<vmem_shared>>)
        tpu.yield
      }) : () -> ()
      %add3A_161 = arith.constant 3 : i32
      %add3A_162 = arith.addi %add3A_150, %add3A_161 : i32
      %lt3A_163 = arith.constant 78 : i32
      %lt3A_164 = arith.cmpi slt, %add3A_162, %lt3A_163 : i32
      %convert_element_type3A_165 = arith.extui %lt3A_164 : i1 to i32
      %cond3A_166 = arith.constant 0 : i32
      %cond3A_167 = arith.cmpi ne, %convert_element_type3A_165, %cond3A_166 : i32
      scf.if %cond3A_167 {
        %add3A_175 = arith.constant 3 : i32
        %add3A_176 = arith.addi %add3A_150, %add3A_175 : i32
        %mul3A_177 = arith.constant 128 : i32
        %mul3A_178 = arith.muli %add3A_176, %mul3A_177 : i32
        %add3A_179 = arith.addi %mul3A_2, %mul3A_178 : i32
        %dma_start3A_180 = tpu.memref_slice %arg3[%add3A_179] : memref<320000xi32, #tpu.memory_space<hbm>> -> memref<128xi32, #tpu.memory_space<hbm>>
        %dma_start3A_181 = tpu.memref_slice %arg3[%add3A_179] : memref<320000xi32, #tpu.memory_space<hbm>> -> memref<128xi32, #tpu.memory_space<hbm>>
        tpu.enqueue_dma source(%dma_start3A_181 : memref<128xi32, #tpu.memory_space<hbm>>) target(%arg10 : memref<128xi32, #tpu.memory_space<vmem>>) target_semaphore(%arg27 : memref<!tpu.dma_semaphore, #tpu.memory_space<semaphore_mem>>)
      } else {
      }
      %add3A_168 = arith.constant 2 : i32
      %add3A_169 = arith.addi %add3A_150, %add3A_168 : i32
      %lt3A_170 = arith.constant 78 : i32
      %lt3A_171 = arith.cmpi slt, %add3A_169, %lt3A_170 : i32
      %convert_element_type3A_172 = arith.extui %lt3A_171 : i1 to i32
      %cond3A_173 = arith.constant 0 : i32
      %cond3A_174 = arith.cmpi ne, %convert_element_type3A_172, %cond3A_173 : i32
      scf.if %cond3A_174 {
        %add3A_175 = arith.constant 2 : i32
        %add3A_176 = arith.addi %add3A_150, %add3A_175 : i32
        %mul3A_177 = arith.constant 128 : i32
        %mul3A_178 = arith.muli %add3A_176, %mul3A_177 : i32
        %add3A_179 = arith.addi %mul3A_2, %mul3A_178 : i32
        %dma_start3A_180 = tpu.memref_slice %arg4[%add3A_179] : memref<320000xi32, #tpu.memory_space<hbm>> -> memref<128xi32, #tpu.memory_space<hbm>>
        %dma_start3A_181 = tpu.memref_slice %arg4[%add3A_179] : memref<320000xi32, #tpu.memory_space<hbm>> -> memref<128xi32, #tpu.memory_space<hbm>>
        tpu.enqueue_dma source(%dma_start3A_181 : memref<128xi32, #tpu.memory_space<hbm>>) target(%arg12 : memref<128xi32, #tpu.memory_space<vmem>>) target_semaphore(%arg29 : memref<!tpu.dma_semaphore, #tpu.memory_space<semaphore_mem>>)
        %dma_wait3A_182 = arith.constant 0 : i32
        %dma_wait3A_183 = tpu.memref_slice %arg3[%dma_wait3A_182] : memref<320000xi32, #tpu.memory_space<hbm>> -> memref<128xi32, #tpu.memory_space<hbm>>
        %dma_wait3A_184 = arith.constant 0 : i32
        %dma_wait3A_185 = tpu.memref_slice %arg3[%dma_wait3A_184] : memref<320000xi32, #tpu.memory_space<hbm>> -> memref<128xi32, #tpu.memory_space<hbm>>
        tpu.wait_dma2 semaphore(%arg26 : memref<!tpu.dma_semaphore, #tpu.memory_space<semaphore_mem>>) src(%dma_wait3A_185 : memref<128xi32, #tpu.memory_space<hbm>>) dst(%arg9 : memref<128xi32, #tpu.memory_space<vmem>>)
        %dma_start3A_186 = arith.constant 0 : i32
        %dma_start3A_187 = arith.constant 0 : i32
        %dma_start3A_188 = tpu.memref_slice %arg2[%dma_start3A_186, %dma_start3A_187] : memref<10000x128xf32, #tpu.memory_space<hbm>> -> memref<10000x128xf32, #tpu.memory_space<hbm>>
        tpu.enqueue_indirect_dma source(%dma_start3A_188 : memref<10000x128xf32, #tpu.memory_space<hbm>>) target(%arg17 : memref<128x128xf32, #tpu.memory_space<vmem>>) offsets(%arg9 : memref<128xi32, #tpu.memory_space<vmem>>) semaphore(%arg20 : memref<!tpu.dma_semaphore, #tpu.memory_space<semaphore_mem>>)
      } else {
      }
    }
    %scan3A_66 = arith.constant 26 : i32
    %add3A_67 = arith.constant 9984 : i32
    %add3A_68 = arith.addi %mul3A_2, %add3A_67 : i32
    "tpu.region"() ({
      %run_scoped3A = tpu.sem_alloc : memref<!tpu.dma_semaphore, #tpu.memory_space<semaphore_mem>>
      %dma_start3A_91 = tpu.memref_slice %arg3[%add3A_68] : memref<320000xi32, #tpu.memory_space<hbm>> -> memref<16xi32, #tpu.memory_space<hbm>>
      %dma_start3A_92 = tpu.memref_slice %arg3[%add3A_68] : memref<320000xi32, #tpu.memory_space<hbm>> -> memref<16xi32, #tpu.memory_space<hbm>>
      tpu.enqueue_dma source(%dma_start3A_92 : memref<16xi32, #tpu.memory_space<hbm>>) target(%arg14 : memref<16xi32, #tpu.memory_space<vmem>>) target_semaphore(%run_scoped3A : memref<!tpu.dma_semaphore, #tpu.memory_space<semaphore_mem>>)
      %dma_wait3A_93 = tpu.memref_slice %arg3[%add3A_68] : memref<320000xi32, #tpu.memory_space<hbm>> -> memref<16xi32, #tpu.memory_space<hbm>>
      %dma_wait3A_94 = tpu.memref_slice %arg3[%add3A_68] : memref<320000xi32, #tpu.memory_space<hbm>> -> memref<16xi32, #tpu.memory_space<hbm>>
      tpu.wait_dma2 semaphore(%run_scoped3A : memref<!tpu.dma_semaphore, #tpu.memory_space<semaphore_mem>>) src(%dma_wait3A_94 : memref<16xi32, #tpu.memory_space<hbm>>) dst(%arg14 : memref<16xi32, #tpu.memory_space<vmem>>)
      tpu.yield
    }) : () -> ()
    %add3A_69 = arith.constant 9984 : i32
    %add3A_70 = arith.addi %mul3A_2, %add3A_69 : i32
    "tpu.region"() ({
      %run_scoped3A = tpu.sem_alloc : memref<!tpu.dma_semaphore, #tpu.memory_space<semaphore_mem>>
      %dma_start3A_91 = tpu.memref_slice %arg4[%add3A_70] : memref<320000xi32, #tpu.memory_space<hbm>> -> memref<16xi32, #tpu.memory_space<hbm>>
      %dma_start3A_92 = tpu.memref_slice %arg4[%add3A_70] : memref<320000xi32, #tpu.memory_space<hbm>> -> memref<16xi32, #tpu.memory_space<hbm>>
      tpu.enqueue_dma source(%dma_start3A_92 : memref<16xi32, #tpu.memory_space<hbm>>) target(%arg15 : memref<16xi32, #tpu.memory_space<vmem>>) target_semaphore(%run_scoped3A : memref<!tpu.dma_semaphore, #tpu.memory_space<semaphore_mem>>)
      %dma_wait3A_93 = tpu.memref_slice %arg4[%add3A_70] : memref<320000xi32, #tpu.memory_space<hbm>> -> memref<16xi32, #tpu.memory_space<hbm>>
      %dma_wait3A_94 = tpu.memref_slice %arg4[%add3A_70] : memref<320000xi32, #tpu.memory_space<hbm>> -> memref<16xi32, #tpu.memory_space<hbm>>
      tpu.wait_dma2 semaphore(%run_scoped3A : memref<!tpu.dma_semaphore, #tpu.memory_space<semaphore_mem>>) src(%dma_wait3A_94 : memref<16xi32, #tpu.memory_space<hbm>>) dst(%arg15 : memref<16xi32, #tpu.memory_space<vmem>>)
      tpu.yield
    }) : () -> ()
    %dma_start3A_71 = arith.constant 0 : i32
    %dma_start3A_72 = arith.constant 0 : i32
    %dma_start3A_73 = tpu.memref_slice %arg16[%dma_start3A_71, %dma_start3A_72] : memref<128x128xf32, #tpu.memory_space<vmem>> -> memref<16x128xf32, #tpu.memory_space<vmem>>
    %dma_start3A_74 = arith.constant 0 : i32
    %dma_start3A_75 = arith.constant 0 : i32
    %dma_start3A_76 = tpu.memref_slice %arg2[%dma_start3A_74, %dma_start3A_75] : memref<10000x128xf32, #tpu.memory_space<hbm>> -> memref<10000x128xf32, #tpu.memory_space<hbm>>
    tpu.enqueue_indirect_dma source(%dma_start3A_76 : memref<10000x128xf32, #tpu.memory_space<hbm>>) target(%dma_start3A_73 : memref<16x128xf32, #tpu.memory_space<vmem>>) offsets(%arg14 : memref<16xi32, #tpu.memory_space<vmem>>) semaphore(%arg19 : memref<!tpu.dma_semaphore, #tpu.memory_space<semaphore_mem>>)
    %dma_wait3A_77 = arith.constant 0 : i32
    %dma_wait3A_78 = arith.constant 0 : i32
    %dma_wait3A_79 = tpu.memref_slice %arg16[%dma_wait3A_77, %dma_wait3A_78] : memref<128x128xf32, #tpu.memory_space<vmem>> -> memref<16x128xf32, #tpu.memory_space<vmem>>
    %dma_wait3A_80 = arith.constant 0 : i32
    %dma_wait3A_81 = arith.constant 0 : i32
    %dma_wait3A_82 = tpu.memref_slice %arg2[%dma_wait3A_80, %dma_wait3A_81] : memref<10000x128xf32, #tpu.memory_space<hbm>> -> memref<10000x128xf32, #tpu.memory_space<hbm>>
    tpu.wait_indirect_dma semaphore(%arg19 : memref<!tpu.dma_semaphore, #tpu.memory_space<semaphore_mem>>) src(%dma_wait3A_82 : memref<10000x128xf32, #tpu.memory_space<hbm>>) dst(%dma_wait3A_79 : memref<16x128xf32, #tpu.memory_space<vmem>>)
    "tpu.region"() ({
      %run_scoped3A = tpu.sem_alloc : memref<!tpu.dma_semaphore, #tpu.memory_space<semaphore_mem>>
      %dma_start3A_91 = arith.constant 0 : i32
      %dma_start3A_92 = arith.constant 0 : i32
      %dma_start3A_93 = tpu.memref_slice %arg16[%dma_start3A_91, %dma_start3A_92] : memref<128x128xf32, #tpu.memory_space<vmem>> -> memref<16x128xf32, #tpu.memory_space<vmem>>
      %dma_start3A_94 = arith.constant 0 : i32
      %dma_start3A_95 = arith.constant 0 : i32
      %dma_start3A_96 = tpu.memref_slice %arg7[%dma_start3A_94, %dma_start3A_95] : memref<10112x128xf32, #tpu.memory_space<vmem_shared>> -> memref<10112x128xf32, #tpu.memory_space<vmem_shared>>
      tpu.enqueue_indirect_dma source(%dma_start3A_93 : memref<16x128xf32, #tpu.memory_space<vmem>>) target(%dma_start3A_96 : memref<10112x128xf32, #tpu.memory_space<vmem_shared>>) offsets(%arg15 : memref<16xi32, #tpu.memory_space<vmem>>) semaphore(%run_scoped3A : memref<!tpu.dma_semaphore, #tpu.memory_space<semaphore_mem>>) {add = true}
      %dma_wait3A_97 = arith.constant 0 : i32
      %dma_wait3A_98 = arith.constant 0 : i32
      %dma_wait3A_99 = tpu.memref_slice %arg16[%dma_wait3A_97, %dma_wait3A_98] : memref<128x128xf32, #tpu.memory_space<vmem>> -> memref<16x128xf32, #tpu.memory_space<vmem>>
      %dma_wait3A_100 = arith.constant 0 : i32
      %dma_wait3A_101 = arith.constant 0 : i32
      %dma_wait3A_102 = tpu.memref_slice %arg7[%dma_wait3A_100, %dma_wait3A_101] : memref<10112x128xf32, #tpu.memory_space<vmem_shared>> -> memref<10112x128xf32, #tpu.memory_space<vmem_shared>>
      tpu.wait_indirect_dma semaphore(%run_scoped3A : memref<!tpu.dma_semaphore, #tpu.memory_space<semaphore_mem>>) src(%dma_wait3A_99 : memref<16x128xf32, #tpu.memory_space<vmem>>) dst(%dma_wait3A_102 : memref<10112x128xf32, #tpu.memory_space<vmem_shared>>)
      tpu.yield
    }) : () -> ()
    %barrier3A_83 = arith.constant 0 : index
    tpu.barrier barrier_id(%barrier3A_83)
    %eq3A = arith.constant 0 : i32
    %eq3A_84 = arith.cmpi eq, %arg0, %eq3A : i32
    %convert_element_type3A = arith.extui %eq3A_84 : i1 to i32
    %cond3A = arith.constant 0 : i32
    %cond3A_85 = arith.cmpi ne, %convert_element_type3A, %cond3A : i32
    scf.if %cond3A_85 {
      %mul3A_91 = arith.constant 624 : i32
      %mul3A_92 = arith.muli %arg1, %mul3A_91 : i32
      %mul3A_93 = arith.constant 624 : i32
      %mul3A_94 = arith.muli %arg1, %mul3A_93 : i32
      "tpu.region"() ({
        %run_scoped3A = tpu.sem_alloc : memref<!tpu.dma_semaphore, #tpu.memory_space<semaphore_mem>>
        %dma_start3A_100 = arith.constant 0 : i32
        %dma_start3A_101 = tpu.memref_slice %arg5[%mul3A_94, %dma_start3A_100] : memref<10000x128xf32, #tpu.memory_space<hbm>> -> memref<624x128xf32, #tpu.memory_space<hbm>>
        %dma_start3A_102 = arith.constant 0 : i32
        %dma_start3A_103 = tpu.memref_slice %arg7[%mul3A_92, %dma_start3A_102] : memref<10112x128xf32, #tpu.memory_space<vmem_shared>> -> memref<624x128xf32, #tpu.memory_space<vmem_shared>>
        tpu.enqueue_dma source(%dma_start3A_103 : memref<624x128xf32, #tpu.memory_space<vmem_shared>>) target(%dma_start3A_101 : memref<624x128xf32, #tpu.memory_space<hbm>>) target_semaphore(%run_scoped3A : memref<!tpu.dma_semaphore, #tpu.memory_space<semaphore_mem>>)
        %dma_wait3A_104 = arith.constant 0 : i32
        %dma_wait3A_105 = tpu.memref_slice %arg5[%mul3A_94, %dma_wait3A_104] : memref<10000x128xf32, #tpu.memory_space<hbm>> -> memref<624x128xf32, #tpu.memory_space<hbm>>
        %dma_wait3A_106 = arith.constant 0 : i32
        %dma_wait3A_107 = tpu.memref_slice %arg7[%mul3A_92, %dma_wait3A_106] : memref<10112x128xf32, #tpu.memory_space<vmem_shared>> -> memref<624x128xf32, #tpu.memory_space<vmem_shared>>
        tpu.wait_dma2 semaphore(%run_scoped3A : memref<!tpu.dma_semaphore, #tpu.memory_space<semaphore_mem>>) src(%dma_wait3A_107 : memref<624x128xf32, #tpu.memory_space<vmem_shared>>) dst(%dma_wait3A_105 : memref<624x128xf32, #tpu.memory_space<hbm>>)
        tpu.yield
      }) : () -> ()
      %eq3A_95 = arith.constant 0 : i32
      %eq3A_96 = arith.cmpi eq, %arg1, %eq3A_95 : i32
      %convert_element_type3A_97 = arith.extui %eq3A_96 : i1 to i32
      %cond3A_98 = arith.constant 0 : i32
      %cond3A_99 = arith.cmpi ne, %convert_element_type3A_97, %cond3A_98 : i32
      scf.if %cond3A_99 {
        "tpu.region"() ({
          %run_scoped3A = tpu.sem_alloc : memref<!tpu.dma_semaphore, #tpu.memory_space<semaphore_mem>>
          %dma_start3A_100 = arith.constant 9984 : i32
          %dma_start3A_101 = arith.constant 0 : i32
          %dma_start3A_102 = tpu.memref_slice %arg5[%dma_start3A_100, %dma_start3A_101] : memref<10000x128xf32, #tpu.memory_space<hbm>> -> memref<16x128xf32, #tpu.memory_space<hbm>>
          %dma_start3A_103 = arith.constant 9984 : i32
          %dma_start3A_104 = arith.constant 0 : i32
          %dma_start3A_105 = tpu.memref_slice %arg7[%dma_start3A_103, %dma_start3A_104] : memref<10112x128xf32, #tpu.memory_space<vmem_shared>> -> memref<16x128xf32, #tpu.memory_space<vmem_shared>>
          tpu.enqueue_dma source(%dma_start3A_105 : memref<16x128xf32, #tpu.memory_space<vmem_shared>>) target(%dma_start3A_102 : memref<16x128xf32, #tpu.memory_space<hbm>>) target_semaphore(%run_scoped3A : memref<!tpu.dma_semaphore, #tpu.memory_space<semaphore_mem>>)
          %dma_wait3A_106 = arith.constant 9984 : i32
          %dma_wait3A_107 = arith.constant 0 : i32
          %dma_wait3A_108 = tpu.memref_slice %arg5[%dma_wait3A_106, %dma_wait3A_107] : memref<10000x128xf32, #tpu.memory_space<hbm>> -> memref<16x128xf32, #tpu.memory_space<hbm>>
          %dma_wait3A_109 = arith.constant 9984 : i32
          %dma_wait3A_110 = arith.constant 0 : i32
          %dma_wait3A_111 = tpu.memref_slice %arg7[%dma_wait3A_109, %dma_wait3A_110] : memref<10112x128xf32, #tpu.memory_space<vmem_shared>> -> memref<16x128xf32, #tpu.memory_space<vmem_shared>>
          tpu.wait_dma2 semaphore(%run_scoped3A : memref<!tpu.dma_semaphore, #tpu.memory_space<semaphore_mem>>) src(%dma_wait3A_111 : memref<16x128xf32, #tpu.memory_space<vmem_shared>>) dst(%dma_wait3A_108 : memref<16x128xf32, #tpu.memory_space<hbm>>)
          tpu.yield
        }) : () -> ()
      } else {
      }
    } else {
    }
    %eq3A_86 = arith.constant 1 : i32
    %eq3A_87 = arith.cmpi eq, %arg0, %eq3A_86 : i32
    %convert_element_type3A_88 = arith.extui %eq3A_87 : i1 to i32
    %cond3A_89 = arith.constant 0 : i32
    %cond3A_90 = arith.cmpi ne, %convert_element_type3A_88, %cond3A_89 : i32
    scf.if %cond3A_90 {
      %mul3A_91 = arith.constant 624 : i32
      %mul3A_92 = arith.muli %arg1, %mul3A_91 : i32
      %mul3A_93 = arith.constant 624 : i32
      %mul3A_94 = arith.muli %arg1, %mul3A_93 : i32
      "tpu.region"() ({
        %run_scoped3A = tpu.sem_alloc : memref<!tpu.dma_semaphore, #tpu.memory_space<semaphore_mem>>
        %dma_start3A_100 = arith.constant 0 : i32
        %dma_start3A_101 = tpu.memref_slice %arg6[%mul3A_94, %dma_start3A_100] : memref<10000x128xf32, #tpu.memory_space<hbm>> -> memref<624x128xf32, #tpu.memory_space<hbm>>
        %dma_start3A_102 = arith.constant 0 : i32
        %dma_start3A_103 = tpu.memref_slice %arg7[%mul3A_92, %dma_start3A_102] : memref<10112x128xf32, #tpu.memory_space<vmem_shared>> -> memref<624x128xf32, #tpu.memory_space<vmem_shared>>
        tpu.enqueue_dma source(%dma_start3A_103 : memref<624x128xf32, #tpu.memory_space<vmem_shared>>) target(%dma_start3A_101 : memref<624x128xf32, #tpu.memory_space<hbm>>) target_semaphore(%run_scoped3A : memref<!tpu.dma_semaphore, #tpu.memory_space<semaphore_mem>>)
        %dma_wait3A_104 = arith.constant 0 : i32
        %dma_wait3A_105 = tpu.memref_slice %arg6[%mul3A_94, %dma_wait3A_104] : memref<10000x128xf32, #tpu.memory_space<hbm>> -> memref<624x128xf32, #tpu.memory_space<hbm>>
        %dma_wait3A_106 = arith.constant 0 : i32
        %dma_wait3A_107 = tpu.memref_slice %arg7[%mul3A_92, %dma_wait3A_106] : memref<10112x128xf32, #tpu.memory_space<vmem_shared>> -> memref<624x128xf32, #tpu.memory_space<vmem_shared>>
        tpu.wait_dma2 semaphore(%run_scoped3A : memref<!tpu.dma_semaphore, #tpu.memory_space<semaphore_mem>>) src(%dma_wait3A_107 : memref<624x128xf32, #tpu.memory_space<vmem_shared>>) dst(%dma_wait3A_105 : memref<624x128xf32, #tpu.memory_space<hbm>>)
        tpu.yield
      }) : () -> ()
      %eq3A_95 = arith.constant 0 : i32
      %eq3A_96 = arith.cmpi eq, %arg1, %eq3A_95 : i32
      %convert_element_type3A_97 = arith.extui %eq3A_96 : i1 to i32
      %cond3A_98 = arith.constant 0 : i32
      %cond3A_99 = arith.cmpi ne, %convert_element_type3A_97, %cond3A_98 : i32
      scf.if %cond3A_99 {
        "tpu.region"() ({
          %run_scoped3A = tpu.sem_alloc : memref<!tpu.dma_semaphore, #tpu.memory_space<semaphore_mem>>
          %dma_start3A_100 = arith.constant 9984 : i32
          %dma_start3A_101 = arith.constant 0 : i32
          %dma_start3A_102 = tpu.memref_slice %arg6[%dma_start3A_100, %dma_start3A_101] : memref<10000x128xf32, #tpu.memory_space<hbm>> -> memref<16x128xf32, #tpu.memory_space<hbm>>
          %dma_start3A_103 = arith.constant 9984 : i32
          %dma_start3A_104 = arith.constant 0 : i32
          %dma_start3A_105 = tpu.memref_slice %arg7[%dma_start3A_103, %dma_start3A_104] : memref<10112x128xf32, #tpu.memory_space<vmem_shared>> -> memref<16x128xf32, #tpu.memory_space<vmem_shared>>
          tpu.enqueue_dma source(%dma_start3A_105 : memref<16x128xf32, #tpu.memory_space<vmem_shared>>) target(%dma_start3A_102 : memref<16x128xf32, #tpu.memory_space<hbm>>) target_semaphore(%run_scoped3A : memref<!tpu.dma_semaphore, #tpu.memory_space<semaphore_mem>>)
          %dma_wait3A_106 = arith.constant 9984 : i32
          %dma_wait3A_107 = arith.constant 0 : i32
          %dma_wait3A_108 = tpu.memref_slice %arg6[%dma_wait3A_106, %dma_wait3A_107] : memref<10000x128xf32, #tpu.memory_space<hbm>> -> memref<16x128xf32, #tpu.memory_space<hbm>>
          %dma_wait3A_109 = arith.constant 9984 : i32
          %dma_wait3A_110 = arith.constant 0 : i32
          %dma_wait3A_111 = tpu.memref_slice %arg7[%dma_wait3A_109, %dma_wait3A_110] : memref<10112x128xf32, #tpu.memory_space<vmem_shared>> -> memref<16x128xf32, #tpu.memory_space<vmem_shared>>
          tpu.wait_dma2 semaphore(%run_scoped3A : memref<!tpu.dma_semaphore, #tpu.memory_space<semaphore_mem>>) src(%dma_wait3A_111 : memref<16x128xf32, #tpu.memory_space<vmem_shared>>) dst(%dma_wait3A_108 : memref<16x128xf32, #tpu.memory_space<hbm>>)
          tpu.yield
        }) : () -> ()
      } else {
      }
    } else {
    }
    return
  }
}

module attributes {stable_mosaic.version = 14 : i64} {
  func.func @_tc_mlp_body(%arg0: i32, %arg1: memref<2000x128xf32, #tpu.memory_space<vmem>>, %arg2: memref<2000x128xf32, #tpu.memory_space<vmem>>, %arg3: memref<2000x128xf32, #tpu.memory_space<vmem>>, %arg4: memref<128x128xf32, #tpu.memory_space<vmem>>, %arg5: memref<1x128xf32, #tpu.memory_space<vmem>>, %arg6: memref<128x128xf32, #tpu.memory_space<vmem>>, %arg7: memref<1x128xf32, #tpu.memory_space<vmem>>, %arg8: memref<2000x128xf32, #tpu.memory_space<vmem>>) attributes {dimension_semantics = [#tpu.dimension_semantics<arbitrary>], iteration_bounds = array<i64: 5>, scalar_prefetch = 0 : i64, scratch_operands = 0 : i64, tpu.core_type = #tpu.core_type<tc>, window_params = [{transform_indices = @transform_0, window_bounds = array<i64: 2000, 128>}, {transform_indices = @transform_1, window_bounds = array<i64: 2000, 128>}, {transform_indices = @transform_2, window_bounds = array<i64: 2000, 128>}, {pipeline_mode = #tpu.pipeline_mode<synchronous>, transform_indices = @transform_3, window_bounds = array<i64: 128, 128>}, {pipeline_mode = #tpu.pipeline_mode<synchronous>, transform_indices = @transform_4, window_bounds = array<i64: 1, 128>}, {pipeline_mode = #tpu.pipeline_mode<synchronous>, transform_indices = @transform_5, window_bounds = array<i64: 128, 128>}, {pipeline_mode = #tpu.pipeline_mode<synchronous>, transform_indices = @transform_6, window_bounds = array<i64: 1, 128>}, {transform_indices = @transform_7, window_bounds = array<i64: 2000, 128>}]} {
    %get3A = arith.constant 0 : index
    %get3A_0 = arith.constant 0 : index
    %get3A_1 = vector.load %arg1[%get3A, %get3A_0] : memref<2000x128xf32, #tpu.memory_space<vmem>>, vector<2000x128xf32>
    %get3A_2 = arith.constant 0 : index
    %get3A_3 = arith.constant 0 : index
    %get3A_4 = vector.load %arg2[%get3A_2, %get3A_3] : memref<2000x128xf32, #tpu.memory_space<vmem>>, vector<2000x128xf32>
    %add3A = arith.addf %get3A_1, %get3A_4 : vector<2000x128xf32>
    %get3A_5 = arith.constant 0 : index
    %get3A_6 = arith.constant 0 : index
    %get3A_7 = vector.load %arg3[%get3A_5, %get3A_6] : memref<2000x128xf32, #tpu.memory_space<vmem>>, vector<2000x128xf32>
    %add3A_8 = arith.addf %add3A, %get3A_7 : vector<2000x128xf32>
    %get3A_9 = arith.constant 0 : index
    %get3A_10 = arith.constant 0 : index
    %get3A_11 = vector.load %arg4[%get3A_9, %get3A_10] : memref<128x128xf32, #tpu.memory_space<vmem>>, vector<128x128xf32>
    %dot_general3A = arith.constant dense<0.000000e+00> : vector<2000x128xf32>
    %dot_general3A_12 = tpu.matmul %add3A_8, %get3A_11, %dot_general3A {dimension_numbers = #tpu.dot_dimension_numbers<[1], [0], [0], [1], [0, 0, 1, 1], [], []>, transpose_lhs_hint = false} : vector<2000x128xf32>, vector<128x128xf32>, vector<2000x128xf32> -> vector<2000x128xf32>
    %get3A_13 = arith.constant 0 : index
    %get3A_14 = arith.constant 0 : index
    %get3A_15 = vector.load %arg5[%get3A_13, %get3A_14] : memref<1x128xf32, #tpu.memory_space<vmem>>, vector<1x128xf32>
    %add3A_16 = vector.broadcast %get3A_15 : vector<1x128xf32> to vector<2000x128xf32>
    %add3A_17 = arith.addf %dot_general3A_12, %add3A_16 : vector<2000x128xf32>
    %max3A = arith.constant 0.000000e+00 : f32
    %max3A_18 = vector.broadcast %max3A : f32 to vector<2000x128xf32>
    %max3A_19 = arith.maximumf %add3A_17, %max3A_18 : vector<2000x128xf32>
    %get3A_20 = arith.constant 0 : index
    %get3A_21 = arith.constant 0 : index
    %get3A_22 = vector.load %arg6[%get3A_20, %get3A_21] : memref<128x128xf32, #tpu.memory_space<vmem>>, vector<128x128xf32>
    %dot_general3A_23 = arith.constant dense<0.000000e+00> : vector<2000x128xf32>
    %dot_general3A_24 = tpu.matmul %max3A_19, %get3A_22, %dot_general3A_23 {dimension_numbers = #tpu.dot_dimension_numbers<[1], [0], [0], [1], [0, 0, 1, 1], [], []>, transpose_lhs_hint = false} : vector<2000x128xf32>, vector<128x128xf32>, vector<2000x128xf32> -> vector<2000x128xf32>
    %get3A_25 = arith.constant 0 : index
    %get3A_26 = arith.constant 0 : index
    %get3A_27 = vector.load %arg7[%get3A_25, %get3A_26] : memref<1x128xf32, #tpu.memory_space<vmem>>, vector<1x128xf32>
    %add3A_28 = vector.broadcast %get3A_27 : vector<1x128xf32> to vector<2000x128xf32>
    %add3A_29 = arith.addf %dot_general3A_24, %add3A_28 : vector<2000x128xf32>
    %max3A_30 = arith.constant 0.000000e+00 : f32
    %max3A_31 = vector.broadcast %max3A_30 : f32 to vector<2000x128xf32>
    %max3A_32 = arith.maximumf %add3A_29, %max3A_31 : vector<2000x128xf32>
    %swap3A = arith.constant 0 : index
    %swap3A_33 = arith.constant 0 : index
    %swap3A_34 = vector.load %arg8[%swap3A, %swap3A_33] : memref<2000x128xf32, #tpu.memory_space<vmem>>, vector<2000x128xf32>
    tpu.vector_store %arg8[%swap3A, %swap3A_33], %max3A_32 {strides = array<i32>} : memref<2000x128xf32, #tpu.memory_space<vmem>>, vector<2000x128xf32>,
    return
  }
  func.func @transform_0(%arg0: i32) -> (i32, i32) {
    %c0_i32 = arith.constant 0 : i32
    %c0_i32_0 = arith.constant 0 : i32
    return %arg0, %c0_i32 : i32, i32
  }
  func.func @transform_1(%arg0: i32) -> (i32, i32) {
    %c0_i32 = arith.constant 0 : i32
    %c0_i32_0 = arith.constant 0 : i32
    return %arg0, %c0_i32 : i32, i32
  }
  func.func @transform_2(%arg0: i32) -> (i32, i32) {
    %c0_i32 = arith.constant 0 : i32
    %c0_i32_0 = arith.constant 0 : i32
    return %arg0, %c0_i32 : i32, i32
  }
  func.func @transform_3(%arg0: i32) -> (i32, i32) {
    %c0_i32 = arith.constant 0 : i32
    %c0_i32_0 = arith.constant 0 : i32
    %c0_i32_1 = arith.constant 0 : i32
    return %c0_i32, %c0_i32_0 : i32, i32
  }
  func.func @transform_4(%arg0: i32) -> (i32, i32) {
    %c0_i32 = arith.constant 0 : i32
    %c0_i32_0 = arith.constant 0 : i32
    %c0_i32_1 = arith.constant 0 : i32
    return %c0_i32, %c0_i32_0 : i32, i32
  }
  func.func @transform_5(%arg0: i32) -> (i32, i32) {
    %c0_i32 = arith.constant 0 : i32
    %c0_i32_0 = arith.constant 0 : i32
    %c0_i32_1 = arith.constant 0 : i32
    return %c0_i32, %c0_i32_0 : i32, i32
  }
  func.func @transform_6(%arg0: i32) -> (i32, i32) {
    %c0_i32 = arith.constant 0 : i32
    %c0_i32_0 = arith.constant 0 : i32
    %c0_i32_1 = arith.constant 0 : i32
    return %c0_i32, %c0_i32_0 : i32, i32
  }
  func.func @transform_7(%arg0: i32) -> (i32, i32) {
    %c0_i32 = arith.constant 0 : i32
    %c0_i32_0 = arith.constant 0 : i32
    return %arg0, %c0_i32 : i32, i32
  }
}

module attributes {stable_mosaic.version = 14 : i64} {
  func.func @_tc_head_body(%arg0: i32, %arg1: memref<2000x128xf32, #tpu.memory_space<vmem>>, %arg2: memref<2000x128xf32, #tpu.memory_space<vmem>>, %arg3: memref<2000x128xf32, #tpu.memory_space<vmem>>, %arg4: memref<128x128xf32, #tpu.memory_space<vmem>>, %arg5: memref<1x128xf32, #tpu.memory_space<vmem>>, %arg6: memref<128x128xf32, #tpu.memory_space<vmem>>, %arg7: memref<1x128xf32, #tpu.memory_space<vmem>>, %arg8: memref<1x1x2000xi32, #tpu.memory_space<vmem>>, %arg9: memref<16x128xf32, #tpu.memory_space<vmem>>, %arg10: memref<16x128xf32, #tpu.memory_space<vmem>>, %arg11: memref<128x512xf32, #tpu.memory_space<vmem>>, %arg12: memref<128x512xf32, #tpu.memory_space<vmem>>, %arg13: memref<1x512xf32, #tpu.memory_space<vmem>>, %arg14: memref<128x64xf32, #tpu.memory_space<vmem>>, %arg15: memref<1x64xf32, #tpu.memory_space<vmem>>, %arg16: memref<16x64xf32, #tpu.memory_space<vmem>>, %arg17: memref<16x128xf32, #tpu.memory_space<vmem>>, %arg18: memref<16x128xf32, #tpu.memory_space<vmem>>, %arg19: memref<16x128xf32, #tpu.memory_space<vmem>>, %arg20: memref<16x128xf32, #tpu.memory_space<vmem>>) attributes {dimension_semantics = [#tpu.dimension_semantics<arbitrary>], iteration_bounds = array<i64: 5>, scalar_prefetch = 0 : i64, scratch_operands = 2 : i64, tpu.core_type = #tpu.core_type<tc>, window_params = [{transform_indices = @transform_0, window_bounds = array<i64: 2000, 128>}, {transform_indices = @transform_1, window_bounds = array<i64: 2000, 128>}, {transform_indices = @transform_2, window_bounds = array<i64: 2000, 128>}, {pipeline_mode = #tpu.pipeline_mode<synchronous>, transform_indices = @transform_3, window_bounds = array<i64: 128, 128>}, {pipeline_mode = #tpu.pipeline_mode<synchronous>, transform_indices = @transform_4, window_bounds = array<i64: 1, 128>}, {pipeline_mode = #tpu.pipeline_mode<synchronous>, transform_indices = @transform_5, window_bounds = array<i64: 128, 128>}, {pipeline_mode = #tpu.pipeline_mode<synchronous>, transform_indices = @transform_6, window_bounds = array<i64: 1, 128>}, {transform_indices = @transform_7, window_bounds = array<i64: 1, 1, 2000>}, {pipeline_mode = #tpu.pipeline_mode<synchronous>, transform_indices = @transform_8, window_bounds = array<i64: 16, 128>}, {pipeline_mode = #tpu.pipeline_mode<synchronous>, transform_indices = @transform_9, window_bounds = array<i64: 16, 128>}, {pipeline_mode = #tpu.pipeline_mode<synchronous>, transform_indices = @transform_10, window_bounds = array<i64: 128, 512>}, {pipeline_mode = #tpu.pipeline_mode<synchronous>, transform_indices = @transform_11, window_bounds = array<i64: 128, 512>}, {pipeline_mode = #tpu.pipeline_mode<synchronous>, transform_indices = @transform_12, window_bounds = array<i64: 1, 512>}, {pipeline_mode = #tpu.pipeline_mode<synchronous>, transform_indices = @transform_13, window_bounds = array<i64: 128, 64>}, {pipeline_mode = #tpu.pipeline_mode<synchronous>, transform_indices = @transform_14, window_bounds = array<i64: 1, 64>}, {pipeline_mode = #tpu.pipeline_mode<synchronous>, transform_indices = @transform_15, window_bounds = array<i64: 16, 64>}, {pipeline_mode = #tpu.pipeline_mode<synchronous>, transform_indices = @transform_16, window_bounds = array<i64: 16, 128>}, {pipeline_mode = #tpu.pipeline_mode<synchronous>, transform_indices = @transform_17, window_bounds = array<i64: 16, 128>}]} {
    %eq3A = arith.constant 0 : i32
    %eq3A_0 = arith.cmpi eq, %arg0, %eq3A : i32
    %convert_element_type3A = arith.extui %eq3A_0 : i1 to i32
    %cond3A = arith.constant 0 : i32
    %cond3A_1 = arith.cmpi ne, %convert_element_type3A, %cond3A : i32
    scf.if %cond3A_1 {
      %broadcast_in_dim3A_67 = arith.constant 0.000000e+00 : f32
      %broadcast_in_dim3A_68 = vector.broadcast %broadcast_in_dim3A_67 : f32 to vector<16x128xf32>
      %swap3A_69 = arith.constant 0 : index
      %swap3A_70 = arith.constant 0 : index
      %swap3A_71 = vector.load %arg19[%swap3A_69, %swap3A_70] : memref<16x128xf32, #tpu.memory_space<vmem>>, vector<16x128xf32>
      tpu.vector_store %arg19[%swap3A_69, %swap3A_70], %broadcast_in_dim3A_68 {strides = array<i32>} : memref<16x128xf32, #tpu.memory_space<vmem>>, vector<16x128xf32>,
      %broadcast_in_dim3A_72 = arith.constant 0.000000e+00 : f32
      %broadcast_in_dim3A_73 = vector.broadcast %broadcast_in_dim3A_72 : f32 to vector<16x128xf32>
      %swap3A_74 = arith.constant 0 : index
      %swap3A_75 = arith.constant 0 : index
      %swap3A_76 = vector.load %arg20[%swap3A_74, %swap3A_75] : memref<16x128xf32, #tpu.memory_space<vmem>>, vector<16x128xf32>
      tpu.vector_store %arg20[%swap3A_74, %swap3A_75], %broadcast_in_dim3A_73 {strides = array<i32>} : memref<16x128xf32, #tpu.memory_space<vmem>>, vector<16x128xf32>,
    } else {
    }
    %get3A = arith.constant 0 : index
    %get3A_2 = arith.constant 0 : index
    %get3A_3 = vector.load %arg1[%get3A, %get3A_2] : memref<2000x128xf32, #tpu.memory_space<vmem>>, vector<2000x128xf32>
    %get3A_4 = arith.constant 0 : index
    %get3A_5 = arith.constant 0 : index
    %get3A_6 = vector.load %arg2[%get3A_4, %get3A_5] : memref<2000x128xf32, #tpu.memory_space<vmem>>, vector<2000x128xf32>
    %add3A = arith.addf %get3A_3, %get3A_6 : vector<2000x128xf32>
    %get3A_7 = arith.constant 0 : index
    %get3A_8 = arith.constant 0 : index
    %get3A_9 = vector.load %arg3[%get3A_7, %get3A_8] : memref<2000x128xf32, #tpu.memory_space<vmem>>, vector<2000x128xf32>
    %add3A_10 = arith.addf %add3A, %get3A_9 : vector<2000x128xf32>
    %get3A_11 = arith.constant 0 : index
    %get3A_12 = arith.constant 0 : index
    %get3A_13 = vector.load %arg4[%get3A_11, %get3A_12] : memref<128x128xf32, #tpu.memory_space<vmem>>, vector<128x128xf32>
    %dot_general3A = arith.constant dense<0.000000e+00> : vector<2000x128xf32>
    %dot_general3A_14 = tpu.matmul %add3A_10, %get3A_13, %dot_general3A {dimension_numbers = #tpu.dot_dimension_numbers<[1], [0], [0], [1], [0, 0, 1, 1], [], []>, transpose_lhs_hint = false} : vector<2000x128xf32>, vector<128x128xf32>, vector<2000x128xf32> -> vector<2000x128xf32>
    %get3A_15 = arith.constant 0 : index
    %get3A_16 = arith.constant 0 : index
    %get3A_17 = vector.load %arg5[%get3A_15, %get3A_16] : memref<1x128xf32, #tpu.memory_space<vmem>>, vector<1x128xf32>
    %add3A_18 = vector.broadcast %get3A_17 : vector<1x128xf32> to vector<2000x128xf32>
    %add3A_19 = arith.addf %dot_general3A_14, %add3A_18 : vector<2000x128xf32>
    %max3A = arith.constant 0.000000e+00 : f32
    %max3A_20 = vector.broadcast %max3A : f32 to vector<2000x128xf32>
    %max3A_21 = arith.maximumf %add3A_19, %max3A_20 : vector<2000x128xf32>
    %get3A_22 = arith.constant 0 : index
    %get3A_23 = arith.constant 0 : index
    %get3A_24 = vector.load %arg6[%get3A_22, %get3A_23] : memref<128x128xf32, #tpu.memory_space<vmem>>, vector<128x128xf32>
    %dot_general3A_25 = arith.constant dense<0.000000e+00> : vector<2000x128xf32>
    %dot_general3A_26 = tpu.matmul %max3A_21, %get3A_24, %dot_general3A_25 {dimension_numbers = #tpu.dot_dimension_numbers<[1], [0], [0], [1], [0, 0, 1, 1], [], []>, transpose_lhs_hint = false} : vector<2000x128xf32>, vector<128x128xf32>, vector<2000x128xf32> -> vector<2000x128xf32>
    %get3A_27 = arith.constant 0 : index
    %get3A_28 = arith.constant 0 : index
    %get3A_29 = vector.load %arg7[%get3A_27, %get3A_28] : memref<1x128xf32, #tpu.memory_space<vmem>>, vector<1x128xf32>
    %add3A_30 = vector.broadcast %get3A_29 : vector<1x128xf32> to vector<2000x128xf32>
    %add3A_31 = arith.addf %dot_general3A_26, %add3A_30 : vector<2000x128xf32>
    %max3A_32 = arith.constant 0.000000e+00 : f32
    %max3A_33 = vector.broadcast %max3A_32 : f32 to vector<2000x128xf32>
    %max3A_34 = arith.maximumf %add3A_31, %max3A_33 : vector<2000x128xf32>
    %get3A_35 = arith.constant 0 : index
    %get3A_36 = arith.constant 0 : index
    %get3A_37 = arith.constant 0 : index
    %get3A_38 = vector.load %arg8[%get3A_35, %get3A_36, %get3A_37] : memref<1x1x2000xi32, #tpu.memory_space<vmem>>, vector<1x1x2000xi32>
    %get3A_39 = vector.shape_cast %get3A_38 : vector<1x1x2000xi32> to vector<1x2000xi32>
    %iota3A = tpu.iota {dimensions = array<i32: 0>} : vector<16x2000xi32>
    %eq3A_40 = vector.broadcast %get3A_39 : vector<1x2000xi32> to vector<16x2000xi32>
    %eq3A_41 = arith.cmpi eq, %eq3A_40, %iota3A : vector<16x2000xi32>
    %convert_element_type3A_42 = arith.extui %eq3A_41 : vector<16x2000xi1> to vector<16x2000xi32>
    %convert_element_type3A_43 = arith.sitofp %convert_element_type3A_42 : vector<16x2000xi32> to vector<16x2000xf32>
    %get3A_44 = arith.constant 0 : index
    %get3A_45 = arith.constant 0 : index
    %get3A_46 = vector.load %arg19[%get3A_44, %get3A_45] : memref<16x128xf32, #tpu.memory_space<vmem>>, vector<16x128xf32>
    %dot_general3A_47 = arith.constant dense<0.000000e+00> : vector<16x128xf32>
    %dot_general3A_48 = tpu.matmul %convert_element_type3A_43, %max3A_34, %dot_general3A_47 {dimension_numbers = #tpu.dot_dimension_numbers<[1], [0], [0], [1], [0, 0, 1, 1], [], []>, transpose_lhs_hint = false} : vector<16x2000xf32>, vector<2000x128xf32>, vector<16x128xf32> -> vector<16x128xf32>
    %add3A_49 = arith.addf %get3A_46, %dot_general3A_48 : vector<16x128xf32>
    %swap3A = arith.constant 0 : index
    %swap3A_50 = arith.constant 0 : index
    %swap3A_51 = vector.load %arg19[%swap3A, %swap3A_50] : memref<16x128xf32, #tpu.memory_space<vmem>>, vector<16x128xf32>
    tpu.vector_store %arg19[%swap3A, %swap3A_50], %add3A_49 {strides = array<i32>} : memref<16x128xf32, #tpu.memory_space<vmem>>, vector<16x128xf32>,
    %get3A_52 = arith.constant 0 : index
    %get3A_53 = arith.constant 0 : index
    %get3A_54 = vector.load %arg20[%get3A_52, %get3A_53] : memref<16x128xf32, #tpu.memory_space<vmem>>, vector<16x128xf32>
    %broadcast_in_dim3A = arith.constant 1.000000e+00 : f32
    %broadcast_in_dim3A_55 = vector.broadcast %broadcast_in_dim3A : f32 to vector<2000x128xf32>
    %dot_general3A_56 = arith.constant dense<0.000000e+00> : vector<16x128xf32>
    %dot_general3A_57 = tpu.matmul %convert_element_type3A_43, %broadcast_in_dim3A_55, %dot_general3A_56 {dimension_numbers = #tpu.dot_dimension_numbers<[1], [0], [0], [1], [0, 0, 1, 1], [], []>, transpose_lhs_hint = false} : vector<16x2000xf32>, vector<2000x128xf32>, vector<16x128xf32> -> vector<16x128xf32>
    %add3A_58 = arith.addf %get3A_54, %dot_general3A_57 : vector<16x128xf32>
    %swap3A_59 = arith.constant 0 : index
    %swap3A_60 = arith.constant 0 : index
    %swap3A_61 = vector.load %arg20[%swap3A_59, %swap3A_60] : memref<16x128xf32, #tpu.memory_space<vmem>>, vector<16x128xf32>
    tpu.vector_store %arg20[%swap3A_59, %swap3A_60], %add3A_58 {strides = array<i32>} : memref<16x128xf32, #tpu.memory_space<vmem>>, vector<16x128xf32>,
    %eq3A_62 = arith.constant 4 : i32
    %eq3A_63 = arith.cmpi eq, %arg0, %eq3A_62 : i32
    %convert_element_type3A_64 = arith.extui %eq3A_63 : i1 to i32
    %cond3A_65 = arith.constant 0 : i32
    %cond3A_66 = arith.cmpi ne, %convert_element_type3A_64, %cond3A_65 : i32
    scf.if %cond3A_66 {
      %get3A_67 = arith.constant 0 : index
      %get3A_68 = arith.constant 0 : index
      %get3A_69 = vector.load %arg19[%get3A_67, %get3A_68] : memref<16x128xf32, #tpu.memory_space<vmem>>, vector<16x128xf32>
      %get3A_70 = arith.constant 0 : index
      %get3A_71 = arith.constant 0 : index
      %get3A_72 = vector.load %arg20[%get3A_70, %get3A_71] : memref<16x128xf32, #tpu.memory_space<vmem>>, vector<16x128xf32>
      %max3A_73 = arith.constant 1.000000e+00 : f32
      %max3A_74 = vector.broadcast %max3A_73 : f32 to vector<16x128xf32>
      %max3A_75 = arith.maximumf %get3A_72, %max3A_74 : vector<16x128xf32>
      %div3A = arith.divf %get3A_69, %max3A_75 : vector<16x128xf32>
      %get3A_76 = arith.constant 0 : index
      %get3A_77 = arith.constant 0 : index
      %get3A_78 = vector.load %arg11[%get3A_76, %get3A_77] : memref<128x512xf32, #tpu.memory_space<vmem>>, vector<128x512xf32>
      %dot_general3A_79 = arith.constant dense<0.000000e+00> : vector<16x512xf32>
      %dot_general3A_80 = tpu.matmul %div3A, %get3A_78, %dot_general3A_79 {dimension_numbers = #tpu.dot_dimension_numbers<[1], [0], [0], [1], [0, 0, 1, 1], [], []>, transpose_lhs_hint = false} : vector<16x128xf32>, vector<128x512xf32>, vector<16x512xf32> -> vector<16x512xf32>
      %get3A_81 = arith.constant 0 : index
      %get3A_82 = arith.constant 0 : index
      %get3A_83 = vector.load %arg9[%get3A_81, %get3A_82] : memref<16x128xf32, #tpu.memory_space<vmem>>, vector<16x128xf32>
      %get3A_84 = arith.constant 0 : index
      %get3A_85 = arith.constant 0 : index
      %get3A_86 = vector.load %arg12[%get3A_84, %get3A_85] : memref<128x512xf32, #tpu.memory_space<vmem>>, vector<128x512xf32>
      %dot_general3A_87 = arith.constant dense<0.000000e+00> : vector<16x512xf32>
      %dot_general3A_88 = tpu.matmul %get3A_83, %get3A_86, %dot_general3A_87 {dimension_numbers = #tpu.dot_dimension_numbers<[1], [0], [0], [1], [0, 0, 1, 1], [], []>, transpose_lhs_hint = false} : vector<16x128xf32>, vector<128x512xf32>, vector<16x512xf32> -> vector<16x512xf32>
      %add3A_89 = arith.addf %dot_general3A_80, %dot_general3A_88 : vector<16x512xf32>
      %get3A_90 = arith.constant 0 : index
      %get3A_91 = arith.constant 0 : index
      %get3A_92 = vector.load %arg13[%get3A_90, %get3A_91] : memref<1x512xf32, #tpu.memory_space<vmem>>, vector<1x512xf32>
      %add3A_93 = vector.broadcast %get3A_92 : vector<1x512xf32> to vector<16x512xf32>
      %add3A_94 = arith.addf %add3A_89, %add3A_93 : vector<16x512xf32>
      %slice3A = vector.extract_strided_slice %add3A_94 {offsets = [0, 0], sizes = [16, 128], strides = [1, 1]} : vector<16x512xf32> to vector<16x128xf32>
      %logistic3A = arith.negf %slice3A : vector<16x128xf32>
      %logistic3A_95 = math.exp %logistic3A : vector<16x128xf32>
      %logistic3A_96 = arith.constant 1.000000e+00 : f32
      %logistic3A_97 = vector.broadcast %logistic3A_96 : f32 to vector<16x128xf32>
      %logistic3A_98 = arith.addf %logistic3A_97, %logistic3A_95 : vector<16x128xf32>
      %logistic3A_99 = arith.divf %logistic3A_97, %logistic3A_98 : vector<16x128xf32>
      %slice3A_100 = vector.extract_strided_slice %add3A_94 {offsets = [0, 128], sizes = [16, 128], strides = [1, 1]} : vector<16x512xf32> to vector<16x128xf32>
      %logistic3A_101 = arith.negf %slice3A_100 : vector<16x128xf32>
      %logistic3A_102 = math.exp %logistic3A_101 : vector<16x128xf32>
      %logistic3A_103 = arith.constant 1.000000e+00 : f32
      %logistic3A_104 = vector.broadcast %logistic3A_103 : f32 to vector<16x128xf32>
      %logistic3A_105 = arith.addf %logistic3A_104, %logistic3A_102 : vector<16x128xf32>
      %logistic3A_106 = arith.divf %logistic3A_104, %logistic3A_105 : vector<16x128xf32>
      %slice3A_107 = vector.extract_strided_slice %add3A_94 {offsets = [0, 256], sizes = [16, 128], strides = [1, 1]} : vector<16x512xf32> to vector<16x128xf32>
      %tanh3A = math.tanh %slice3A_107 : vector<16x128xf32>
      %slice3A_108 = vector.extract_strided_slice %add3A_94 {offsets = [0, 384], sizes = [16, 128], strides = [1, 1]} : vector<16x512xf32> to vector<16x128xf32>
      %logistic3A_109 = arith.negf %slice3A_108 : vector<16x128xf32>
      %logistic3A_110 = math.exp %logistic3A_109 : vector<16x128xf32>
      %logistic3A_111 = arith.constant 1.000000e+00 : f32
      %logistic3A_112 = vector.broadcast %logistic3A_111 : f32 to vector<16x128xf32>
      %logistic3A_113 = arith.addf %logistic3A_112, %logistic3A_110 : vector<16x128xf32>
      %logistic3A_114 = arith.divf %logistic3A_112, %logistic3A_113 : vector<16x128xf32>
      %get3A_115 = arith.constant 0 : index
      %get3A_116 = arith.constant 0 : index
      %get3A_117 = vector.load %arg10[%get3A_115, %get3A_116] : memref<16x128xf32, #tpu.memory_space<vmem>>, vector<16x128xf32>
      %mul3A = arith.mulf %logistic3A_106, %get3A_117 : vector<16x128xf32>
      %mul3A_118 = arith.mulf %logistic3A_99, %tanh3A : vector<16x128xf32>
      %add3A_119 = arith.addf %mul3A, %mul3A_118 : vector<16x128xf32>
      %tanh3A_120 = math.tanh %add3A_119 : vector<16x128xf32>
      %mul3A_121 = arith.mulf %logistic3A_114, %tanh3A_120 : vector<16x128xf32>
      %get3A_122 = arith.constant 0 : index
      %get3A_123 = arith.constant 0 : index
      %get3A_124 = vector.load %arg14[%get3A_122, %get3A_123] : memref<128x64xf32, #tpu.memory_space<vmem>>, vector<128x64xf32>
      %dot_general3A_125 = arith.constant dense<0.000000e+00> : vector<16x64xf32>
      %dot_general3A_126 = tpu.matmul %mul3A_121, %get3A_124, %dot_general3A_125 {dimension_numbers = #tpu.dot_dimension_numbers<[1], [0], [0], [1], [0, 0, 1, 1], [], []>, transpose_lhs_hint = false} : vector<16x128xf32>, vector<128x64xf32>, vector<16x64xf32> -> vector<16x64xf32>
      %get3A_127 = arith.constant 0 : index
      %get3A_128 = arith.constant 0 : index
      %get3A_129 = vector.load %arg15[%get3A_127, %get3A_128] : memref<1x64xf32, #tpu.memory_space<vmem>>, vector<1x64xf32>
      %add3A_130 = vector.broadcast %get3A_129 : vector<1x64xf32> to vector<16x64xf32>
      %add3A_131 = arith.addf %dot_general3A_126, %add3A_130 : vector<16x64xf32>
      %reduce_max3A = arith.constant dense<0xFF800000> : vector<16xf32>
      %reduce_max3A_132 = vector.multi_reduction <maximumf>, %add3A_131, %reduce_max3A [1] : vector<16x64xf32> to vector<16xf32>
      %broadcast_in_dim3A_133 = vector.shape_cast %reduce_max3A_132 : vector<16xf32> to vector<16x1xf32>
      %sub3A = vector.broadcast %broadcast_in_dim3A_133 : vector<16x1xf32> to vector<16x64xf32>
      %sub3A_134 = arith.subf %add3A_131, %sub3A : vector<16x64xf32>
      %exp3A = math.exp %sub3A_134 : vector<16x64xf32>
      %reduce_sum3A = arith.constant dense<0.000000e+00> : vector<16xf32>
      %reduce_sum3A_135 = vector.multi_reduction <add>, %exp3A, %reduce_sum3A [1] : vector<16x64xf32> to vector<16xf32>
      %broadcast_in_dim3A_136 = vector.shape_cast %reduce_sum3A_135 : vector<16xf32> to vector<16x1xf32>
      %div3A_137 = vector.broadcast %broadcast_in_dim3A_136 : vector<16x1xf32> to vector<16x64xf32>
      %div3A_138 = arith.divf %exp3A, %div3A_137 : vector<16x64xf32>
      %swap3A_139 = arith.constant 0 : index
      %swap3A_140 = arith.constant 0 : index
      %swap3A_141 = vector.load %arg16[%swap3A_139, %swap3A_140] : memref<16x64xf32, #tpu.memory_space<vmem>>, vector<16x64xf32>
      tpu.vector_store %arg16[%swap3A_139, %swap3A_140], %div3A_138 {strides = array<i32>} : memref<16x64xf32, #tpu.memory_space<vmem>>, vector<16x64xf32>,
      %swap3A_142 = arith.constant 0 : index
      %swap3A_143 = arith.constant 0 : index
      %swap3A_144 = vector.load %arg17[%swap3A_142, %swap3A_143] : memref<16x128xf32, #tpu.memory_space<vmem>>, vector<16x128xf32>
      tpu.vector_store %arg17[%swap3A_142, %swap3A_143], %mul3A_121 {strides = array<i32>} : memref<16x128xf32, #tpu.memory_space<vmem>>, vector<16x128xf32>,
      %swap3A_145 = arith.constant 0 : index
      %swap3A_146 = arith.constant 0 : index
      %swap3A_147 = vector.load %arg18[%swap3A_145, %swap3A_146] : memref<16x128xf32, #tpu.memory_space<vmem>>, vector<16x128xf32>
      tpu.vector_store %arg18[%swap3A_145, %swap3A_146], %add3A_119 {strides = array<i32>} : memref<16x128xf32, #tpu.memory_space<vmem>>, vector<16x128xf32>,
    } else {
    }
    return
  }
  func.func @transform_0(%arg0: i32) -> (i32, i32) {
    %c0_i32 = arith.constant 0 : i32
    %c0_i32_0 = arith.constant 0 : i32
    return %arg0, %c0_i32 : i32, i32
  }
  func.func @transform_1(%arg0: i32) -> (i32, i32) {
    %c0_i32 = arith.constant 0 : i32
    %c0_i32_0 = arith.constant 0 : i32
    return %arg0, %c0_i32 : i32, i32
  }
  func.func @transform_2(%arg0: i32) -> (i32, i32) {
    %c0_i32 = arith.constant 0 : i32
    %c0_i32_0 = arith.constant 0 : i32
    return %arg0, %c0_i32 : i32, i32
  }
  func.func @transform_3(%arg0: i32) -> (i32, i32) {
    %c0_i32 = arith.constant 0 : i32
    %c0_i32_0 = arith.constant 0 : i32
    %c0_i32_1 = arith.constant 0 : i32
    return %c0_i32, %c0_i32_0 : i32, i32
  }
  func.func @transform_4(%arg0: i32) -> (i32, i32) {
    %c0_i32 = arith.constant 0 : i32
    %c0_i32_0 = arith.constant 0 : i32
    %c0_i32_1 = arith.constant 0 : i32
    return %c0_i32, %c0_i32_0 : i32, i32
  }
  func.func @transform_5(%arg0: i32) -> (i32, i32) {
    %c0_i32 = arith.constant 0 : i32
    %c0_i32_0 = arith.constant 0 : i32
    %c0_i32_1 = arith.constant 0 : i32
    return %c0_i32, %c0_i32_0 : i32, i32
  }
  func.func @transform_6(%arg0: i32) -> (i32, i32) {
    %c0_i32 = arith.constant 0 : i32
    %c0_i32_0 = arith.constant 0 : i32
    %c0_i32_1 = arith.constant 0 : i32
    return %c0_i32, %c0_i32_0 : i32, i32
  }
  func.func @transform_7(%arg0: i32) -> (i32, i32, i32) {
    %c0_i32 = arith.constant 0 : i32
    %c0_i32_0 = arith.constant 0 : i32
    %c0_i32_1 = arith.constant 0 : i32
    return %arg0, %c0_i32, %c0_i32_0 : i32, i32, i32
  }
  func.func @transform_8(%arg0: i32) -> (i32, i32) {
    %c0_i32 = arith.constant 0 : i32
    %c0_i32_0 = arith.constant 0 : i32
    %c0_i32_1 = arith.constant 0 : i32
    return %c0_i32, %c0_i32_0 : i32, i32
  }
  func.func @transform_9(%arg0: i32) -> (i32, i32) {
    %c0_i32 = arith.constant 0 : i32
    %c0_i32_0 = arith.constant 0 : i32
    %c0_i32_1 = arith.constant 0 : i32
    return %c0_i32, %c0_i32_0 : i32, i32
  }
  func.func @transform_10(%arg0: i32) -> (i32, i32) {
    %c0_i32 = arith.constant 0 : i32
    %c0_i32_0 = arith.constant 0 : i32
    %c0_i32_1 = arith.constant 0 : i32
    return %c0_i32, %c0_i32_0 : i32, i32
  }
  func.func @transform_11(%arg0: i32) -> (i32, i32) {
    %c0_i32 = arith.constant 0 : i32
    %c0_i32_0 = arith.constant 0 : i32
    %c0_i32_1 = arith.constant 0 : i32
    return %c0_i32, %c0_i32_0 : i32, i32
  }
  func.func @transform_12(%arg0: i32) -> (i32, i32) {
    %c0_i32 = arith.constant 0 : i32
    %c0_i32_0 = arith.constant 0 : i32
    %c0_i32_1 = arith.constant 0 : i32
    return %c0_i32, %c0_i32_0 : i32, i32
  }
  func.func @transform_13(%arg0: i32) -> (i32, i32) {
    %c0_i32 = arith.constant 0 : i32
    %c0_i32_0 = arith.constant 0 : i32
    %c0_i32_1 = arith.constant 0 : i32
    return %c0_i32, %c0_i32_0 : i32, i32
  }
  func.func @transform_14(%arg0: i32) -> (i32, i32) {
    %c0_i32 = arith.constant 0 : i32
    %c0_i32_0 = arith.constant 0 : i32
    %c0_i32_1 = arith.constant 0 : i32
    return %c0_i32, %c0_i32_0 : i32, i32
  }
  func.func @transform_15(%arg0: i32) -> (i32, i32) {
    %c0_i32 = arith.constant 0 : i32
    %c0_i32_0 = arith.constant 0 : i32
    %c0_i32_1 = arith.constant 0 : i32
    return %c0_i32, %c0_i32_0 : i32, i32
  }
  func.func @transform_16(%arg0: i32) -> (i32, i32) {
    %c0_i32 = arith.constant 0 : i32
    %c0_i32_0 = arith.constant 0 : i32
    %c0_i32_1 = arith.constant 0 : i32
    return %c0_i32, %c0_i32_0 : i32, i32
  }
  func.func @transform_17(%arg0: i32) -> (i32, i32) {
    %c0_i32 = arith.constant 0 : i32
    %c0_i32_0 = arith.constant 0 : i32
    %c0_i32_1 = arith.constant 0 : i32
    return %c0_i32, %c0_i32_0 : i32, i32
  }
}

</mosaic_0001>

<sc_bundles>
// kernel: kernel.6.cloned.1.call-start
scs
__scs_entry_jumppad:
0x0: {  	(pc) =	sbr.rel $0x88, $3  }
0x1: {  	(tag) =	ssettag $0x0;
	lr =	simm.s32 $0x1  }
0x2: {  	[smem:$0x3F8E] =	sst lr;
	_ =	strace $0xD0000000  }
0x3: {  	_ = 	snop  }
0x4: {  	_ = 	snop  }
0x5: {  	_ = 	snop  }
0x6: {  	_ = 	snop  }
0x7: {  	_ = 	snop  }
__scs_overlays_trampoline_lowered:
0x8: {  	[smem:$0x3F9D] =	sst s0  }
0x9: {  	[smem:$0x3F9E] =	sst s1  }
0xa: {  	[smem:$0x3F9F] =	sst s2  }
0xb: {  	[smem:$0x3FA0] =	sst s3  }
0xc: {  	[smem:$0x3FA1] =	sst s4  }
0xd: {  	[smem:$0x3FA2] =	sst s5  }
0xe: {  	[smem:$0x3FA3] =	sst s6  }
0xf: {  	[smem:$0x3FA4] =	sst s7  }
0x10: {  	[smem:$0x3FA5] =	sst s8  }
0x11: {  	[smem:$0x3FA6] =	sst s9;
	s0 =	simm.s32 @!p0 $0x0  }
0x12: {  	s1 =	sld [smem:$0x3F8C];
	s0 =	simm.s32 @p0 $0x1  }
0x13: {  	[smem:$0x3FA7] =	sst s0;
	s0 =	simm.s32 @!p1 $0x0  }
0x14: {  	s2 =	sld [smem:$0x3F8B];
	s0 =	simm.s32 @p1 $0x1  }
0x15: {  	[smem:$0x3FA8] =	sst s0;
	s0 =	simm.s32 @!p2 $0x0  }
0x16: {  	s3 =	sld [smem:$0x3FDB];
	s0 =	simm.s32 @p2 $0x1  }
0x17: {  	s4 =	simm.s32 $0x1BF5;
	[smem:$0x3FAA] =	sst s0  }
0x18: {  	s0 =	sld [smem:$0x3F8D];
	_ =	swait.ge [sflag:s4], $0x0  }
0x19: {  	s7 =	sld [smem:$0x3F8E]  }
0x1a: {  	s8 =	sadd.s32 $0xFFFFE003, lr  }
0x1b: {  	s9 =	sadd.s32 $0xFFFFFEF7, lr;
	s5 =	simm.s32 $0xFFFFFFFF;
	p2 =	slt.u32 s8, $0xFFFFF086  }
0x1c: {  	p1 =	slt.u32 s9, $0xF7A;
	s5 =	simm.s32 @!p2 $0x0  }
0x1d: {  	s5 =	simm.s32 @p1 $0x1;
	p0 =	seq.s32 s7, s2  }
0x1e: {  	s7 =	smul.u32 @!p0 $0xF7A, s2;
	p2 =	seq.s32 @!p0 s5, $0x0  }
0x1f: {  	s9 =	smul.u32 $0xF7A, s1;
	s8 =	simm.s32 @!p0 $0x1BF5;
	p2 =	por !p2, p0  }
0x20: {  	[sflag:s8] =	ssyncset.s32 @!p0 $0xFFFFF086;
	s6 =	sadd.s32 @!p0 s3, s7;
	s7 =	simm.s32 @!p0 $0x108  }
0x21: {  	s3 =	sadd.s32 s3, s9;
	s6 =	sadd.s32 @!p0 $0x88, s6;
	s7 =	simm.s32 @p2 $0x1082  }
0x22: {  	[simem:s7], [sflag:s8] =	dma.local @!p0 [hbm:s6], $0xF7A  }
0x23: {  	s9 =	sor.u32 $0xD0000000, s2;
	s6 =	simm.s32 $0x108;
	_ =	swait.ge @!p0 [sflag:s8], $0x0  }
0x24: {  	s3 =	sadd.s32 $0x88, s3;
	s6 =	simm.s32 @!p1 $0x1082;
	[sflag:s4] =	ssyncset.s32 $0xFFFFF086  }
0x25: {  	[simem:s6], [sflag:s4] =	dma.local [hbm:s3], $0xF7A  }
0x26: {  	[smem:$0x3F8E] =	sst s1;
	(tag) =	ssettag s2;
	_ =	strace s9  }
0x27: {  	s1 =	sld [smem:$0x3F9E]  }
0x28: {  	s2 =	sld [smem:$0x3F9F]  }
0x29: {  	s4 =	sld [smem:$0x3FA1]  }
0x2a: {  	p0 =	seq.s32 s5, $0x0;
	s5 =	sld [smem:$0x3FA2]  }
0x2b: {  	s6 =	sld [smem:$0x3FA3]  }
0x2c: {  	s7 =	sld [smem:$0x3FA4]  }
0x2d: {  	s3 =	simm.s32 $0x108;
	s8 =	sld [smem:$0x3FA5]  }
0x2e: {  	s3 =	simm.s32 @!p0 $0x1082;
	s9 =	sld [smem:$0x3FA6]  }
0x2f: {  	lr =	sadd.s32 s0, s3;
	s0 =	sld [smem:$0x3F9D]  }
0x30: {  	s3 =	sld [smem:$0x3FA0]  }
0x31: {  	[smem:$0x3FA9] =	sst s10  }
0x32: {  	s10 =	sld [smem:$0x3FA7];
	_ =	sdelay $0x3  }
0x33: {  	p0 =	seq.s32 s10, $0x1;
	s10 =	sld [smem:$0x3FA9];
	_ =	sdelay $0x3  }
0x34: {  	[smem:$0x3FA9] =	sst s10  }
0x35: {  	s10 =	sld [smem:$0x3FA8];
	_ =	sdelay $0x3  }
0x36: {  	p1 =	seq.s32 s10, $0x1;
	s10 =	sld [smem:$0x3FA9];
	_ =	sdelay $0x3  }
0x37: {  	[smem:$0x3FA9] =	sst s10  }
0x38: {  	s10 =	sld [smem:$0x3FAA]  }
0x39: {  	_ = 	snop;
	(pc) =	sbr.ind lr, $3  }
0x3a: {  	_ = 	snop  }
0x3b: {  	_ = 	snop  }
0x3c: {  	p2 =	seq.s32 s10, $0x1;
	s10 =	sld [smem:$0x3FA9]  }
0x3d: {  	_ =	shalt  }
0x3e: {  	_ =	shalt  }
0x3f: {  	_ =	shalt  }
0x40: {  	_ =	shalt  }
0x41: {  	_ =	shalt  }
0x42: {  	_ =	shalt  }
0x43: {  	_ =	shalt  }
0x44: {  	_ =	shalt  }
0x45: {  	_ =	shalt  }
0x46: {  	_ =	shalt  }
0x47: {  	_ =	shalt  }
0x48: {  	_ =	shalt  }
0x49: {  	_ =	shalt  }
0x4a: {  	_ =	shalt  }
0x4b: {  	_ =	shalt  }
0x4c: {  	_ =	shalt  }
0x4d: {  	_ =	shalt  }
0x4e: {  	_ =	shalt  }
0x4f: {  	_ =	shalt  }
0x50: {  	_ =	shalt  }
0x51: {  	_ =	shalt  }
0x52: {  	_ =	shalt  }
0x53: {  	_ =	shalt  }
0x54: {  	_ =	shalt  }
0x55: {  	_ =	shalt  }
0x56: {  	_ =	shalt  }
0x57: {  	_ =	shalt  }
0x58: {  	_ =	shalt  }
0x59: {  	_ =	shalt  }
0x5a: {  	_ =	shalt  }
0x5b: {  	_ =	shalt  }
0x5c: {  	_ =	shalt  }
0x5d: {  	_ =	shalt  }
0x5e: {  	_ =	shalt  }
0x5f: {  	_ =	shalt  }
0x60: {  	_ =	shalt  }
0x61: {  	_ =	shalt  }
0x62: {  	_ =	shalt  }
0x63: {  	_ =	shalt  }
0x64: {  	_ =	shalt  }
0x65: {  	_ =	shalt  }
0x66: {  	_ =	shalt  }
0x67: {  	_ =	shalt  }
0x68: {  	_ =	shalt  }
0x69: {  	_ =	shalt  }
0x6a: {  	_ =	shalt  }
0x6b: {  	_ =	shalt  }
0x6c: {  	_ =	shalt  }
0x6d: {  	_ =	shalt  }
0x6e: {  	_ =	shalt  }
0x6f: {  	_ =	shalt  }
0x70: {  	_ =	shalt  }
0x71: {  	_ =	shalt  }
0x72: {  	_ =	shalt  }
0x73: {  	_ =	shalt  }
0x74: {  	_ =	shalt  }
0x75: {  	_ =	shalt  }
0x76: {  	_ =	shalt  }
0x77: {  	_ =	shalt  }
0x78: {  	_ =	shalt  }
0x79: {  	_ =	shalt  }
0x7a: {  	_ =	shalt  }
0x7b: {  	_ =	shalt  }
0x7c: {  	_ =	shalt  }
0x7d: {  	_ =	shalt  }
0x7e: {  	_ =	shalt  }
0x7f: {  	_ =	shalt  }
0x80: {  	_ =	shalt  }
0x81: {  	_ =	shalt  }
0x82: {  	_ =	shalt  }
0x83: {  	_ =	shalt  }
0x84: {  	_ =	shalt  }
0x85: {  	_ =	shalt  }
0x86: {  	_ =	shalt  }
0x87: {  	_ =	shalt  }
.Lfunc_end0:
.L_simem_size_0:
called_computation_lowered:
.L_overlay_start_0:
0x88: {  	s2 =	sld [smem:$0x3FD9]  }
0x89: {  	s3 =	sld [smem:$0x3FFE];
	_ =	sdelay $0x1  }
0x8a: {  	s1 =	srdreg.scid  }
0x8b: {  	s0 =	sand.u32 $0x1, s1  }
0x8c: {  	s17 =	sshll.u32 s0, $0xA;
	s2 =	sadd.s32 s3, s2  }
0x8d: {  	s2 =	sadd.s32 s2, s17  }
0x8e: {  	[smem:$0x3FB5] =	sst s2  }
0x8f: {  	_ = 	snop  }
0x90: {  	s2 =	sld [smem:$0x3FC9];
	(tm) =	ssettm $0x1  }
0x91: {  	s18 =	sld [smem:$0x3FFB];
	_ =	sdelay $0x3  }
0x92: {  	_ =	strace s18  }
0x93: {  	s3 =	sld [smem:$0x3FFC];
	_ =	sdelay $0x3  }
0x94: {  	_ =	strace s3  }
0x95: {  	s3 =	sld [smem:$0x3FFD];
	_ =	sdelay $0x3  }
0x96: {  	_ =	strace s3  }
0x97: {  	_ =	strace $0x8FFFFFFF  }
0x98: {  	s19 =	sld [smem:$0x3FDB];
	_ =	sdelay $0x1  }
0x99: {  	s4 =	simm.s32 $_scs_section_size  }
0x9a: {  	s5 =	simm.s32 $_size__tile_overlayer_lowered;
	s6 =	simm.s32 $_tile_overlayer_lowered  }
0x9b: {  	s22 =	simm.s32 $0x1BFF;
	s21 =	sshll.u32 s6, $0x1;
	s3 =	sadd.s32 s4, s19  }
0x9c: {  	s7 =	simm.s32 $0x0;
	s20 =	sshll.u32 s5, $0x1;
	s5 =	sadd.s32 s21, s3  }
0x9d: {  	[timem:s7], [sflag:s22] =	dma.local [hbm:s5], s20  }
0x9e: {  	_ =	swait.ge [sflag:s22], s20  }
0x9f: {  	s4 =	ssub.s32 $0x0, s20;
	[sflag:s22] =	ssyncset.done $0x0  }
0xa0: {  	[sflag:s22] =	ssyncadd.s32 s4;
	_ =	sdelay $0x1  }
0xa1: {  	s23 =	simm.s32 $0x1B8B  }
0xa2: {  	_ =	swait.ge [sflag:s23], $0x1  }
0xa3: {  	[sflag:s23] =	ssyncset.done $0x0  }
0xa4: {  	s25 =	simm.s32 $0x1B8E;
	s24 =	sld [smem:$0x3FFE];
	[sflag:s23] =	ssyncadd.s32 $0xFFFFFFFF  }
0xa5: {  	s26 =	simm.s32 $execute0_lowered;
	[smem:$0x3FD2] =	sst s25  }
0xa6: {  	s5 =	sshll.u32 s26, $0x1;
	_ =	strace $0x80000046;
	[dreg:$0x1] =	wrdreg $0xFFFFFFFF  }
0xa7: {  	s28 =	simm.s32 $_size_execute0_lowered;
	s3 =	sadd.s32 s3, s5;
	[dreg:$0x0] =	wrdreg $0x0  }
0xa8: {  	s5 =	sshll.u32 s28, $0x1;
	[dreg:$0x2] =	wrdreg s3  }
0xa9: {  	[dreg:$0x3] =	wrdreg s5  }
0xaa: {  	[dreg:$0x4] =	wrdreg $0xC0  }
0xab: {  	_ =	task [dreg:s7], $0x5FFFF  }
0xac: {  	[dreg:$0x1] =	wrdreg $0xFFFFFFFF  }
0xad: {  	[dreg:$0x0] =	wrdreg $0x60  }
0xae: {  	[dreg:$0x2] =	wrdreg s2  }
0xaf: {  	[dreg:$0x3] =	wrdreg s24  }
0xb0: {  	[dreg:$0x4] =	wrdreg $0x0  }
0xb1: {  	[dreg:$0x5] =	wrdreg $0x9  }
0xb2: {  	_ =	task.clear_ibuf [dreg:s7], $0x6FFFF;
	_ =	strace $0x90000046  }
0xb3: {  	s29 =	simm.s32 $0x9;
	_ =	strace $0x80000048  }
0xb4: {  	_ =	swait.ge [sflag:s29], $0x1  }
0xb5: {  	[sflag:s29] =	ssyncadd.s32 $0xFFFFFFFF  }
0xb6: {  	_ =	strace $0x90000048  }
0xb7: {  	_ =	sfence  }
0xb8: {  	s30 =	sld [smem:$0x0];
	_ =	sdelay $0x2  }
0xb9: {  	s31 =	sshll.u32 s1, $0xD;
	s1 =	sshrl.u32 s1, $0x2  }
0xba: {  	s3 =	sand.u32 $0x4000, s31;
	s1 =	sadd.s32 s1, s30  }
0xbb: {  	s0 =	sor.u32 s3, s0;
	s1 =	sshll.u32 s1, $0x11  }
0xbc: {  	s0 =	sor.u32 s1, s0  }
0xbd: {  	s0 =	sadd.s32 $0x8F2B, s0  }
0xbe: {  	[sflag:s0] =	ssyncadd.remote.s32 $0x1  }
0xbf: {  	_ =	sfence.sel $0xFFFF  }
0xc0: {  	[dreg:$0x0] =	wrdreg $0xFFFFFFFF;
	(pc) =	sbr.abs _section_cstart, $3  }
0xc1: {  	[dreg:$0x1] =	wrdreg $0xFFFFFFFF  }
0xc2: {  	_ =	task.clear_ibuf [dreg:s7], $0x2FFFF;
	_ =	strace $0x9FFFFFFF  }
0xc3: {  	(tm) =	ssettm $0x7FFFFFFF  }
tec
execute0_lowered:
.L_overlay_start_1:
0x0: {  	(tag) =	ssettag $0x1  }
0x1: {  	s1 =	rddreg [dreg:$0x0]  }
0x2: {  	s0 =	rddreg [dreg:$0x1]  }
0x3: {  	s2 =	rddreg [dreg:$0x2];
	s3 =	simm.s32 $0x0  }
0x4: {  	s4 =	srdreg.scid;
	s6 =	stileid.u32;
	s28 =	simm.s32 $0x3  }
0x5: {  	s29 =	simm.s32 $0x9;
	[smem:$0x7FF] =	sst s3;
	s8 =	smul.u32 $0x4F000, s6  }
0x6: {  	s5 =	sand.u32 $0x1, s4;
	s4 =	sadd.s32 $0xDE00, s0;
	s20 =	smul.u32 $0x4E000, s6  }
0x7: {  	s12 =	sadd.s32 $0x4000, s0;
	s13 =	sadd.s32 $0x17C00, s0;
	s22 =	smul.u32 $0x2700, s6  }
0x8: {  	s14 =	sadd.s32 $0x3EE00, s0;
	s24 =	smul.u32 $0x2710, s6;
	s30 =	sadd.s32 $0x138000, s2  }
0x9: {  	p1 =	sne.s32 s6, $0x0;
	p2 =	seq.s32 s6, $0x0;
	_ =	strace $0x80000047  }
0xa: {  	s7 =	sshll.u32 s5, $0x4;
	s9 =	ssub.s32 $0x2, s5;
	[dreg:$0x4] =	wrdreg s13  }
0xb: {  	s23 =	smul.u32 $0x27100, s5;
	[dreg:$0x5] =	wrdreg s14;
	s18 =	sshrl.u32 s9, $0x1  }
0xc: {  	s8 =	sshrl.u32 s8, $0x2;
	s26 =	sadd.s32 s13, s22;
	s0 =	ssub.s32 s9, s18  }
0xd: {  	s9 =	sshrl.u32 s20, $0x2;
	[dreg:$0xe] =	wrdreg s26;
	s20 =	sshrl.u32 s30, $0x3  }
0xe: {  	p0 =	seq.s32 s5, $0x1;
	s15 =	sadd.s32 s8, s2;
	[dreg:$0x14] =	wrdreg s20  }
0xf: {  	s5 =	simm.s32 $0x13E00;
	s25 =	sadd.s32 s9, s2;
	[dreg:$0x6] =	wrdreg s15  }
0x10: {  	s31 =	sadd.s32 s24, s23;
	s0 =	smax.u32 s0, $0x1;
	[dreg:$0xd] =	wrdreg s25  }
0x11: {  	s7 =	sor.u32 s6, s7;
	s13 =	sadd.s32 $0x180, s31;
	[dreg:$0x10] =	wrdreg s0  }
0x12: {  	s7 =	smul.u32 $0x2710, s7;
	s23 =	sadd.s32 $0x4000, s15;
	[dreg:$0x11] =	wrdreg s13  }
0x13: {  	s26 =	sadd.s32 $0xC000, s15;
	s30 =	sadd.s32 $0x10000, s15;
	[dreg:$0x15] =	wrdreg s23  }
0x14: {  	s20 =	simm.s32 $0x1C000;
	s9 =	simm.s32 $0x2;
	[dreg:$0x17] =	wrdreg s26  }
0x15: {  	s7 =	sshrl.u32 s7, $0x3;
	s25 =	sadd.s32 $0x8000, s15;
	[dreg:$0x18] =	wrdreg s30  }
0x16: {  	s13 =	simm.s32 $0x5;
	s21 =	sadd.s32 s12, s7;
	[dreg:$0x16] =	wrdreg s25  }
0x17: {  	s16 =	sadd.s32 s4, s7;
	s19 =	sadd.s32 $0x10, s7;
	[dreg:$0x9] =	wrdreg s21  }
0x18: {  	s15 =	simm.s32 $0x7;
	s10 =	sadd.s32 s4, s19;
	[dreg:$0x7] =	wrdreg s16  }
0x19: {  	s7 =	sadd.s32 $0x4E0, s7;
	s8 =	sadd.s32 s12, s19;
	[dreg:$0x8] =	wrdreg s10  }
0x1a: {  	s26 =	simm.s32 $0x8;
	s11 =	sadd.s32 s4, s7;
	[dreg:$0xa] =	wrdreg s8  }
0x1b: {  	s23 =	simm.s32 $0x13C00;
	s7 =	sadd.s32 s12, s7;
	[dreg:$0xb] =	wrdreg s11  }
0x1c: {  	s25 =	simm.s32 $0xA;
	s21 =	smov.u32 s4;
	[dreg:$0xc] =	wrdreg s7  }
0x1d: {  	s10 =	sadd.s32 s14, s22;
	s11 =	sadd.s32 $0x200, s31;
	s14 =	sadd.s32 $0x280, s31  }
0x1e: {  	s7 =	sadd.s32 $0x100, s31;
	s22 =	smov.u32 s12;
	s31 =	sadd.s32 $0x20, s16  }
0x1f: {  	s16 =	simm.s32 $0x13E80;
	[dreg:$0xf] =	wrdreg s10;
	s0 =	sshrl.u32 s11, $0x3  }
0x20: {  	s8 =	sshrl.u32 s14, $0x3;
	s19 =	sshrl.u32 s7, $0x3;
	[dreg:$0x19] =	wrdreg s31  }
0x21: {  	s11 =	simm.s32 $0x4;
	s10 =	simm.s32 $0x18000;
	s14 =	simm.s32 $0x1  }
.Ltmp0:
0x22: {  	s7 =	simm.s32 $0x0;
	s17 =	sadd.s32 s0, s12;
	(pc) =	sbr.rel .LBB2_1-.Ltmp0, $4  }
0x23: {  	s0 =	sadd.s32 s0, s4;
	s18 =	sadd.s32 s8, s4;
	[dreg:$0x12] =	wrdreg s17  }
0x24: {  	s24 =	sadd.s32 s19, s12;
	s8 =	simm.s32 $0x13C80;
	[dreg:$0x13] =	wrdreg s0  }
0x25: {  	s12 =	simm.s32 $0x80;
	s19 =	simm.s32 $0x6;
	[dreg:$0x1a] =	wrdreg s18  }
0x26: {  	v0 =	vimm.f32 $0.0e+00;
	s0 =	simm.s32 $0x14000;
	s17 =	simm.s32 $0x13D00;
	s18 =	simm.s32 $0x13D80  }
.LBB2_9:
0x27: {  	s4 =	sadd.s32 $0x27000, s31;
	s6 =	rddreg [dreg:$0x14]  }
0x28: {  	[hbm:s4], [sflag:s30] =	dma.local [spmem:s6], $0x100  }
0x29: {  	_ =	swait.ge [sflag:s25], $0x100  }
0x2a: {  	[sflag:s25] =	ssyncset.done $0x0  }
0x2b: {  	[sflag:s25] =	ssyncadd.s32 $0xFFFFFF00  }
.LBB2_10:
0x2c: {  	s7 =	sadd.s32 $0x1, s7;
	s4 =	rddreg [dreg:$0x10]  }
0x2d: {  	p3 =	sne.s32 s7, s4  }
.Ltmp1:
0x2e: {  	_ = 	snop;
	(pc) =	sbr.rel @!p3 .LBB2_11-.Ltmp1, $1  }
0x2f: {  	_ =	sdelay $0x3  }
.LBB2_1:
0x30: {  	[dreg:$0x1b] =	wrdreg s7;
	s30 =	simm.s32 $0x0;
	s31 =	simm.s32 $0x200  }
.LBB2_2:
0x31: {  	p3 =	sne.s32 s31, $0xFE00;
	[tilespmem:s30+$0x14070] =	vst v0  }
0x32: {  	[tilespmem:s30+$0x14000] =	vst v0  }
0x33: {  	[tilespmem:s30+$0x14010] =	vst v0  }
.Ltmp2:
0x34: {  	[tilespmem:s30+$0x14020] =	vst v0;
	(pc) =	sbr.rel @p3 .LBB2_2-.Ltmp2, $4  }
0x35: {  	[tilespmem:s30+$0x14030] =	vst v0  }
0x36: {  	[tilespmem:s30+$0x14040] =	vst v0  }
0x37: {  	[tilespmem:s30+$0x14050] =	vst v0  }
0x38: {  	[tilespmem:s30+$0x14060] =	vst v0;
	s30 =	sshra.s32 s31, $0x2;
	s31 =	sadd.s32 $0x200, s31  }
0x39: {  	[tilespmem:s30+$0x14070] =	vst v0  }
0x3a: {  	[tilespmem:s30+$0x14000] =	vst v0  }
0x3b: {  	[tilespmem:s30+$0x14010] =	vst v0  }
0x3c: {  	[tilespmem:s30+$0x14020] =	vst v0  }
0x3d: {  	[tilespmem:s30+$0x14030] =	vst v0  }
0x3e: {  	[tilespmem:s30+$0x14040] =	vst v0  }
0x3f: {  	[tilespmem:s30+$0x14050] =	vst v0  }
0x40: {  	[tilespmem:s30+$0x14060] =	vst v0;
	s4 =	rddreg [dreg:$0x6]  }
0x41: {  	[spmem:s4] =	stream.linear.scatter [tilespmem:s0], [sflag:$0xA], $0x4000, $0x38;
	v63 =	vld [tilespmem:$0x0]  }
0x42: {  	_ =	swait.ge [sflag:s25], $0x4000  }
0x43: {  	[sflag:s25] =	ssyncset.done $0x0  }
0x44: {  	s7 =	rddreg [dreg:$0x15];
	[sflag:s25] =	ssyncadd.s32 $0xFFFFC000  }
0x45: {  	[spmem:s7] =	stream.linear.scatter [tilespmem:s0], [sflag:$0xA], $0x4000, $0x38;
	v63 =	vld [tilespmem:$0x0]  }
0x46: {  	_ =	swait.ge [sflag:s25], $0x4000  }
0x47: {  	[sflag:s25] =	ssyncset.done $0x0  }
0x48: {  	s6 =	rddreg [dreg:$0x16];
	[sflag:s25] =	ssyncadd.s32 $0xFFFFC000  }
0x49: {  	[spmem:s6] =	stream.linear.scatter [tilespmem:s0], [sflag:$0xA], $0x4000, $0x38;
	v63 =	vld [tilespmem:$0x0]  }
0x4a: {  	_ =	swait.ge [sflag:s25], $0x4000  }
0x4b: {  	[sflag:s25] =	ssyncset.done $0x0  }
0x4c: {  	s7 =	rddreg [dreg:$0x17];
	[sflag:s25] =	ssyncadd.s32 $0xFFFFC000  }
0x4d: {  	[spmem:s7] =	stream.linear.scatter [tilespmem:s0], [sflag:$0xA], $0x4000, $0x38;
	v63 =	vld [tilespmem:$0x0]  }
0x4e: {  	_ =	swait.ge [sflag:s25], $0x4000  }
0x4f: {  	[sflag:s25] =	ssyncset.done $0x0  }
0x50: {  	s6 =	rddreg [dreg:$0x18];
	[sflag:s25] =	ssyncadd.s32 $0xFFFFC000  }
0x51: {  	[spmem:s6] =	stream.linear.scatter [tilespmem:s0], [sflag:$0xA], $0x3C00, $0x38;
	v63 =	vld [tilespmem:$0x0]  }
0x52: {  	_ =	swait.ge [sflag:s25], $0x3C00  }
0x53: {  	s30 =	simm.s32 $0x0;
	[sflag:s25] =	ssyncset.done $0x0  }
0x54: {  	s6 =	simm.s32 $0x13C00;
	s7 =	rddreg [dreg:$0x7];
	[sflag:s25] =	ssyncadd.s32 $0xFFFFC400  }
0x55: {  	[tilespmem:s6], [sflag:$0x4] =	stream.linear.gather [hbm4b:s7+s30], $0x80, $0x38;
	v63 =	vld [tilespmem:$0x0]  }
0x56: {  	s7 =	rddreg [dreg:$0x8]  }
0x57: {  	[tilespmem:s8], [sflag:$0x5] =	stream.linear.gather [hbm4b:s7+s30], $0x80, $0x38;
	v63 =	vld [tilespmem:$0x0]  }
0x58: {  	s7 =	rddreg [dreg:$0x19]  }
0x59: {  	[tilespmem:s17], [sflag:$0x6] =	stream.linear.gather [hbm4b:s7+s30], $0x80, $0x38;
	v63 =	vld [tilespmem:$0x0]  }
0x5a: {  	s7 =	rddreg [dreg:$0x9]  }
0x5b: {  	[tilespmem:s18], [sflag:$0x7] =	stream.linear.gather [hbm4b:s7+s30], $0x80, $0x38;
	v63 =	vld [tilespmem:$0x0]  }
0x5c: {  	s7 =	rddreg [dreg:$0xa]  }
0x5d: {  	[tilespmem:s5], [sflag:$0x8] =	stream.linear.gather [hbm4b:s7+s30], $0x80, $0x38;
	v63 =	vld [tilespmem:$0x0]  }
0x5e: {  	_ =	swait.ge [sflag:s11], $0x80  }
0x5f: {  	[sflag:s11] =	ssyncset.done $0x0  }
0x60: {  	[sflag:s11] =	ssyncadd.s32 $0xFFFFFF80  }
0x61: {  	[tilespmem:s0], [sflag:$0x1] =	stream.indirect.gather [hbm4b:s1+s12], $0x80, s6, s12, $0xb8;
	v63 =	vld [tilespmem:$0x0]  }
0x62: {  	_ =	swait.ge [sflag:s13], $0x80  }
0x63: {  	[sflag:s13] =	ssyncset.done $0x0  }
0x64: {  	[sflag:s13] =	ssyncadd.s32 $0xFFFFFF80  }
0x65: {  	[tilespmem:s10], [sflag:$0x2] =	stream.indirect.gather [hbm4b:s1+s12], $0x80, s8, s12, $0xb8;
	v63 =	vld [tilespmem:$0x0]  }
0x66: {  	[bflag:$0x0] =	sbarrier.arrive $0xFFFF  }
0x67: {  	s31 =	rddreg [dreg:$0x11]  }
.LBB2_4:
0x68: {  	_ =	swait.ge [sflag:s14], $0x4000  }
0x69: {  	[sflag:s14] =	ssyncset.done $0x0  }
0x6a: {  	[sflag:s14] =	ssyncadd.s32 $0xFFFFC000  }
0x6b: {  	_ =	swait.ge [sflag:s15], $0x80  }
0x6c: {  	[sflag:s15] =	ssyncset.done $0x0  }
0x6d: {  	[sflag:s15] =	ssyncadd.s32 $0xFFFFFF80  }
0x6e: {  	[spmem:s2] =	stream.indirect.scatter.add.f32 [tilespmem:s0], [sflag:$0xA], $0x80, s18, s12, $0xb8;
	v63 =	vld [tilespmem:$0x0]  }
0x6f: {  	p3 =	seq.s32 s30, $0x4B0;
	_ =	swait.ge [sflag:s25], $0x4000  }
0x70: {  	s7 =	sshrl.u32 @!p3 s31, $0x3;
	s6 =	simm.s32 @!p3 $0x0;
	[sflag:s25] =	ssyncset.done $0x0  }
0x71: {  	s4 =	simm.s32 @!p3 $0x13C00;
	s7 =	sadd.s32 @!p3 s21, s7;
	[sflag:s25] =	ssyncadd.s32 $0xFFFFC000  }
0x72: {  	[tilespmem:s4], [sflag:$0x4] =	stream.linear.gather @!p3 [hbm4b:s7+s6], $0x80, $0x38;
	v63 =	vld [tilespmem:$0x0]  }
0x73: {  	s7 =	sadd.s32 s30, s24  }
0x74: {  	[tilespmem:s16], [sflag:$0x9] =	stream.linear.gather [hbm4b:s7+s3], $0x80, $0x38;
	v63 =	vld [tilespmem:$0x0]  }
0x75: {  	_ =	swait.ge [sflag:s19], $0x80  }
0x76: {  	[sflag:s19] =	ssyncset.done $0x0  }
0x77: {  	[sflag:s19] =	ssyncadd.s32 $0xFFFFFF80  }
0x78: {  	[tilespmem:s20], [sflag:$0x3] =	stream.indirect.gather [hbm4b:s1+s12], $0x80, s17, s12, $0xb8;
	v63 =	vld [tilespmem:$0x0]  }
0x79: {  	_ =	swait.ge [sflag:s9], $0x4000  }
0x7a: {  	[sflag:s9] =	ssyncset.done $0x0  }
0x7b: {  	[sflag:s9] =	ssyncadd.s32 $0xFFFFC000  }
0x7c: {  	_ =	swait.ge [sflag:s26], $0x80  }
0x7d: {  	[sflag:s26] =	ssyncset.done $0x0  }
.Ltmp3:
0x7e: {  	[sflag:s26] =	ssyncadd.s32 $0xFFFFFF80;
	(pc) =	sbr.rel @p3 .LBB2_6-.Ltmp3, $4  }
0x7f: {  	[spmem:s2] =	stream.indirect.scatter.add.f32 [tilespmem:s10], [sflag:$0xA], $0x80, s5, s12, $0xb8;
	v63 =	vld [tilespmem:$0x0]  }
0x80: {  	_ =	swait.ge [sflag:s25], $0x4000  }
0x81: {  	[sflag:s25] =	ssyncset.done $0x0  }
0x82: {  	[sflag:s25] =	ssyncadd.s32 $0xFFFFC000  }
0x83: {  	s4 =	rddreg [dreg:$0x13]  }
0x84: {  	s7 =	sshrl.u32 s31, $0x3;
	s4 =	sadd.s32 s30, s4  }
0x85: {  	[tilespmem:s8], [sflag:$0x5] =	stream.linear.gather [hbm4b:s4+s3], $0x80, $0x38;
	v63 =	vld [tilespmem:$0x0]  }
0x86: {  	s4 =	sadd.s32 s22, s7  }
0x87: {  	[tilespmem:s18], [sflag:$0x7] =	stream.linear.gather [hbm4b:s4+s3], $0x80, $0x38;
	v63 =	vld [tilespmem:$0x0]  }
0x88: {  	_ =	swait.ge [sflag:s11], $0x80  }
0x89: {  	[sflag:s11] =	ssyncset.done $0x0  }
0x8a: {  	[sflag:s11] =	ssyncadd.s32 $0xFFFFFF80  }
0x8b: {  	[tilespmem:s0], [sflag:$0x1] =	stream.indirect.gather [hbm4b:s1+s12], $0x80, s23, s12, $0xb8;
	v63 =	vld [tilespmem:$0x0]  }
0x8c: {  	_ =	swait.ge [sflag:s28], $0x4000  }
0x8d: {  	[sflag:s28] =	ssyncset.done $0x0  }
0x8e: {  	[sflag:s28] =	ssyncadd.s32 $0xFFFFC000  }
0x8f: {  	_ =	swait.ge [sflag:s29], $0x80  }
0x90: {  	[sflag:s29] =	ssyncset.done $0x0  }
0x91: {  	[sflag:s29] =	ssyncadd.s32 $0xFFFFFF80  }
0x92: {  	[spmem:s2] =	stream.indirect.scatter.add.f32 [tilespmem:s20], [sflag:$0xA], $0x80, s16, s12, $0xb8;
	v63 =	vld [tilespmem:$0x0]  }
0x93: {  	_ =	swait.ge [sflag:s25], $0x4000  }
0x94: {  	[sflag:s25] =	ssyncset.done $0x0;
	s6 =	rddreg [dreg:$0x1a]  }
0x95: {  	s7 =	rddreg [dreg:$0x12];
	[sflag:s25] =	ssyncadd.s32 $0xFFFFC000;
	s4 =	sadd.s32 s30, s6  }
0x96: {  	[tilespmem:s17], [sflag:$0x6] =	stream.linear.gather [hbm4b:s4+s3], $0x80, $0x38;
	v63 =	vld [tilespmem:$0x0]  }
0x97: {  	s4 =	sadd.s32 s30, s7  }
0x98: {  	[tilespmem:s5], [sflag:$0x8] =	stream.linear.gather [hbm4b:s4+s3], $0x80, $0x38;
	v63 =	vld [tilespmem:$0x0]  }
.Ltmp4:
0x99: {  	_ = 	snop;
	(pc) =	sbr.rel .LBB2_4-.Ltmp4, $4  }
0x9a: {  	_ =	swait.ge [sflag:s13], $0x80  }
0x9b: {  	[sflag:s13] =	ssyncset.done $0x0  }
0x9c: {  	s31 =	sadd.s32 $0x180, s31;
	s30 =	sadd.s32 $0x30, s30;
	[sflag:s13] =	ssyncadd.s32 $0xFFFFFF80  }
0x9d: {  	[tilespmem:s10], [sflag:$0x2] =	stream.indirect.gather [hbm4b:s1+s12], $0x80, s8, s12, $0xb8;
	v63 =	vld [tilespmem:$0x0]  }
.LBB2_6:
0x9e: {  	_ =	swait.ge [sflag:s28], $0x4000  }
0x9f: {  	[sflag:s28] =	ssyncset.done $0x0  }
0xa0: {  	[sflag:s28] =	ssyncadd.s32 $0xFFFFC000  }
0xa1: {  	_ =	swait.ge [sflag:s29], $0x80  }
0xa2: {  	[sflag:s29] =	ssyncset.done $0x0  }
0xa3: {  	[sflag:s29] =	ssyncadd.s32 $0xFFFFFF80  }
0xa4: {  	[spmem:s2] =	stream.indirect.scatter.add.f32 [tilespmem:s20], [sflag:$0xA], $0x80, s16, s12, $0xb8;
	v63 =	vld [tilespmem:$0x0]  }
0xa5: {  	_ =	swait.ge [sflag:s25], $0x4000  }
0xa6: {  	[sflag:s25] =	ssyncset.done $0x0  }
0xa7: {  	s6 =	simm.s32 $0x13F00;
	s4 =	rddreg [dreg:$0xb];
	[sflag:s25] =	ssyncadd.s32 $0xFFFFC000  }
0xa8: {  	[tilespmem:s6], [sflag:$0xA] =	stream.linear.gather [hbm4b:s4+s3], $0x10, $0x38;
	v63 =	vld [tilespmem:$0x0]  }
0xa9: {  	_ =	swait.ge [sflag:s25], $0x10  }
0xaa: {  	[sflag:s25] =	ssyncset.done $0x0  }
0xab: {  	s7 =	simm.s32 $0x13F80;
	s4 =	rddreg [dreg:$0xc];
	[sflag:s25] =	ssyncadd.s32 $0xFFFFFFF0  }
0xac: {  	[tilespmem:s7], [sflag:$0xA] =	stream.linear.gather [hbm4b:s4+s3], $0x10, $0x38;
	v63 =	vld [tilespmem:$0x0]  }
0xad: {  	_ =	swait.ge [sflag:s25], $0x10  }
0xae: {  	[sflag:s25] =	ssyncset.done $0x0  }
0xaf: {  	s4 =	simm.s32 $0x10;
	[sflag:s25] =	ssyncadd.s32 $0xFFFFFFF0  }
0xb0: {  	[tilespmem:s0], [sflag:$0x1] =	stream.indirect.gather [hbm4b:s1+s4], $0x80, s6, s4, $0xb8;
	v63 =	vld [tilespmem:$0x0]  }
0xb1: {  	_ =	swait.ge [sflag:s14], $0x800  }
0xb2: {  	[sflag:s14] =	ssyncset.done $0x0  }
0xb3: {  	[sflag:s14] =	ssyncadd.s32 $0xFFFFF800  }
0xb4: {  	[spmem:s2] =	stream.indirect.scatter.add.f32 [tilespmem:s0], [sflag:$0xA], $0x80, s7, s4, $0xb8;
	v63 =	vld [tilespmem:$0x0]  }
0xb5: {  	_ =	swait.ge [sflag:s25], $0x800  }
.Ltmp5:
0xb6: {  	[sflag:s25] =	ssyncset.done $0x0;
	(pc) =	sbr.rel @!p0 .LBB2_7-.Ltmp5, $4  }
0xb7: {  	[sflag:s25] =	ssyncadd.s32 $0xFFFFF800  }
0xb8: {  	s6 =	stileid.u32;
	[bflag:$0x0] =	sbarrier.arrive $0xFFFF  }
0xb9: {  	s31 =	sshll.u32 s6, $0x6;
	s7 =	rddreg [dreg:$0xd]  }
0xba: {  	s30 =	sor.u32 $0x1C0A, s31;
	s6 =	sshrl.u32 s7, $0x3  }
0xbb: {  	s30 =	sor.u32 $0x1C0A, s31;
	s4 =	rddreg [dreg:$0xf]  }
0xbc: {  	[hbm:s4], [sflag:s30] =	dma.local [spmem:s6], $0x2700  }
.Ltmp6:
0xbd: {  	_ = 	snop;
	(pc) =	sbr.rel @p1 .LBB2_10-.Ltmp6, $4  }
.Ltmp7:
0xbe: {  	_ = 	snop;
	(pc) =	sbr.rel @!p1 .LBB2_9-.Ltmp7, $4  }
0xbf: {  	_ =	swait.ge [sflag:s25], $0x2700  }
0xc0: {  	[sflag:s25] =	ssyncset.done $0x0;
	s31 =	rddreg [dreg:$0x5]  }
0xc1: {  	s7 =	rddreg [dreg:$0x1b];
	[sflag:s25] =	ssyncadd.s32 $0xFFFFD900  }
0xc2: {  	_ = 	snop  }
.LBB2_7:
0xc3: {  	s4 =	rddreg [dreg:$0xe]  }
0xc4: {  	[hbm:s4], [sflag:s30] =	dma.local [spmem:s6], $0x2700  }
.Ltmp8:
0xc5: {  	_ = 	snop;
	(pc) =	sbr.rel @!p2 .LBB2_10-.Ltmp8, $4  }
.Ltmp9:
0xc6: {  	_ = 	snop;
	(pc) =	sbr.rel @p2 .LBB2_9-.Ltmp9, $4  }
0xc7: {  	_ =	swait.ge [sflag:s25], $0x2700  }
0xc8: {  	[sflag:s25] =	ssyncset.done $0x0;
	s31 =	rddreg [dreg:$0x4]  }
0xc9: {  	s7 =	rddreg [dreg:$0x1b];
	[sflag:s25] =	ssyncadd.s32 $0xFFFFD900  }
0xca: {  	_ = 	snop  }
.LBB2_11:
0xcb: {  	_ =	sfence.sel $0x180000  }
0xcc: {  	[bflag:$0x0] =	sbarrier.arrive $0xFFFF  }
0xcd: {  	_ =	strace $0x90000047  }
0xce: {  	[bflag:$0x2] =	sbarrier.arrive $0xFFFF  }
0xcf: {  	s0 =	rddreg [dreg:$0x3]  }
0xd0: {  	s0 =	sadd.s32 @!p1 $0x100000, s0  }
0xd1: {  	[sflag:s0] =	ssyncadd.tile.s32 @!p1 $0x1;
	_ =	shalt  }
.Lfunc_end2:
_tile_overlayer_lowered:
.L_overlay_start_2:
0xd2: {  	(tag) =	ssettag $0x2  }
0xd3: {  	s0 =	rddreg [dreg:$0x0];
	s2 =	stileid.u32  }
0xd4: {  	s1 =	rddreg [dreg:$0x1];
	p0 =	sne.s32 s2, $0x0  }
0xd5: {  	s3 =	rddreg [dreg:$0x2];
	[bflag:$0x3] =	sbarrier.arrive $0xFFFF;
	s2 =	simm.s32 @!p0 $0x1C0A  }
0xd6: {  	[timem:s3], [sflag:s2] =	dma.local @!p0 [hbm:s0], s1  }
0xd7: {  	s0 =	simm.s32 @!p0 $0xA  }
0xd8: {  	_ =	swait.ge @!p0 [sflag:s0], s1  }
0xd9: {  	s1 =	ssub.s32 @!p0 $0x0, s1;
	[sflag:s0] =	ssyncset.done @!p0 $0x0  }
0xda: {  	[sflag:s0] =	ssyncadd.s32 @!p0 s1  }
0xdb: {  	[bflag:$0x3] =	sbarrier.arrive $0xFFFF  }
0xdc: {  	_ =	shalt  }

// kernel: kernel.9.cloned.1.call-start
scs
__scs_entry_jumppad:
0x0: {  	(pc) =	sbr.rel $0x88, $3  }
0x1: {  	(tag) =	ssettag $0x0;
	lr =	simm.s32 $0x1  }
0x2: {  	[smem:$0x3F8E] =	sst lr;
	_ =	strace $0xD0000000  }
0x3: {  	_ = 	snop  }
0x4: {  	_ = 	snop  }
0x5: {  	_ = 	snop  }
0x6: {  	_ = 	snop  }
0x7: {  	_ = 	snop  }
__scs_overlays_trampoline_lowered:
0x8: {  	[smem:$0x3F9D] =	sst s0  }
0x9: {  	[smem:$0x3F9E] =	sst s1  }
0xa: {  	[smem:$0x3F9F] =	sst s2  }
0xb: {  	[smem:$0x3FA0] =	sst s3  }
0xc: {  	[smem:$0x3FA1] =	sst s4  }
0xd: {  	[smem:$0x3FA2] =	sst s5  }
0xe: {  	[smem:$0x3FA3] =	sst s6  }
0xf: {  	[smem:$0x3FA4] =	sst s7  }
0x10: {  	[smem:$0x3FA5] =	sst s8  }
0x11: {  	[smem:$0x3FA6] =	sst s9;
	s0 =	simm.s32 @!p0 $0x0  }
0x12: {  	s1 =	sld [smem:$0x3F8C];
	s0 =	simm.s32 @p0 $0x1  }
0x13: {  	[smem:$0x3FA7] =	sst s0;
	s0 =	simm.s32 @!p1 $0x0  }
0x14: {  	s2 =	sld [smem:$0x3F8B];
	s0 =	simm.s32 @p1 $0x1  }
0x15: {  	[smem:$0x3FA8] =	sst s0;
	s0 =	simm.s32 @!p2 $0x0  }
0x16: {  	s3 =	sld [smem:$0x3FDB];
	s0 =	simm.s32 @p2 $0x1  }
0x17: {  	s4 =	simm.s32 $0x1BF5;
	[smem:$0x3FAA] =	sst s0  }
0x18: {  	s0 =	sld [smem:$0x3F8D];
	_ =	swait.ge [sflag:s4], $0x0  }
0x19: {  	s7 =	sld [smem:$0x3F8E]  }
0x1a: {  	s8 =	sadd.s32 $0xFFFFE003, lr  }
0x1b: {  	s9 =	sadd.s32 $0xFFFFFEF7, lr;
	s5 =	simm.s32 $0xFFFFFFFF;
	p2 =	slt.u32 s8, $0xFFFFF086  }
0x1c: {  	p1 =	slt.u32 s9, $0xF7A;
	s5 =	simm.s32 @!p2 $0x0  }
0x1d: {  	s5 =	simm.s32 @p1 $0x1;
	p0 =	seq.s32 s7, s2  }
0x1e: {  	s7 =	smul.u32 @!p0 $0xF7A, s2;
	p2 =	seq.s32 @!p0 s5, $0x0  }
0x1f: {  	s9 =	smul.u32 $0xF7A, s1;
	s8 =	simm.s32 @!p0 $0x1BF5;
	p2 =	por !p2, p0  }
0x20: {  	[sflag:s8] =	ssyncset.s32 @!p0 $0xFFFFF086;
	s6 =	sadd.s32 @!p0 s3, s7;
	s7 =	simm.s32 @!p0 $0x108  }
0x21: {  	s3 =	sadd.s32 s3, s9;
	s6 =	sadd.s32 @!p0 $0x88, s6;
	s7 =	simm.s32 @p2 $0x1082  }
0x22: {  	[simem:s7], [sflag:s8] =	dma.local @!p0 [hbm:s6], $0xF7A  }
0x23: {  	s9 =	sor.u32 $0xD0000000, s2;
	s6 =	simm.s32 $0x108;
	_ =	swait.ge @!p0 [sflag:s8], $0x0  }
0x24: {  	s3 =	sadd.s32 $0x88, s3;
	s6 =	simm.s32 @!p1 $0x1082;
	[sflag:s4] =	ssyncset.s32 $0xFFFFF086  }
0x25: {  	[simem:s6], [sflag:s4] =	dma.local [hbm:s3], $0xF7A  }
0x26: {  	[smem:$0x3F8E] =	sst s1;
	(tag) =	ssettag s2;
	_ =	strace s9  }
0x27: {  	s1 =	sld [smem:$0x3F9E]  }
0x28: {  	s2 =	sld [smem:$0x3F9F]  }
0x29: {  	s4 =	sld [smem:$0x3FA1]  }
0x2a: {  	p0 =	seq.s32 s5, $0x0;
	s5 =	sld [smem:$0x3FA2]  }
0x2b: {  	s6 =	sld [smem:$0x3FA3]  }
0x2c: {  	s7 =	sld [smem:$0x3FA4]  }
0x2d: {  	s3 =	simm.s32 $0x108;
	s8 =	sld [smem:$0x3FA5]  }
0x2e: {  	s3 =	simm.s32 @!p0 $0x1082;
	s9 =	sld [smem:$0x3FA6]  }
0x2f: {  	lr =	sadd.s32 s0, s3;
	s0 =	sld [smem:$0x3F9D]  }
0x30: {  	s3 =	sld [smem:$0x3FA0]  }
0x31: {  	[smem:$0x3FA9] =	sst s10  }
0x32: {  	s10 =	sld [smem:$0x3FA7];
	_ =	sdelay $0x3  }
0x33: {  	p0 =	seq.s32 s10, $0x1;
	s10 =	sld [smem:$0x3FA9];
	_ =	sdelay $0x3  }
0x34: {  	[smem:$0x3FA9] =	sst s10  }
0x35: {  	s10 =	sld [smem:$0x3FA8];
	_ =	sdelay $0x3  }
0x36: {  	p1 =	seq.s32 s10, $0x1;
	s10 =	sld [smem:$0x3FA9];
	_ =	sdelay $0x3  }
0x37: {  	[smem:$0x3FA9] =	sst s10  }
0x38: {  	s10 =	sld [smem:$0x3FAA]  }
0x39: {  	_ = 	snop;
	(pc) =	sbr.ind lr, $3  }
0x3a: {  	_ = 	snop  }
0x3b: {  	_ = 	snop  }
0x3c: {  	p2 =	seq.s32 s10, $0x1;
	s10 =	sld [smem:$0x3FA9]  }
0x3d: {  	_ =	shalt  }
0x3e: {  	_ =	shalt  }
0x3f: {  	_ =	shalt  }
0x40: {  	_ =	shalt  }
0x41: {  	_ =	shalt  }
0x42: {  	_ =	shalt  }
0x43: {  	_ =	shalt  }
0x44: {  	_ =	shalt  }
0x45: {  	_ =	shalt  }
0x46: {  	_ =	shalt  }
0x47: {  	_ =	shalt  }
0x48: {  	_ =	shalt  }
0x49: {  	_ =	shalt  }
0x4a: {  	_ =	shalt  }
0x4b: {  	_ =	shalt  }
0x4c: {  	_ =	shalt  }
0x4d: {  	_ =	shalt  }
0x4e: {  	_ =	shalt  }
0x4f: {  	_ =	shalt  }
0x50: {  	_ =	shalt  }
0x51: {  	_ =	shalt  }
0x52: {  	_ =	shalt  }
0x53: {  	_ =	shalt  }
0x54: {  	_ =	shalt  }
0x55: {  	_ =	shalt  }
0x56: {  	_ =	shalt  }
0x57: {  	_ =	shalt  }
0x58: {  	_ =	shalt  }
0x59: {  	_ =	shalt  }
0x5a: {  	_ =	shalt  }
0x5b: {  	_ =	shalt  }
0x5c: {  	_ =	shalt  }
0x5d: {  	_ =	shalt  }
0x5e: {  	_ =	shalt  }
0x5f: {  	_ =	shalt  }
0x60: {  	_ =	shalt  }
0x61: {  	_ =	shalt  }
0x62: {  	_ =	shalt  }
0x63: {  	_ =	shalt  }
0x64: {  	_ =	shalt  }
0x65: {  	_ =	shalt  }
0x66: {  	_ =	shalt  }
0x67: {  	_ =	shalt  }
0x68: {  	_ =	shalt  }
0x69: {  	_ =	shalt  }
0x6a: {  	_ =	shalt  }
0x6b: {  	_ =	shalt  }
0x6c: {  	_ =	shalt  }
0x6d: {  	_ =	shalt  }
0x6e: {  	_ =	shalt  }
0x6f: {  	_ =	shalt  }
0x70: {  	_ =	shalt  }
0x71: {  	_ =	shalt  }
0x72: {  	_ =	shalt  }
0x73: {  	_ =	shalt  }
0x74: {  	_ =	shalt  }
0x75: {  	_ =	shalt  }
0x76: {  	_ =	shalt  }
0x77: {  	_ =	shalt  }
0x78: {  	_ =	shalt  }
0x79: {  	_ =	shalt  }
0x7a: {  	_ =	shalt  }
0x7b: {  	_ =	shalt  }
0x7c: {  	_ =	shalt  }
0x7d: {  	_ =	shalt  }
0x7e: {  	_ =	shalt  }
0x7f: {  	_ =	shalt  }
0x80: {  	_ =	shalt  }
0x81: {  	_ =	shalt  }
0x82: {  	_ =	shalt  }
0x83: {  	_ =	shalt  }
0x84: {  	_ =	shalt  }
0x85: {  	_ =	shalt  }
0x86: {  	_ =	shalt  }
0x87: {  	_ =	shalt  }
.Lfunc_end0:
.L_simem_size_0:
called_computation.1_lowered:
.L_overlay_start_0:
0x88: {  	s2 =	sld [smem:$0x3FD9]  }
0x89: {  	s3 =	sld [smem:$0x3FFE];
	_ =	sdelay $0x1  }
0x8a: {  	s1 =	srdreg.scid  }
0x8b: {  	s0 =	sand.u32 $0x1, s1  }
0x8c: {  	s16 =	sshll.u32 s0, $0xA;
	s2 =	sadd.s32 s3, s2  }
0x8d: {  	s2 =	sadd.s32 s2, s16  }
0x8e: {  	[smem:$0x3FB5] =	sst s2  }
0x8f: {  	_ = 	snop  }
0x90: {  	(tm) =	ssettm $0x1  }
0x91: {  	s17 =	sld [smem:$0x3FFB];
	_ =	sdelay $0x3  }
0x92: {  	_ =	strace s17  }
0x93: {  	s2 =	sld [smem:$0x3FFC];
	_ =	sdelay $0x3  }
0x94: {  	_ =	strace s2  }
0x95: {  	s2 =	sld [smem:$0x3FFD];
	_ =	sdelay $0x3  }
0x96: {  	_ =	strace s2  }
0x97: {  	_ =	strace $0x8FFFFFFF  }
0x98: {  	s18 =	sld [smem:$0x3FDB];
	_ =	sdelay $0x1  }
0x99: {  	s19 =	simm.s32 $_scs_section_size  }
0x9a: {  	s4 =	simm.s32 $_size__tile_overlayer_lowered;
	s5 =	simm.s32 $_tile_overlayer_lowered  }
0x9b: {  	s22 =	simm.s32 $0x1BFF;
	s21 =	sshll.u32 s5, $0x1;
	s2 =	sadd.s32 s19, s18  }
0x9c: {  	s6 =	simm.s32 $0x0;
	s20 =	sshll.u32 s4, $0x1;
	s4 =	sadd.s32 s21, s2  }
0x9d: {  	[timem:s6], [sflag:s22] =	dma.local [hbm:s4], s20  }
0x9e: {  	_ =	swait.ge [sflag:s22], s20  }
0x9f: {  	s3 =	ssub.s32 $0x0, s20;
	[sflag:s22] =	ssyncset.done $0x0  }
0xa0: {  	[sflag:s22] =	ssyncadd.s32 s3;
	_ =	sdelay $0x1  }
0xa1: {  	s23 =	simm.s32 $0x1B8B  }
0xa2: {  	_ =	swait.ge [sflag:s23], $0x1  }
0xa3: {  	[sflag:s23] =	ssyncset.done $0x0  }
0xa4: {  	s25 =	simm.s32 $0x1B8E;
	s24 =	sld [smem:$0x3FFE];
	[sflag:s23] =	ssyncadd.s32 $0xFFFFFFFF  }
0xa5: {  	s26 =	simm.s32 $execute0_lowered;
	[smem:$0x3FD2] =	sst s25  }
0xa6: {  	s4 =	sshll.u32 s26, $0x1;
	_ =	strace $0x80000049;
	[dreg:$0x1] =	wrdreg $0xFFFFFFFF  }
0xa7: {  	s28 =	simm.s32 $_size_execute0_lowered;
	s2 =	sadd.s32 s2, s4;
	[dreg:$0x0] =	wrdreg $0x0  }
0xa8: {  	s4 =	sshll.u32 s28, $0x1;
	[dreg:$0x2] =	wrdreg s2  }
0xa9: {  	[dreg:$0x3] =	wrdreg s4  }
0xaa: {  	[dreg:$0x4] =	wrdreg $0xC0  }
0xab: {  	_ =	task [dreg:s6], $0x5FFFF  }
0xac: {  	[dreg:$0x1] =	wrdreg $0xFFFFFFFF  }
0xad: {  	[dreg:$0x0] =	wrdreg $0x60  }
0xae: {  	[dreg:$0x2] =	wrdreg s24  }
0xaf: {  	[dreg:$0x3] =	wrdreg $0x0  }
0xb0: {  	[dreg:$0x4] =	wrdreg $0x9  }
0xb1: {  	_ =	task.clear_ibuf [dreg:s6], $0x5FFFF;
	_ =	strace $0x90000049  }
0xb2: {  	s29 =	simm.s32 $0x9;
	_ =	strace $0x8000004B  }
0xb3: {  	_ =	swait.ge [sflag:s29], $0x1  }
0xb4: {  	[sflag:s29] =	ssyncadd.s32 $0xFFFFFFFF  }
0xb5: {  	_ =	strace $0x9000004B  }
0xb6: {  	_ =	sfence  }
0xb7: {  	s30 =	sld [smem:$0x0];
	_ =	sdelay $0x2  }
0xb8: {  	s31 =	sshll.u32 s1, $0xD;
	s1 =	sshrl.u32 s1, $0x2  }
0xb9: {  	s3 =	sand.u32 $0x4000, s31;
	s1 =	sadd.s32 s1, s30  }
0xba: {  	s0 =	sor.u32 s3, s0;
	s1 =	sshll.u32 s1, $0x11  }
0xbb: {  	s0 =	sor.u32 s1, s0  }
0xbc: {  	s0 =	sadd.s32 $0x8F2B, s0  }
0xbd: {  	[sflag:s0] =	ssyncadd.remote.s32 $0x1  }
0xbe: {  	_ =	sfence.sel $0xFFFF  }
0xbf: {  	[dreg:$0x0] =	wrdreg $0xFFFFFFFF;
	(pc) =	sbr.abs _section_cstart, $3  }
0xc0: {  	[dreg:$0x1] =	wrdreg $0xFFFFFFFF  }
0xc1: {  	_ =	task.clear_ibuf [dreg:s6], $0x2FFFF;
	_ =	strace $0x9FFFFFFF  }
0xc2: {  	(tm) =	ssettm $0x7FFFFFFF  }
0xc3: {  	_ =	shalt  }
tec
execute0_lowered:
.L_overlay_start_1:
0x0: {  	(tag) =	ssettag $0x1  }
0x1: {  	s0 =	rddreg [dreg:$0x0]  }
0x2: {  	s1 =	rddreg [dreg:$0x1];
	s2 =	simm.s32 $0x0;
	s4 =	srdreg.scid  }
0x3: {  	s6 =	stileid.u32;
	s28 =	simm.s32 $0x3;
	s29 =	simm.s32 $0x9  }
0x4: {  	[smem:$0x7FF] =	sst s2;
	s3 =	sadd.s32 $0x17C00, s0;
	s8 =	smul.u32 $0x4F000, s6  }
0x5: {  	s5 =	sand.u32 $0x1, s4;
	s4 =	sadd.s32 $0xDE00, s0;
	s20 =	smul.u32 $0x4E000, s6  }
0x6: {  	s12 =	sadd.s32 $0x4000, s0;
	s13 =	sadd.s32 $0x3EE00, s0;
	s22 =	smul.u32 $0x2700, s6  }
0x7: {  	s14 =	sadd.s32 $0x66000, s0;
	s24 =	smul.u32 $0x2710, s6;
	s30 =	sadd.s32 $0x138000, s1  }
0x8: {  	p1 =	sne.s32 s6, $0x0;
	p2 =	seq.s32 s6, $0x0;
	_ =	strace $0x8000004A  }
0x9: {  	s7 =	sshll.u32 s5, $0x4;
	s9 =	ssub.s32 $0x2, s5;
	[dreg:$0x3] =	wrdreg s13  }
0xa: {  	s23 =	smul.u32 $0x27100, s5;
	[dreg:$0x4] =	wrdreg s14;
	s18 =	sshrl.u32 s9, $0x1  }
0xb: {  	s8 =	sshrl.u32 s8, $0x2;
	s26 =	sadd.s32 s13, s22;
	s0 =	ssub.s32 s9, s18  }
0xc: {  	s9 =	sshrl.u32 s20, $0x2;
	[dreg:$0xd] =	wrdreg s26;
	s20 =	sshrl.u32 s30, $0x3  }
0xd: {  	p0 =	seq.s32 s5, $0x1;
	s15 =	sadd.s32 s8, s1;
	[dreg:$0x13] =	wrdreg s20  }
0xe: {  	s5 =	simm.s32 $0x13E00;
	s25 =	sadd.s32 s9, s1;
	[dreg:$0x5] =	wrdreg s15  }
0xf: {  	s31 =	sadd.s32 s24, s23;
	s0 =	smax.u32 s0, $0x1;
	[dreg:$0xc] =	wrdreg s25  }
0x10: {  	s7 =	sor.u32 s6, s7;
	s13 =	sadd.s32 $0x180, s31;
	[dreg:$0xf] =	wrdreg s0  }
0x11: {  	s7 =	smul.u32 $0x2710, s7;
	s23 =	sadd.s32 $0x4000, s15;
	[dreg:$0x10] =	wrdreg s13  }
0x12: {  	s26 =	sadd.s32 $0xC000, s15;
	s30 =	sadd.s32 $0x10000, s15;
	[dreg:$0x14] =	wrdreg s23  }
0x13: {  	s20 =	simm.s32 $0x1C000;
	s9 =	simm.s32 $0x2;
	[dreg:$0x16] =	wrdreg s26  }
0x14: {  	s7 =	sshrl.u32 s7, $0x3;
	s25 =	sadd.s32 $0x8000, s15;
	[dreg:$0x17] =	wrdreg s30  }
0x15: {  	s13 =	simm.s32 $0x5;
	s21 =	sadd.s32 s12, s7;
	[dreg:$0x15] =	wrdreg s25  }
0x16: {  	s16 =	sadd.s32 s4, s7;
	s19 =	sadd.s32 $0x10, s7;
	[dreg:$0x8] =	wrdreg s21  }
0x17: {  	s15 =	simm.s32 $0x7;
	s10 =	sadd.s32 s4, s19;
	[dreg:$0x6] =	wrdreg s16  }
0x18: {  	s7 =	sadd.s32 $0x4E0, s7;
	s8 =	sadd.s32 s12, s19;
	[dreg:$0x7] =	wrdreg s10  }
0x19: {  	s26 =	simm.s32 $0x8;
	s11 =	sadd.s32 s4, s7;
	[dreg:$0x9] =	wrdreg s8  }
0x1a: {  	s23 =	simm.s32 $0x13C00;
	s7 =	sadd.s32 s12, s7;
	[dreg:$0xa] =	wrdreg s11  }
0x1b: {  	s25 =	simm.s32 $0xA;
	s21 =	smov.u32 s4;
	[dreg:$0xb] =	wrdreg s7  }
0x1c: {  	s10 =	sadd.s32 s14, s22;
	s11 =	sadd.s32 $0x200, s31;
	s14 =	sadd.s32 $0x280, s31  }
0x1d: {  	s7 =	sadd.s32 $0x100, s31;
	s22 =	smov.u32 s12;
	s31 =	sadd.s32 $0x20, s16  }
0x1e: {  	s16 =	simm.s32 $0x13E80;
	[dreg:$0xe] =	wrdreg s10;
	s0 =	sshrl.u32 s11, $0x3  }
0x1f: {  	s8 =	sshrl.u32 s14, $0x3;
	s19 =	sshrl.u32 s7, $0x3;
	[dreg:$0x18] =	wrdreg s31  }
0x20: {  	s11 =	simm.s32 $0x4;
	s10 =	simm.s32 $0x18000;
	s14 =	simm.s32 $0x1  }
.Ltmp0:
0x21: {  	s7 =	simm.s32 $0x0;
	s17 =	sadd.s32 s0, s12;
	(pc) =	sbr.rel .LBB2_1-.Ltmp0, $4  }
0x22: {  	s0 =	sadd.s32 s0, s4;
	s18 =	sadd.s32 s8, s4;
	[dreg:$0x11] =	wrdreg s17  }
0x23: {  	s24 =	sadd.s32 s19, s12;
	s8 =	simm.s32 $0x13C80;
	[dreg:$0x12] =	wrdreg s0  }
0x24: {  	s12 =	simm.s32 $0x80;
	s19 =	simm.s32 $0x6;
	[dreg:$0x19] =	wrdreg s18  }
0x25: {  	v0 =	vimm.f32 $0.0e+00;
	s0 =	simm.s32 $0x14000;
	s17 =	simm.s32 $0x13D00;
	s18 =	simm.s32 $0x13D80  }
.LBB2_9:
0x26: {  	s4 =	sadd.s32 $0x27000, s31;
	s6 =	rddreg [dreg:$0x13]  }
0x27: {  	[hbm:s4], [sflag:s30] =	dma.local [spmem:s6], $0x100  }
0x28: {  	_ =	swait.ge [sflag:s25], $0x100  }
0x29: {  	[sflag:s25] =	ssyncset.done $0x0  }
0x2a: {  	[sflag:s25] =	ssyncadd.s32 $0xFFFFFF00  }
.LBB2_10:
0x2b: {  	s7 =	sadd.s32 $0x1, s7;
	s4 =	rddreg [dreg:$0xf]  }
0x2c: {  	p3 =	sne.s32 s7, s4  }
.Ltmp1:
0x2d: {  	_ = 	snop;
	(pc) =	sbr.rel @!p3 .LBB2_11-.Ltmp1, $1  }
0x2e: {  	_ =	sdelay $0x3  }
.LBB2_1:
0x2f: {  	[dreg:$0x1a] =	wrdreg s7;
	s30 =	simm.s32 $0x0;
	s31 =	simm.s32 $0x200  }
.LBB2_2:
0x30: {  	p3 =	sne.s32 s31, $0xFE00;
	[tilespmem:s30+$0x14070] =	vst v0  }
0x31: {  	[tilespmem:s30+$0x14000] =	vst v0  }
0x32: {  	[tilespmem:s30+$0x14010] =	vst v0  }
.Ltmp2:
0x33: {  	[tilespmem:s30+$0x14020] =	vst v0;
	(pc) =	sbr.rel @p3 .LBB2_2-.Ltmp2, $4  }
0x34: {  	[tilespmem:s30+$0x14030] =	vst v0  }
0x35: {  	[tilespmem:s30+$0x14040] =	vst v0  }
0x36: {  	[tilespmem:s30+$0x14050] =	vst v0  }
0x37: {  	[tilespmem:s30+$0x14060] =	vst v0;
	s30 =	sshra.s32 s31, $0x2;
	s31 =	sadd.s32 $0x200, s31  }
0x38: {  	[tilespmem:s30+$0x14070] =	vst v0  }
0x39: {  	[tilespmem:s30+$0x14000] =	vst v0  }
0x3a: {  	[tilespmem:s30+$0x14010] =	vst v0  }
0x3b: {  	[tilespmem:s30+$0x14020] =	vst v0  }
0x3c: {  	[tilespmem:s30+$0x14030] =	vst v0  }
0x3d: {  	[tilespmem:s30+$0x14040] =	vst v0  }
0x3e: {  	[tilespmem:s30+$0x14050] =	vst v0  }
0x3f: {  	[tilespmem:s30+$0x14060] =	vst v0;
	s4 =	rddreg [dreg:$0x5]  }
0x40: {  	[spmem:s4] =	stream.linear.scatter [tilespmem:s0], [sflag:$0xA], $0x4000, $0x38;
	v63 =	vld [tilespmem:$0x0]  }
0x41: {  	_ =	swait.ge [sflag:s25], $0x4000  }
0x42: {  	[sflag:s25] =	ssyncset.done $0x0  }
0x43: {  	s7 =	rddreg [dreg:$0x14];
	[sflag:s25] =	ssyncadd.s32 $0xFFFFC000  }
0x44: {  	[spmem:s7] =	stream.linear.scatter [tilespmem:s0], [sflag:$0xA], $0x4000, $0x38;
	v63 =	vld [tilespmem:$0x0]  }
0x45: {  	_ =	swait.ge [sflag:s25], $0x4000  }
0x46: {  	[sflag:s25] =	ssyncset.done $0x0  }
0x47: {  	s6 =	rddreg [dreg:$0x15];
	[sflag:s25] =	ssyncadd.s32 $0xFFFFC000  }
0x48: {  	[spmem:s6] =	stream.linear.scatter [tilespmem:s0], [sflag:$0xA], $0x4000, $0x38;
	v63 =	vld [tilespmem:$0x0]  }
0x49: {  	_ =	swait.ge [sflag:s25], $0x4000  }
0x4a: {  	[sflag:s25] =	ssyncset.done $0x0  }
0x4b: {  	s7 =	rddreg [dreg:$0x16];
	[sflag:s25] =	ssyncadd.s32 $0xFFFFC000  }
0x4c: {  	[spmem:s7] =	stream.linear.scatter [tilespmem:s0], [sflag:$0xA], $0x4000, $0x38;
	v63 =	vld [tilespmem:$0x0]  }
0x4d: {  	_ =	swait.ge [sflag:s25], $0x4000  }
0x4e: {  	[sflag:s25] =	ssyncset.done $0x0  }
0x4f: {  	s6 =	rddreg [dreg:$0x17];
	[sflag:s25] =	ssyncadd.s32 $0xFFFFC000  }
0x50: {  	[spmem:s6] =	stream.linear.scatter [tilespmem:s0], [sflag:$0xA], $0x3C00, $0x38;
	v63 =	vld [tilespmem:$0x0]  }
0x51: {  	_ =	swait.ge [sflag:s25], $0x3C00  }
0x52: {  	s30 =	simm.s32 $0x0;
	[sflag:s25] =	ssyncset.done $0x0  }
0x53: {  	s6 =	simm.s32 $0x13C00;
	s7 =	rddreg [dreg:$0x6];
	[sflag:s25] =	ssyncadd.s32 $0xFFFFC400  }
0x54: {  	[tilespmem:s6], [sflag:$0x4] =	stream.linear.gather [hbm4b:s7+s30], $0x80, $0x38;
	v63 =	vld [tilespmem:$0x0]  }
0x55: {  	s7 =	rddreg [dreg:$0x7]  }
0x56: {  	[tilespmem:s8], [sflag:$0x5] =	stream.linear.gather [hbm4b:s7+s30], $0x80, $0x38;
	v63 =	vld [tilespmem:$0x0]  }
0x57: {  	s7 =	rddreg [dreg:$0x18]  }
0x58: {  	[tilespmem:s17], [sflag:$0x6] =	stream.linear.gather [hbm4b:s7+s30], $0x80, $0x38;
	v63 =	vld [tilespmem:$0x0]  }
0x59: {  	s7 =	rddreg [dreg:$0x8]  }
0x5a: {  	[tilespmem:s18], [sflag:$0x7] =	stream.linear.gather [hbm4b:s7+s30], $0x80, $0x38;
	v63 =	vld [tilespmem:$0x0]  }
0x5b: {  	s7 =	rddreg [dreg:$0x9]  }
0x5c: {  	[tilespmem:s5], [sflag:$0x8] =	stream.linear.gather [hbm4b:s7+s30], $0x80, $0x38;
	v63 =	vld [tilespmem:$0x0]  }
0x5d: {  	_ =	swait.ge [sflag:s11], $0x80  }
0x5e: {  	[sflag:s11] =	ssyncset.done $0x0  }
0x5f: {  	[sflag:s11] =	ssyncadd.s32 $0xFFFFFF80  }
0x60: {  	[tilespmem:s0], [sflag:$0x1] =	stream.indirect.gather [hbm4b:s3+s12], $0x80, s6, s12, $0xb8;
	v63 =	vld [tilespmem:$0x0]  }
0x61: {  	_ =	swait.ge [sflag:s13], $0x80  }
0x62: {  	[sflag:s13] =	ssyncset.done $0x0  }
0x63: {  	[sflag:s13] =	ssyncadd.s32 $0xFFFFFF80  }
0x64: {  	[tilespmem:s10], [sflag:$0x2] =	stream.indirect.gather [hbm4b:s3+s12], $0x80, s8, s12, $0xb8;
	v63 =	vld [tilespmem:$0x0]  }
0x65: {  	[bflag:$0x0] =	sbarrier.arrive $0xFFFF  }
0x66: {  	s31 =	rddreg [dreg:$0x10]  }
.LBB2_4:
0x67: {  	_ =	swait.ge [sflag:s14], $0x4000  }
0x68: {  	[sflag:s14] =	ssyncset.done $0x0  }
0x69: {  	[sflag:s14] =	ssyncadd.s32 $0xFFFFC000  }
0x6a: {  	_ =	swait.ge [sflag:s15], $0x80  }
0x6b: {  	[sflag:s15] =	ssyncset.done $0x0  }
0x6c: {  	[sflag:s15] =	ssyncadd.s32 $0xFFFFFF80  }
0x6d: {  	[spmem:s1] =	stream.indirect.scatter.add.f32 [tilespmem:s0], [sflag:$0xA], $0x80, s18, s12, $0xb8;
	v63 =	vld [tilespmem:$0x0]  }
0x6e: {  	p3 =	seq.s32 s30, $0x4B0;
	_ =	swait.ge [sflag:s25], $0x4000  }
0x6f: {  	s7 =	sshrl.u32 @!p3 s31, $0x3;
	s6 =	simm.s32 @!p3 $0x0;
	[sflag:s25] =	ssyncset.done $0x0  }
0x70: {  	s4 =	simm.s32 @!p3 $0x13C00;
	s7 =	sadd.s32 @!p3 s21, s7;
	[sflag:s25] =	ssyncadd.s32 $0xFFFFC000  }
0x71: {  	[tilespmem:s4], [sflag:$0x4] =	stream.linear.gather @!p3 [hbm4b:s7+s6], $0x80, $0x38;
	v63 =	vld [tilespmem:$0x0]  }
0x72: {  	s7 =	sadd.s32 s30, s24  }
0x73: {  	[tilespmem:s16], [sflag:$0x9] =	stream.linear.gather [hbm4b:s7+s2], $0x80, $0x38;
	v63 =	vld [tilespmem:$0x0]  }
0x74: {  	_ =	swait.ge [sflag:s19], $0x80  }
0x75: {  	[sflag:s19] =	ssyncset.done $0x0  }
0x76: {  	[sflag:s19] =	ssyncadd.s32 $0xFFFFFF80  }
0x77: {  	[tilespmem:s20], [sflag:$0x3] =	stream.indirect.gather [hbm4b:s3+s12], $0x80, s17, s12, $0xb8;
	v63 =	vld [tilespmem:$0x0]  }
0x78: {  	_ =	swait.ge [sflag:s9], $0x4000  }
0x79: {  	[sflag:s9] =	ssyncset.done $0x0  }
0x7a: {  	[sflag:s9] =	ssyncadd.s32 $0xFFFFC000  }
0x7b: {  	_ =	swait.ge [sflag:s26], $0x80  }
0x7c: {  	[sflag:s26] =	ssyncset.done $0x0  }
.Ltmp3:
0x7d: {  	[sflag:s26] =	ssyncadd.s32 $0xFFFFFF80;
	(pc) =	sbr.rel @p3 .LBB2_6-.Ltmp3, $4  }
0x7e: {  	[spmem:s1] =	stream.indirect.scatter.add.f32 [tilespmem:s10], [sflag:$0xA], $0x80, s5, s12, $0xb8;
	v63 =	vld [tilespmem:$0x0]  }
0x7f: {  	_ =	swait.ge [sflag:s25], $0x4000  }
0x80: {  	[sflag:s25] =	ssyncset.done $0x0  }
0x81: {  	[sflag:s25] =	ssyncadd.s32 $0xFFFFC000  }
0x82: {  	s4 =	rddreg [dreg:$0x12]  }
0x83: {  	s7 =	sshrl.u32 s31, $0x3;
	s4 =	sadd.s32 s30, s4  }
0x84: {  	[tilespmem:s8], [sflag:$0x5] =	stream.linear.gather [hbm4b:s4+s2], $0x80, $0x38;
	v63 =	vld [tilespmem:$0x0]  }
0x85: {  	s4 =	sadd.s32 s22, s7  }
0x86: {  	[tilespmem:s18], [sflag:$0x7] =	stream.linear.gather [hbm4b:s4+s2], $0x80, $0x38;
	v63 =	vld [tilespmem:$0x0]  }
0x87: {  	_ =	swait.ge [sflag:s11], $0x80  }
0x88: {  	[sflag:s11] =	ssyncset.done $0x0  }
0x89: {  	[sflag:s11] =	ssyncadd.s32 $0xFFFFFF80  }
0x8a: {  	[tilespmem:s0], [sflag:$0x1] =	stream.indirect.gather [hbm4b:s3+s12], $0x80, s23, s12, $0xb8;
	v63 =	vld [tilespmem:$0x0]  }
0x8b: {  	_ =	swait.ge [sflag:s28], $0x4000  }
0x8c: {  	[sflag:s28] =	ssyncset.done $0x0  }
0x8d: {  	[sflag:s28] =	ssyncadd.s32 $0xFFFFC000  }
0x8e: {  	_ =	swait.ge [sflag:s29], $0x80  }
0x8f: {  	[sflag:s29] =	ssyncset.done $0x0  }
0x90: {  	[sflag:s29] =	ssyncadd.s32 $0xFFFFFF80  }
0x91: {  	[spmem:s1] =	stream.indirect.scatter.add.f32 [tilespmem:s20], [sflag:$0xA], $0x80, s16, s12, $0xb8;
	v63 =	vld [tilespmem:$0x0]  }
0x92: {  	_ =	swait.ge [sflag:s25], $0x4000  }
0x93: {  	[sflag:s25] =	ssyncset.done $0x0;
	s6 =	rddreg [dreg:$0x19]  }
0x94: {  	s7 =	rddreg [dreg:$0x11];
	[sflag:s25] =	ssyncadd.s32 $0xFFFFC000;
	s4 =	sadd.s32 s30, s6  }
0x95: {  	[tilespmem:s17], [sflag:$0x6] =	stream.linear.gather [hbm4b:s4+s2], $0x80, $0x38;
	v63 =	vld [tilespmem:$0x0]  }
0x96: {  	s4 =	sadd.s32 s30, s7  }
0x97: {  	[tilespmem:s5], [sflag:$0x8] =	stream.linear.gather [hbm4b:s4+s2], $0x80, $0x38;
	v63 =	vld [tilespmem:$0x0]  }
.Ltmp4:
0x98: {  	_ = 	snop;
	(pc) =	sbr.rel .LBB2_4-.Ltmp4, $4  }
0x99: {  	_ =	swait.ge [sflag:s13], $0x80  }
0x9a: {  	[sflag:s13] =	ssyncset.done $0x0  }
0x9b: {  	s31 =	sadd.s32 $0x180, s31;
	s30 =	sadd.s32 $0x30, s30;
	[sflag:s13] =	ssyncadd.s32 $0xFFFFFF80  }
0x9c: {  	[tilespmem:s10], [sflag:$0x2] =	stream.indirect.gather [hbm4b:s3+s12], $0x80, s8, s12, $0xb8;
	v63 =	vld [tilespmem:$0x0]  }
.LBB2_6:
0x9d: {  	_ =	swait.ge [sflag:s28], $0x4000  }
0x9e: {  	[sflag:s28] =	ssyncset.done $0x0  }
0x9f: {  	[sflag:s28] =	ssyncadd.s32 $0xFFFFC000  }
0xa0: {  	_ =	swait.ge [sflag:s29], $0x80  }
0xa1: {  	[sflag:s29] =	ssyncset.done $0x0  }
0xa2: {  	[sflag:s29] =	ssyncadd.s32 $0xFFFFFF80  }
0xa3: {  	[spmem:s1] =	stream.indirect.scatter.add.f32 [tilespmem:s20], [sflag:$0xA], $0x80, s16, s12, $0xb8;
	v63 =	vld [tilespmem:$0x0]  }
0xa4: {  	_ =	swait.ge [sflag:s25], $0x4000  }
0xa5: {  	[sflag:s25] =	ssyncset.done $0x0  }
0xa6: {  	s6 =	simm.s32 $0x13F00;
	s4 =	rddreg [dreg:$0xa];
	[sflag:s25] =	ssyncadd.s32 $0xFFFFC000  }
0xa7: {  	[tilespmem:s6], [sflag:$0xA] =	stream.linear.gather [hbm4b:s4+s2], $0x10, $0x38;
	v63 =	vld [tilespmem:$0x0]  }
0xa8: {  	_ =	swait.ge [sflag:s25], $0x10  }
0xa9: {  	[sflag:s25] =	ssyncset.done $0x0  }
0xaa: {  	s7 =	simm.s32 $0x13F80;
	s4 =	rddreg [dreg:$0xb];
	[sflag:s25] =	ssyncadd.s32 $0xFFFFFFF0  }
0xab: {  	[tilespmem:s7], [sflag:$0xA] =	stream.linear.gather [hbm4b:s4+s2], $0x10, $0x38;
	v63 =	vld [tilespmem:$0x0]  }
0xac: {  	_ =	swait.ge [sflag:s25], $0x10  }
0xad: {  	[sflag:s25] =	ssyncset.done $0x0  }
0xae: {  	s4 =	simm.s32 $0x10;
	[sflag:s25] =	ssyncadd.s32 $0xFFFFFFF0  }
0xaf: {  	[tilespmem:s0], [sflag:$0x1] =	stream.indirect.gather [hbm4b:s3+s4], $0x80, s6, s4, $0xb8;
	v63 =	vld [tilespmem:$0x0]  }
0xb0: {  	_ =	swait.ge [sflag:s14], $0x800  }
0xb1: {  	[sflag:s14] =	ssyncset.done $0x0  }
0xb2: {  	[sflag:s14] =	ssyncadd.s32 $0xFFFFF800  }
0xb3: {  	[spmem:s1] =	stream.indirect.scatter.add.f32 [tilespmem:s0], [sflag:$0xA], $0x80, s7, s4, $0xb8;
	v63 =	vld [tilespmem:$0x0]  }
0xb4: {  	_ =	swait.ge [sflag:s25], $0x800  }
.Ltmp5:
0xb5: {  	[sflag:s25] =	ssyncset.done $0x0;
	(pc) =	sbr.rel @!p0 .LBB2_7-.Ltmp5, $4  }
0xb6: {  	[sflag:s25] =	ssyncadd.s32 $0xFFFFF800  }
0xb7: {  	s6 =	stileid.u32;
	[bflag:$0x0] =	sbarrier.arrive $0xFFFF  }
0xb8: {  	s31 =	sshll.u32 s6, $0x6;
	s7 =	rddreg [dreg:$0xc]  }
0xb9: {  	s30 =	sor.u32 $0x1C0A, s31;
	s6 =	sshrl.u32 s7, $0x3  }
0xba: {  	s30 =	sor.u32 $0x1C0A, s31;
	s4 =	rddreg [dreg:$0xe]  }
0xbb: {  	[hbm:s4], [sflag:s30] =	dma.local [spmem:s6], $0x2700  }
.Ltmp6:
0xbc: {  	_ = 	snop;
	(pc) =	sbr.rel @p1 .LBB2_10-.Ltmp6, $4  }
.Ltmp7:
0xbd: {  	_ = 	snop;
	(pc) =	sbr.rel @!p1 .LBB2_9-.Ltmp7, $4  }
0xbe: {  	_ =	swait.ge [sflag:s25], $0x2700  }
0xbf: {  	[sflag:s25] =	ssyncset.done $0x0;
	s31 =	rddreg [dreg:$0x4]  }
0xc0: {  	s7 =	rddreg [dreg:$0x1a];
	[sflag:s25] =	ssyncadd.s32 $0xFFFFD900  }
0xc1: {  	_ = 	snop  }
.LBB2_7:
0xc2: {  	s4 =	rddreg [dreg:$0xd]  }
0xc3: {  	[hbm:s4], [sflag:s30] =	dma.local [spmem:s6], $0x2700  }
.Ltmp8:
0xc4: {  	_ = 	snop;
	(pc) =	sbr.rel @!p2 .LBB2_10-.Ltmp8, $4  }
.Ltmp9:
0xc5: {  	_ = 	snop;
	(pc) =	sbr.rel @p2 .LBB2_9-.Ltmp9, $4  }
0xc6: {  	_ =	swait.ge [sflag:s25], $0x2700  }
0xc7: {  	[sflag:s25] =	ssyncset.done $0x0;
	s31 =	rddreg [dreg:$0x3]  }
0xc8: {  	s7 =	rddreg [dreg:$0x1a];
	[sflag:s25] =	ssyncadd.s32 $0xFFFFD900  }
0xc9: {  	_ = 	snop  }
.LBB2_11:
0xca: {  	_ =	sfence.sel $0x180000  }
0xcb: {  	[bflag:$0x0] =	sbarrier.arrive $0xFFFF  }
0xcc: {  	_ =	strace $0x9000004A  }
0xcd: {  	[bflag:$0x2] =	sbarrier.arrive $0xFFFF  }
0xce: {  	s0 =	rddreg [dreg:$0x2]  }
0xcf: {  	s0 =	sadd.s32 @!p1 $0x100000, s0  }
0xd0: {  	[sflag:s0] =	ssyncadd.tile.s32 @!p1 $0x1;
	_ =	shalt  }
.Lfunc_end2:
_tile_overlayer_lowered:
.L_overlay_start_2:
0xd1: {  	(tag) =	ssettag $0x2  }
0xd2: {  	s0 =	rddreg [dreg:$0x0];
	s2 =	stileid.u32  }
0xd3: {  	s1 =	rddreg [dreg:$0x1];
	p0 =	sne.s32 s2, $0x0  }
0xd4: {  	s3 =	rddreg [dreg:$0x2];
	[bflag:$0x3] =	sbarrier.arrive $0xFFFF;
	s2 =	simm.s32 @!p0 $0x1C0A  }
0xd5: {  	[timem:s3], [sflag:s2] =	dma.local @!p0 [hbm:s0], s1  }
0xd6: {  	s0 =	simm.s32 @!p0 $0xA  }
0xd7: {  	_ =	swait.ge @!p0 [sflag:s0], s1  }
0xd8: {  	s1 =	ssub.s32 @!p0 $0x0, s1;
	[sflag:s0] =	ssyncset.done @!p0 $0x0  }
0xd9: {  	[sflag:s0] =	ssyncadd.s32 @!p0 s1  }
0xda: {  	[bflag:$0x3] =	sbarrier.arrive $0xFFFF  }
0xdb: {  	_ =	shalt  }

</sc_bundles>
